<compile_context>
chip_gen: v7x
topology: tpu7x:2x2x1
jax: 0.10.2.dev20260603
libtpu: 0.0.44.dev20260713+nightly
codegen_flags: <defaults>
</compile_context>

<pallas_src>
import functools

import jax
import jax.numpy as jnp
from jax import lax
from jax.experimental import pallas as pl
from jax.experimental.pallas import tpu as pltpu
from jax.experimental.pallas import tpu_sc as plsc

N_NODES = 10000
N_EDGES = 320000
IN_DIM = 128
HIDDEN = 256

NC = 2
NS = 16
LANES = 16

W = 64
BLK = 128
N_PAD = 10496
E_PAD = 327680
NB_TOT = E_PAD // BLK
NB = NB_TOT // NS
STRIPE = N_PAD // NS


def _zero_rows(buf):
    zv = jnp.zeros((LANES,), jnp.float32)

    def body(i, carry):
        for j in range(W // LANES):
            buf[i, pl.ds(j * LANES, LANES)] = zv
        return carry

    lax.fori_loop(0, BLK, body, 0)


def _zero_stripe(agg, zrows, base):
    nfull = STRIPE // BLK
    rem = STRIPE - nfull * BLK
    for k in range(nfull):
        pltpu.sync_copy(zrows, agg.at[pl.ds(base + k * BLK, BLK)])
    if rem:
        pltpu.sync_copy(zrows.at[pl.ds(0, rem)], agg.at[pl.ds(base + nfull * BLK, rem)])


NBUF = 4


def _gather_scatter_loop(table, sidx, didx, rows, agg, sems, ssems):
    for b in range(NBUF - 1):
        pltpu.async_copy(table.at[sidx.at[b]], rows[b], sems[b])

    def body(it, carry):
        g = it * NBUF
        for b in range(NBUF):
            idx = g + b
            nxt = (b + NBUF - 1) % NBUF

            pltpu.make_async_copy(table.at[sidx.at[idx]], rows[b], sems[b]).wait()
            pltpu.make_async_copy(rows[b], agg.at[didx.at[idx]],
                                  ssems[b]).start(add=True)

            @pl.when(jnp.logical_and(idx >= 1, idx + NBUF - 1 < NB))
            def _():
                pltpu.make_async_copy(rows[nxt], agg.at[didx.at[idx - 1]],
                                      ssems[nxt]).wait()

            @pl.when(idx + NBUF - 1 < NB)
            def _():
                pltpu.async_copy(table.at[sidx.at[idx + NBUF - 1]],
                                 rows[nxt], sems[nxt])
        return carry

    lax.fori_loop(0, NB // NBUF, body, 0)
    for j in range(NBUF):
        pltpu.make_async_copy(rows[j], agg.at[didx.at[NB - NBUF + j]],
                              ssems[j]).wait()


def _quarter_pass(table, srcq_hbm, dstp_hbm, out_hbm, q, s,
                  sidx, didx, rows, agg, sems, ssems):
    base = s * STRIPE
    pltpu.sync_copy(srcq_hbm.at[q, pl.ds(s * NB, NB)], sidx)
    _zero_rows(rows[0])
    _zero_stripe(agg, rows[0], base)
    plsc.subcore_barrier()

    _gather_scatter_loop(table, sidx, didx, rows, agg, sems, ssems)

    plsc.subcore_barrier()
    pltpu.sync_copy(agg.at[pl.ds(base, STRIPE)], out_hbm.at[q, pl.ds(base, STRIPE)])


@functools.cache
def _sc_kernels():
    mesh = plsc.VectorSubcoreMesh(core_axis_name="c", subcore_axis_name="s",
                                  num_cores=NC, num_subcores=NS)

    scratch = (
        [pltpu.VMEM((NB, BLK), jnp.int32),
         pltpu.VMEM((NB, BLK), jnp.int32)]
        + [pltpu.VMEM((BLK, W), jnp.float32)] * NBUF
        + [pltpu.VMEM_SHARED((N_PAD, W), jnp.float32)]
        + [pltpu.SemaphoreType.DMA] * (2 * NBUF)
    )

    params = pltpu.CompilerParams(use_tc_tiling_on_sc=False)

    @functools.partial(
        pl.kernel,
        out_type=jax.ShapeDtypeStruct((2, N_PAD, W), jnp.float32),
        mesh=mesh, scratch_types=scratch, compiler_params=params)
    def sc_scatter_a(xq_hbm, srcq_hbm, dstp_hbm, out_hbm,
                     sidx, didx, r0, r1, r2, r3, agg,
                     m0, m1, m2, m3, n0, n1, n2, n3):
        c = lax.axis_index("c")
        s = lax.axis_index("s")
        pltpu.sync_copy(dstp_hbm.at[pl.ds(s * NB, NB)], didx)
        _quarter_pass(xq_hbm, srcq_hbm, dstp_hbm, out_hbm, c, s,
                      sidx, didx, (r0, r1, r2, r3), agg,
                      (m0, m1, m2, m3), (n0, n1, n2, n3))

    @functools.partial(
        pl.kernel,
        out_type=jax.ShapeDtypeStruct((4, N_PAD, W), jnp.float32),
        mesh=mesh, scratch_types=scratch, compiler_params=params)
    def sc_scatter_b(h1q_hbm, srcq_hbm, dstp_hbm, out_hbm,
                     sidx, didx, r0, r1, r2, r3, agg,
                     m0, m1, m2, m3, n0, n1, n2, n3):
        c = lax.axis_index("c")
        s = lax.axis_index("s")
        pltpu.sync_copy(dstp_hbm.at[pl.ds(s * NB, NB)], didx)
        _quarter_pass(h1q_hbm, srcq_hbm, dstp_hbm, out_hbm, 2 * c, s,
                      sidx, didx, (r0, r1, r2, r3), agg,
                      (m0, m1, m2, m3), (n0, n1, n2, n3))
        _quarter_pass(h1q_hbm, srcq_hbm, dstp_hbm, out_hbm, 2 * c + 1, s,
                      sidx, didx, (r0, r1, r2, r3), agg,
                      (m0, m1, m2, m3), (n0, n1, n2, n3))

    return sc_scatter_a, sc_scatter_b


ROWS_BLK = 400
NGRID = N_NODES // ROWS_BLK


def _tc1_body(x_ref, agg_ref, w1t_ref, b1_ref, w2tq_ref, b2q_ref,
              h1q_ref, pooled_ref):
    q = pl.program_id(0)
    i = pl.program_id(1)
    rst = x_ref[...] + jnp.concatenate([agg_ref[0], agg_ref[1]], axis=1)
    t = jnp.maximum(
        jnp.dot(rst, w1t_ref[...], preferred_element_type=jnp.float32) + b1_ref[...], 0.0)
    hh = jnp.dot(t, w2tq_ref[0], preferred_element_type=jnp.float32) + b2q_ref[0]
    h1q_ref[0] = jnp.maximum(hh, 0.0)

    @pl.when(jnp.logical_and(q == 0, i == 0))
    def _():
        pooled_ref[...] = jnp.zeros_like(pooled_ref)

    @pl.when(q == 0)
    def _():
        pooled_ref[...] += jnp.sum(x_ref[...], axis=0, keepdims=True)


def _tc1(x, agg_a, w1t, b1, w2tq, b2q):
    return pl.pallas_call(
        _tc1_body,
        grid=(4, NGRID),
        in_specs=[
            pl.BlockSpec((ROWS_BLK, IN_DIM), lambda q, i: (i, 0)),
            pl.BlockSpec((NC, ROWS_BLK, W), lambda q, i: (0, i, 0)),
            pl.BlockSpec((IN_DIM, HIDDEN), lambda q, i: (0, 0)),
            pl.BlockSpec((1, HIDDEN), lambda q, i: (0, 0)),
            pl.BlockSpec((1, HIDDEN, W), lambda q, i: (q, 0, 0)),
            pl.BlockSpec((1, 1, W), lambda q, i: (q, 0, 0)),
        ],
        out_specs=[
            pl.BlockSpec((1, ROWS_BLK, W), lambda q, i: (q, i, 0)),
            pl.BlockSpec((1, 128), lambda q, i: (0, 0)),
        ],
        out_shape=[
            jax.ShapeDtypeStruct((4, N_NODES, W), jnp.float32),
            jax.ShapeDtypeStruct((1, 128), jnp.float32),
        ],
    )(x, agg_a, w1t, b1, w2tq, b2q)


def _tc2_body(h1v_ref, agg_ref, w1t_ref, b1_ref, w2t_ref, b2_ref,
              pooled1_ref, pooled2_ref):
    i = pl.program_id(0)
    h1 = jnp.concatenate([h1v_ref[k] for k in range(4)], axis=1)
    rst = h1 + jnp.concatenate([agg_ref[k] for k in range(4)], axis=1)
    t = jnp.maximum(
        jnp.dot(rst, w1t_ref[...], preferred_element_type=jnp.float32) + b1_ref[...], 0.0)
    hh = jnp.dot(t, w2t_ref[...], preferred_element_type=jnp.float32) + b2_ref[...]
    h2 = jnp.maximum(hh, 0.0)

    @pl.when(i == 0)
    def _():
        pooled1_ref[...] = jnp.zeros_like(pooled1_ref)
        pooled2_ref[...] = jnp.zeros_like(pooled2_ref)

    pooled1_ref[...] += jnp.sum(h1, axis=0, keepdims=True)
    pooled2_ref[...] += jnp.sum(h2, axis=0, keepdims=True)


def _tc2(h1v, agg_b, w1t, b1, w2t, b2):
    return pl.pallas_call(
        _tc2_body,
        grid=(NGRID,),
        in_specs=[
            pl.BlockSpec((4, ROWS_BLK, W), lambda i: (0, i, 0)),
            pl.BlockSpec((4, ROWS_BLK, W), lambda i: (0, i, 0)),
            pl.BlockSpec((HIDDEN, HIDDEN), lambda i: (0, 0)),
            pl.BlockSpec((1, HIDDEN), lambda i: (0, 0)),
            pl.BlockSpec((HIDDEN, HIDDEN), lambda i: (0, 0)),
            pl.BlockSpec((1, HIDDEN), lambda i: (0, 0)),
        ],
        out_specs=[
            pl.BlockSpec((1, HIDDEN), lambda i: (0, 0)),
            pl.BlockSpec((1, HIDDEN), lambda i: (0, 0)),
        ],
        out_shape=[
            jax.ShapeDtypeStruct((1, HIDDEN), jnp.float32),
            jax.ShapeDtypeStruct((1, HIDDEN), jnp.float32),
        ],
    )(h1v, agg_b, w1t, b1, w2t, b2)


def _score_body(p0_ref, p1_ref, p2_ref, f0t_ref, f1t_ref, f2t_ref,
                b0_ref, b1_ref, b2_ref, out_ref):
    s = (jnp.dot(p0_ref[...], f0t_ref[...], preferred_element_type=jnp.float32)
         + jnp.dot(p1_ref[...], f1t_ref[...], preferred_element_type=jnp.float32)
         + jnp.dot(p2_ref[...], f2t_ref[...], preferred_element_type=jnp.float32)
         + b0_ref[...] + b1_ref[...] + b2_ref[...])
    norm = jnp.sqrt(jnp.sum(s * s))
    out_ref[...] = s / jnp.maximum(norm, 1e-12)


def _score(p0, p1, p2, f0t, f1t, f2t, b0, b1, b2):
    return pl.pallas_call(
        _score_body,
        out_shape=jax.ShapeDtypeStruct((1, 128), jnp.float32),
    )(p0, p1, p2, f0t, f1t, f2t, b0, b1, b2)


def kernel(x, edge_index,
           fc0_w, fc0_b, fc1_w, fc1_b, fc2_w, fc2_b,
           gin0_w1, gin0_b1, gin0_w2, gin0_b2,
           gin1_w1, gin1_b1, gin1_w2, gin1_b2):
    pad = E_PAD - N_EDGES
    src = edge_index[0].astype(jnp.int32)
    dst = edge_index[1].astype(jnp.int32)
    srcp = jnp.concatenate([src, jnp.zeros((pad,), jnp.int32)]).reshape(NB_TOT, BLK)
    dstp = jnp.concatenate([dst, jnp.full((pad,), N_NODES, jnp.int32)]).reshape(NB_TOT, BLK)
    srcq = jnp.stack([srcp + q * N_NODES for q in range(4)])

    xq = x.reshape(N_NODES, 2, W).transpose(1, 0, 2).reshape(2 * N_NODES, W)

    sc_a, sc_b = _sc_kernels()
    agg_a = sc_a(xq, srcq, dstp)

    h1v, pooled0 = _tc1(
        x, agg_a,
        gin0_w1.T, gin0_b1.reshape(1, HIDDEN),
        gin0_w2.T.reshape(HIDDEN, 4, W).transpose(1, 0, 2),
        gin0_b2.reshape(4, 1, W))

    agg_b = sc_b(h1v.reshape(4 * N_NODES, W), srcq, dstp)
    pooled1, pooled2 = _tc2(
        h1v, agg_b,
        gin1_w1.T, gin1_b1.reshape(1, HIDDEN),
        gin1_w2.T, gin1_b2.reshape(1, HIDDEN))

    return _score(
        pooled0, pooled1, pooled2,
        fc0_w.T, fc1_w.T, fc2_w.T,
        fc0_b.reshape(1, 128), fc1_b.reshape(1, 128), fc2_b.reshape(1, 128))

# --- scband reference (transcript-rebuilt; emitter-appended) ---
"""Pipeline reference for scband-gin-52209622450559 (READ-ONLY COPY).

The authoritative reference and input builder live on the scoring server;
editing this copy changes nothing except your own understanding.
"""

import jax, jax.numpy as jnp
import numpy as np

N_NODES = 10000
N_EDGES = 320000
IN_DIM = 128
HIDDEN = 256
OUT_DIM = 128


def _lin_params(key, fan_in, fan_out):
    kw, kb = jax.random.split(key)
    scale = 1.0 / np.sqrt(fan_in)
    w = jax.random.uniform(kw, (fan_out, fan_in), dtype=jnp.float32, minval=-scale, maxval=scale)
    b = jax.random.uniform(kb, (fan_out,), dtype=jnp.float32, minval=-scale, maxval=scale)
    return w, b


def setup_inputs(seed: int = 0) -> dict:
    key = jax.random.key(seed)
    ks = jax.random.split(key, 10)
    x = jax.random.normal(ks[0], (N_NODES, IN_DIM), dtype=jnp.float32)
    edge_index = jax.random.randint(ks[1], (2, N_EDGES), 0, N_NODES)
    # per-layer readout fcs: Linear(insz, OUT_DIM) with insz = IN_DIM, HIDDEN, HIDDEN
    fc0_w, fc0_b = _lin_params(ks[2], IN_DIM, OUT_DIM)
    fc1_w, fc1_b = _lin_params(ks[3], HIDDEN, OUT_DIM)
    fc2_w, fc2_b = _lin_params(ks[4], HIDDEN, OUT_DIM)
    # GINConv MLPs (2-layer): Linear(insz, HIDDEN) -> ReLU -> Linear(HIDDEN, HIDDEN)
    gin0_w1, gin0_b1 = _lin_params(ks[5], IN_DIM, HIDDEN)
    gin0_w2, gin0_b2 = _lin_params(ks[6], HIDDEN, HIDDEN)
    gin1_w1, gin1_b1 = _lin_params(ks[7], HIDDEN, HIDDEN)
    gin1_w2, gin1_b2 = _lin_params(ks[8], HIDDEN, HIDDEN)
    return {
        'x': x, 'edge_index': edge_index,
        'fc0_w': fc0_w, 'fc0_b': fc0_b,
        'fc1_w': fc1_w, 'fc1_b': fc1_b,
        'fc2_w': fc2_w, 'fc2_b': fc2_b,
        'gin0_w1': gin0_w1, 'gin0_b1': gin0_b1,
        'gin0_w2': gin0_w2, 'gin0_b2': gin0_b2,
        'gin1_w1': gin1_w1, 'gin1_b1': gin1_b1,
        'gin1_w2': gin1_w2, 'gin1_b2': gin1_b2,
    }


def reference(x, edge_index,
              fc0_w, fc0_b, fc1_w, fc1_b, fc2_w, fc2_b,
              gin0_w1, gin0_b1, gin0_w2, gin0_b2,
              gin1_w1, gin1_b1, gin1_w2, gin1_b2):
    src = edge_index[0]
    dst = edge_index[1]

    def gin_conv(h, w1, b1, w2, b2):
        # DGL GINConv, aggregator='sum', eps=0, no edge weight:
        # rst = (1 + eps) * h + scatter_add(h[src] -> dst)
        agg = jnp.zeros_like(h).at[dst].add(h[src])
        rst = h + agg
        hh = jax.nn.relu(rst @ w1.T + b1)
        hh = hh @ w2.T + b2
        return hh

    h = x
    # layer 0
    pooled = jnp.sum(h, axis=0, keepdims=True)
    score = pooled @ fc0_w.T + fc0_b
    h = jax.nn.relu(gin_conv(h, gin0_w1, gin0_b1, gin0_w2, gin0_b2))
    # layer 1
    pooled = jnp.sum(h, axis=0, keepdims=True)
    score = score + pooled @ fc1_w.T + fc1_b
    h = jax.nn.relu(gin_conv(h, gin1_w1, gin1_b1, gin1_w2, gin1_b2))
    # layer 2
    pooled = jnp.sum(h, axis=0, keepdims=True)
    score = score + pooled @ fc2_w.T + fc2_b
    # F.normalize(score) -> L2 normalize along dim=1 with eps 1e-12
    norm = jnp.sqrt(jnp.sum(score * score, axis=1, keepdims=True))
    return score / jnp.maximum(norm, 1e-12)

if __name__ == "__main__":
    import jax
    _d = setup_inputs()
    print(jax.jit(kernel)(*tuple(_d.values())))

</pallas_src>

<mosaic_0001>
#map = affine_map<(d0, d1) -> (0, 0)>
#map1 = affine_map<(d0, d1) -> (0, 0, 0)>
module attributes {stable_mosaic.version = 14 : i64} {
  func.func @sc_scatter_a(%arg0: i32, %arg1: i32, %arg2: memref<20000x64xf32, #tpu.memory_space<hbm>>, %arg3: memref<4x2560x128xi32, #tpu.memory_space<hbm>>, %arg4: memref<2560x128xi32, #tpu.memory_space<hbm>>, %arg5: memref<2x10496x64xf32, #tpu.memory_space<hbm>>, %arg6: memref<160x128xi32, #tpu.memory_space<vmem>>, %arg7: memref<160x128xi32, #tpu.memory_space<vmem>>, %arg8: memref<128x64xf32, #tpu.memory_space<vmem>>, %arg9: memref<128x64xf32, #tpu.memory_space<vmem>>, %arg10: memref<128x64xf32, #tpu.memory_space<vmem>>, %arg11: memref<128x64xf32, #tpu.memory_space<vmem>>, %arg12: memref<10496x64xf32, #tpu.memory_space<vmem_shared>>, %arg13: memref<!tpu.dma_semaphore, #tpu.memory_space<semaphore_mem>>, %arg14: memref<!tpu.dma_semaphore, #tpu.memory_space<semaphore_mem>>, %arg15: memref<!tpu.dma_semaphore, #tpu.memory_space<semaphore_mem>>, %arg16: memref<!tpu.dma_semaphore, #tpu.memory_space<semaphore_mem>>, %arg17: memref<!tpu.dma_semaphore, #tpu.memory_space<semaphore_mem>>, %arg18: memref<!tpu.dma_semaphore, #tpu.memory_space<semaphore_mem>>, %arg19: memref<!tpu.dma_semaphore, #tpu.memory_space<semaphore_mem>>, %arg20: memref<!tpu.dma_semaphore, #tpu.memory_space<semaphore_mem>>) attributes {dimension_semantics = [#tpu.dimension_semantics<core_parallel>, #tpu.dimension_semantics<subcore_parallel>], iteration_bounds = array<i64: 2, 16>, scalar_prefetch = 0 : i64, scratch_operands = 15 : i64, tpu.core_type = #tpu.core_type<sc_vector_subcore>, window_params = [{transform_indices = #map}, {transform_indices = #map1}, {transform_indices = #map}, {transform_indices = #map1}]} {
    %mul3A = arith.constant 160 : i32
    %mul3A_0 = arith.muli %arg1, %mul3A : i32
    "tpu.region"() ({
      %run_scoped3A = tpu.sem_alloc : memref<!tpu.dma_semaphore, #tpu.memory_space<semaphore_mem>>
      %dma_start3A_76 = arith.constant 0 : i32
      %dma_start3A_77 = tpu.memref_slice %arg4[%mul3A_0, %dma_start3A_76] : memref<2560x128xi32, #tpu.memory_space<hbm>> -> memref<160x128xi32, #tpu.memory_space<hbm>>
      %dma_start3A_78 = arith.constant 0 : i32
      %dma_start3A_79 = tpu.memref_slice %arg4[%mul3A_0, %dma_start3A_78] : memref<2560x128xi32, #tpu.memory_space<hbm>> -> memref<160x128xi32, #tpu.memory_space<hbm>>
      tpu.enqueue_dma source(%dma_start3A_79 : memref<160x128xi32, #tpu.memory_space<hbm>>) target(%arg7 : memref<160x128xi32, #tpu.memory_space<vmem>>) target_semaphore(%run_scoped3A : memref<!tpu.dma_semaphore, #tpu.memory_space<semaphore_mem>>)
      %dma_wait3A_80 = arith.constant 0 : i32
      %dma_wait3A_81 = tpu.memref_slice %arg4[%mul3A_0, %dma_wait3A_80] : memref<2560x128xi32, #tpu.memory_space<hbm>> -> memref<160x128xi32, #tpu.memory_space<hbm>>
      %dma_wait3A_82 = arith.constant 0 : i32
      %dma_wait3A_83 = tpu.memref_slice %arg4[%mul3A_0, %dma_wait3A_82] : memref<2560x128xi32, #tpu.memory_space<hbm>> -> memref<160x128xi32, #tpu.memory_space<hbm>>
      tpu.wait_dma2 semaphore(%run_scoped3A : memref<!tpu.dma_semaphore, #tpu.memory_space<semaphore_mem>>) src(%dma_wait3A_83 : memref<160x128xi32, #tpu.memory_space<hbm>>) dst(%arg7 : memref<160x128xi32, #tpu.memory_space<vmem>>)
      tpu.yield
    }) : () -> ()
    %mul3A_1 = arith.constant 656 : i32
    %mul3A_2 = arith.muli %arg1, %mul3A_1 : i32
    %mul3A_3 = arith.constant 160 : i32
    %mul3A_4 = arith.muli %arg1, %mul3A_3 : i32
    "tpu.region"() ({
      %run_scoped3A = tpu.sem_alloc : memref<!tpu.dma_semaphore, #tpu.memory_space<semaphore_mem>>
      %dma_start3A_76 = arith.constant 0 : i32
      %dma_start3A_77 = tpu.memref_slice %arg3[%arg0, %mul3A_4, %dma_start3A_76] : memref<4x2560x128xi32, #tpu.memory_space<hbm>> -> memref<1x160x128xi32, #tpu.memory_space<hbm>>
      %dma_start3A_78 = tpu.memref_squeeze %dma_start3A_77 : memref<1x160x128xi32, #tpu.memory_space<hbm>> -> memref<160x128xi32, #tpu.memory_space<hbm>>
      %dma_start3A_79 = arith.constant 0 : i32
      %dma_start3A_80 = tpu.memref_slice %arg3[%arg0, %mul3A_4, %dma_start3A_79] : memref<4x2560x128xi32, #tpu.memory_space<hbm>> -> memref<1x160x128xi32, #tpu.memory_space<hbm>>
      %dma_start3A_81 = tpu.memref_squeeze %dma_start3A_80 : memref<1x160x128xi32, #tpu.memory_space<hbm>> -> memref<160x128xi32, #tpu.memory_space<hbm>>
      tpu.enqueue_dma source(%dma_start3A_81 : memref<160x128xi32, #tpu.memory_space<hbm>>) target(%arg6 : memref<160x128xi32, #tpu.memory_space<vmem>>) target_semaphore(%run_scoped3A : memref<!tpu.dma_semaphore, #tpu.memory_space<semaphore_mem>>)
      %dma_wait3A_82 = arith.constant 0 : i32
      %dma_wait3A_83 = tpu.memref_slice %arg3[%arg0, %mul3A_4, %dma_wait3A_82] : memref<4x2560x128xi32, #tpu.memory_space<hbm>> -> memref<1x160x128xi32, #tpu.memory_space<hbm>>
      %dma_wait3A_84 = tpu.memref_squeeze %dma_wait3A_83 : memref<1x160x128xi32, #tpu.memory_space<hbm>> -> memref<160x128xi32, #tpu.memory_space<hbm>>
      %dma_wait3A_85 = arith.constant 0 : i32
      %dma_wait3A_86 = tpu.memref_slice %arg3[%arg0, %mul3A_4, %dma_wait3A_85] : memref<4x2560x128xi32, #tpu.memory_space<hbm>> -> memref<1x160x128xi32, #tpu.memory_space<hbm>>
      %dma_wait3A_87 = tpu.memref_squeeze %dma_wait3A_86 : memref<1x160x128xi32, #tpu.memory_space<hbm>> -> memref<160x128xi32, #tpu.memory_space<hbm>>
      tpu.wait_dma2 semaphore(%run_scoped3A : memref<!tpu.dma_semaphore, #tpu.memory_space<semaphore_mem>>) src(%dma_wait3A_87 : memref<160x128xi32, #tpu.memory_space<hbm>>) dst(%arg6 : memref<160x128xi32, #tpu.memory_space<vmem>>)
      tpu.yield
    }) : () -> ()
    %broadcast_in_dim3A = arith.constant 0.000000e+00 : f32
    %broadcast_in_dim3A_5 = vector.broadcast %broadcast_in_dim3A : f32 to vector<16xf32>
    %scan3A = arith.constant 0 : i32
    %scan3A_6 = arith.constant 0 : i32
    %scan3A_7 = arith.constant 128 : i32
    %scan3A_8 = arith.addi %scan3A_6, %scan3A_7 : i32
    %scan3A_9 = arith.constant 1 : i32
    scf.for %scan3A_76 = %scan3A_6 to %scan3A_8 step %scan3A_9  : i32 {
      %swap3A = arith.index_cast %scan3A_76 : i32 to index
      %swap3A_77 = arith.constant 0 : index
      %swap3A_78 = tpu.vector_load %arg8[%swap3A, %swap3A_77] {strides = array<i32>} : memref<128x64xf32, #tpu.memory_space<vmem>>, vector<1x16xf32>,
      %swap3A_79 = vector.shape_cast %swap3A_78 : vector<1x16xf32> to vector<16xf32>
      %swap3A_80 = vector.shape_cast %broadcast_in_dim3A_5 : vector<16xf32> to vector<1x16xf32>
      tpu.vector_store %arg8[%swap3A, %swap3A_77], %swap3A_80 {strides = array<i32>} : memref<128x64xf32, #tpu.memory_space<vmem>>, vector<1x16xf32>,
      %swap3A_81 = arith.index_cast %scan3A_76 : i32 to index
      %swap3A_82 = arith.constant 16 : index
      %swap3A_83 = tpu.vector_load %arg8[%swap3A_81, %swap3A_82] {strides = array<i32>} : memref<128x64xf32, #tpu.memory_space<vmem>>, vector<1x16xf32>,
      %swap3A_84 = vector.shape_cast %swap3A_83 : vector<1x16xf32> to vector<16xf32>
      %swap3A_85 = vector.shape_cast %broadcast_in_dim3A_5 : vector<16xf32> to vector<1x16xf32>
      tpu.vector_store %arg8[%swap3A_81, %swap3A_82], %swap3A_85 {strides = array<i32>} : memref<128x64xf32, #tpu.memory_space<vmem>>, vector<1x16xf32>,
      %swap3A_86 = arith.index_cast %scan3A_76 : i32 to index
      %swap3A_87 = arith.constant 32 : index
      %swap3A_88 = tpu.vector_load %arg8[%swap3A_86, %swap3A_87] {strides = array<i32>} : memref<128x64xf32, #tpu.memory_space<vmem>>, vector<1x16xf32>,
      %swap3A_89 = vector.shape_cast %swap3A_88 : vector<1x16xf32> to vector<16xf32>
      %swap3A_90 = vector.shape_cast %broadcast_in_dim3A_5 : vector<16xf32> to vector<1x16xf32>
      tpu.vector_store %arg8[%swap3A_86, %swap3A_87], %swap3A_90 {strides = array<i32>} : memref<128x64xf32, #tpu.memory_space<vmem>>, vector<1x16xf32>,
      %swap3A_91 = arith.index_cast %scan3A_76 : i32 to index
      %swap3A_92 = arith.constant 48 : index
      %swap3A_93 = tpu.vector_load %arg8[%swap3A_91, %swap3A_92] {strides = array<i32>} : memref<128x64xf32, #tpu.memory_space<vmem>>, vector<1x16xf32>,
      %swap3A_94 = vector.shape_cast %swap3A_93 : vector<1x16xf32> to vector<16xf32>
      %swap3A_95 = vector.shape_cast %broadcast_in_dim3A_5 : vector<16xf32> to vector<1x16xf32>
      tpu.vector_store %arg8[%swap3A_91, %swap3A_92], %swap3A_95 {strides = array<i32>} : memref<128x64xf32, #tpu.memory_space<vmem>>, vector<1x16xf32>,
    }
    %scan3A_10 = arith.constant 128 : i32
    %add3A = arith.constant 0 : i32
    %add3A_11 = arith.addi %mul3A_2, %add3A : i32
    "tpu.region"() ({
      %run_scoped3A = tpu.sem_alloc : memref<!tpu.dma_semaphore, #tpu.memory_space<semaphore_mem>>
      %dma_start3A_76 = arith.constant 0 : i32
      %dma_start3A_77 = tpu.memref_slice %arg12[%add3A_11, %dma_start3A_76] : memref<10496x64xf32, #tpu.memory_space<vmem_shared>> -> memref<128x64xf32, #tpu.memory_space<vmem_shared>>
      %dma_start3A_78 = arith.constant 0 : i32
      %dma_start3A_79 = tpu.memref_slice %arg12[%add3A_11, %dma_start3A_78] : memref<10496x64xf32, #tpu.memory_space<vmem_shared>> -> memref<128x64xf32, #tpu.memory_space<vmem_shared>>
      tpu.enqueue_dma source(%arg8 : memref<128x64xf32, #tpu.memory_space<vmem>>) target(%dma_start3A_79 : memref<128x64xf32, #tpu.memory_space<vmem_shared>>) target_semaphore(%run_scoped3A : memref<!tpu.dma_semaphore, #tpu.memory_space<semaphore_mem>>)
      %dma_wait3A_80 = arith.constant 0 : i32
      %dma_wait3A_81 = tpu.memref_slice %arg12[%add3A_11, %dma_wait3A_80] : memref<10496x64xf32, #tpu.memory_space<vmem_shared>> -> memref<128x64xf32, #tpu.memory_space<vmem_shared>>
      %dma_wait3A_82 = arith.constant 0 : i32
      %dma_wait3A_83 = tpu.memref_slice %arg12[%add3A_11, %dma_wait3A_82] : memref<10496x64xf32, #tpu.memory_space<vmem_shared>> -> memref<128x64xf32, #tpu.memory_space<vmem_shared>>
      tpu.wait_dma2 semaphore(%run_scoped3A : memref<!tpu.dma_semaphore, #tpu.memory_space<semaphore_mem>>) src(%arg8 : memref<128x64xf32, #tpu.memory_space<vmem>>) dst(%dma_wait3A_83 : memref<128x64xf32, #tpu.memory_space<vmem_shared>>)
      tpu.yield
    }) : () -> ()
    %add3A_12 = arith.constant 128 : i32
    %add3A_13 = arith.addi %mul3A_2, %add3A_12 : i32
    "tpu.region"() ({
      %run_scoped3A = tpu.sem_alloc : memref<!tpu.dma_semaphore, #tpu.memory_space<semaphore_mem>>
      %dma_start3A_76 = arith.constant 0 : i32
      %dma_start3A_77 = tpu.memref_slice %arg12[%add3A_13, %dma_start3A_76] : memref<10496x64xf32, #tpu.memory_space<vmem_shared>> -> memref<128x64xf32, #tpu.memory_space<vmem_shared>>
      %dma_start3A_78 = arith.constant 0 : i32
      %dma_start3A_79 = tpu.memref_slice %arg12[%add3A_13, %dma_start3A_78] : memref<10496x64xf32, #tpu.memory_space<vmem_shared>> -> memref<128x64xf32, #tpu.memory_space<vmem_shared>>
      tpu.enqueue_dma source(%arg8 : memref<128x64xf32, #tpu.memory_space<vmem>>) target(%dma_start3A_79 : memref<128x64xf32, #tpu.memory_space<vmem_shared>>) target_semaphore(%run_scoped3A : memref<!tpu.dma_semaphore, #tpu.memory_space<semaphore_mem>>)
      %dma_wait3A_80 = arith.constant 0 : i32
      %dma_wait3A_81 = tpu.memref_slice %arg12[%add3A_13, %dma_wait3A_80] : memref<10496x64xf32, #tpu.memory_space<vmem_shared>> -> memref<128x64xf32, #tpu.memory_space<vmem_shared>>
      %dma_wait3A_82 = arith.constant 0 : i32
      %dma_wait3A_83 = tpu.memref_slice %arg12[%add3A_13, %dma_wait3A_82] : memref<10496x64xf32, #tpu.memory_space<vmem_shared>> -> memref<128x64xf32, #tpu.memory_space<vmem_shared>>
      tpu.wait_dma2 semaphore(%run_scoped3A : memref<!tpu.dma_semaphore, #tpu.memory_space<semaphore_mem>>) src(%arg8 : memref<128x64xf32, #tpu.memory_space<vmem>>) dst(%dma_wait3A_83 : memref<128x64xf32, #tpu.memory_space<vmem_shared>>)
      tpu.yield
    }) : () -> ()
    %add3A_14 = arith.constant 256 : i32
    %add3A_15 = arith.addi %mul3A_2, %add3A_14 : i32
    "tpu.region"() ({
      %run_scoped3A = tpu.sem_alloc : memref<!tpu.dma_semaphore, #tpu.memory_space<semaphore_mem>>
      %dma_start3A_76 = arith.constant 0 : i32
      %dma_start3A_77 = tpu.memref_slice %arg12[%add3A_15, %dma_start3A_76] : memref<10496x64xf32, #tpu.memory_space<vmem_shared>> -> memref<128x64xf32, #tpu.memory_space<vmem_shared>>
      %dma_start3A_78 = arith.constant 0 : i32
      %dma_start3A_79 = tpu.memref_slice %arg12[%add3A_15, %dma_start3A_78] : memref<10496x64xf32, #tpu.memory_space<vmem_shared>> -> memref<128x64xf32, #tpu.memory_space<vmem_shared>>
      tpu.enqueue_dma source(%arg8 : memref<128x64xf32, #tpu.memory_space<vmem>>) target(%dma_start3A_79 : memref<128x64xf32, #tpu.memory_space<vmem_shared>>) target_semaphore(%run_scoped3A : memref<!tpu.dma_semaphore, #tpu.memory_space<semaphore_mem>>)
      %dma_wait3A_80 = arith.constant 0 : i32
      %dma_wait3A_81 = tpu.memref_slice %arg12[%add3A_15, %dma_wait3A_80] : memref<10496x64xf32, #tpu.memory_space<vmem_shared>> -> memref<128x64xf32, #tpu.memory_space<vmem_shared>>
      %dma_wait3A_82 = arith.constant 0 : i32
      %dma_wait3A_83 = tpu.memref_slice %arg12[%add3A_15, %dma_wait3A_82] : memref<10496x64xf32, #tpu.memory_space<vmem_shared>> -> memref<128x64xf32, #tpu.memory_space<vmem_shared>>
      tpu.wait_dma2 semaphore(%run_scoped3A : memref<!tpu.dma_semaphore, #tpu.memory_space<semaphore_mem>>) src(%arg8 : memref<128x64xf32, #tpu.memory_space<vmem>>) dst(%dma_wait3A_83 : memref<128x64xf32, #tpu.memory_space<vmem_shared>>)
      tpu.yield
    }) : () -> ()
    %add3A_16 = arith.constant 384 : i32
    %add3A_17 = arith.addi %mul3A_2, %add3A_16 : i32
    "tpu.region"() ({
      %run_scoped3A = tpu.sem_alloc : memref<!tpu.dma_semaphore, #tpu.memory_space<semaphore_mem>>
      %dma_start3A_76 = arith.constant 0 : i32
      %dma_start3A_77 = tpu.memref_slice %arg12[%add3A_17, %dma_start3A_76] : memref<10496x64xf32, #tpu.memory_space<vmem_shared>> -> memref<128x64xf32, #tpu.memory_space<vmem_shared>>
      %dma_start3A_78 = arith.constant 0 : i32
      %dma_start3A_79 = tpu.memref_slice %arg12[%add3A_17, %dma_start3A_78] : memref<10496x64xf32, #tpu.memory_space<vmem_shared>> -> memref<128x64xf32, #tpu.memory_space<vmem_shared>>
      tpu.enqueue_dma source(%arg8 : memref<128x64xf32, #tpu.memory_space<vmem>>) target(%dma_start3A_79 : memref<128x64xf32, #tpu.memory_space<vmem_shared>>) target_semaphore(%run_scoped3A : memref<!tpu.dma_semaphore, #tpu.memory_space<semaphore_mem>>)
      %dma_wait3A_80 = arith.constant 0 : i32
      %dma_wait3A_81 = tpu.memref_slice %arg12[%add3A_17, %dma_wait3A_80] : memref<10496x64xf32, #tpu.memory_space<vmem_shared>> -> memref<128x64xf32, #tpu.memory_space<vmem_shared>>
      %dma_wait3A_82 = arith.constant 0 : i32
      %dma_wait3A_83 = tpu.memref_slice %arg12[%add3A_17, %dma_wait3A_82] : memref<10496x64xf32, #tpu.memory_space<vmem_shared>> -> memref<128x64xf32, #tpu.memory_space<vmem_shared>>
      tpu.wait_dma2 semaphore(%run_scoped3A : memref<!tpu.dma_semaphore, #tpu.memory_space<semaphore_mem>>) src(%arg8 : memref<128x64xf32, #tpu.memory_space<vmem>>) dst(%dma_wait3A_83 : memref<128x64xf32, #tpu.memory_space<vmem_shared>>)
      tpu.yield
    }) : () -> ()
    %add3A_18 = arith.constant 512 : i32
    %add3A_19 = arith.addi %mul3A_2, %add3A_18 : i32
    "tpu.region"() ({
      %run_scoped3A = tpu.sem_alloc : memref<!tpu.dma_semaphore, #tpu.memory_space<semaphore_mem>>
      %dma_start3A_76 = arith.constant 0 : i32
      %dma_start3A_77 = tpu.memref_slice %arg12[%add3A_19, %dma_start3A_76] : memref<10496x64xf32, #tpu.memory_space<vmem_shared>> -> memref<128x64xf32, #tpu.memory_space<vmem_shared>>
      %dma_start3A_78 = arith.constant 0 : i32
      %dma_start3A_79 = tpu.memref_slice %arg12[%add3A_19, %dma_start3A_78] : memref<10496x64xf32, #tpu.memory_space<vmem_shared>> -> memref<128x64xf32, #tpu.memory_space<vmem_shared>>
      tpu.enqueue_dma source(%arg8 : memref<128x64xf32, #tpu.memory_space<vmem>>) target(%dma_start3A_79 : memref<128x64xf32, #tpu.memory_space<vmem_shared>>) target_semaphore(%run_scoped3A : memref<!tpu.dma_semaphore, #tpu.memory_space<semaphore_mem>>)
      %dma_wait3A_80 = arith.constant 0 : i32
      %dma_wait3A_81 = tpu.memref_slice %arg12[%add3A_19, %dma_wait3A_80] : memref<10496x64xf32, #tpu.memory_space<vmem_shared>> -> memref<128x64xf32, #tpu.memory_space<vmem_shared>>
      %dma_wait3A_82 = arith.constant 0 : i32
      %dma_wait3A_83 = tpu.memref_slice %arg12[%add3A_19, %dma_wait3A_82] : memref<10496x64xf32, #tpu.memory_space<vmem_shared>> -> memref<128x64xf32, #tpu.memory_space<vmem_shared>>
      tpu.wait_dma2 semaphore(%run_scoped3A : memref<!tpu.dma_semaphore, #tpu.memory_space<semaphore_mem>>) src(%arg8 : memref<128x64xf32, #tpu.memory_space<vmem>>) dst(%dma_wait3A_83 : memref<128x64xf32, #tpu.memory_space<vmem_shared>>)
      tpu.yield
    }) : () -> ()
    %add3A_20 = arith.constant 640 : i32
    %add3A_21 = arith.addi %mul3A_2, %add3A_20 : i32
    "tpu.region"() ({
      %run_scoped3A = tpu.sem_alloc : memref<!tpu.dma_semaphore, #tpu.memory_space<semaphore_mem>>
      %dma_start3A_76 = arith.constant 0 : i32
      %dma_start3A_77 = arith.constant 0 : i32
      %dma_start3A_78 = tpu.memref_slice %arg8[%dma_start3A_76, %dma_start3A_77] : memref<128x64xf32, #tpu.memory_space<vmem>> -> memref<16x64xf32, #tpu.memory_space<vmem>>
      %dma_start3A_79 = arith.constant 0 : i32
      %dma_start3A_80 = tpu.memref_slice %arg12[%add3A_21, %dma_start3A_79] : memref<10496x64xf32, #tpu.memory_space<vmem_shared>> -> memref<16x64xf32, #tpu.memory_space<vmem_shared>>
      %dma_start3A_81 = arith.constant 0 : i32
      %dma_start3A_82 = tpu.memref_slice %arg12[%add3A_21, %dma_start3A_81] : memref<10496x64xf32, #tpu.memory_space<vmem_shared>> -> memref<16x64xf32, #tpu.memory_space<vmem_shared>>
      %dma_start3A_83 = arith.constant 0 : i32
      %dma_start3A_84 = arith.constant 0 : i32
      %dma_start3A_85 = tpu.memref_slice %arg8[%dma_start3A_83, %dma_start3A_84] : memref<128x64xf32, #tpu.memory_space<vmem>> -> memref<16x64xf32, #tpu.memory_space<vmem>>
      tpu.enqueue_dma source(%dma_start3A_85 : memref<16x64xf32, #tpu.memory_space<vmem>>) target(%dma_start3A_82 : memref<16x64xf32, #tpu.memory_space<vmem_shared>>) target_semaphore(%run_scoped3A : memref<!tpu.dma_semaphore, #tpu.memory_space<semaphore_mem>>)
      %dma_wait3A_86 = arith.constant 0 : i32
      %dma_wait3A_87 = arith.constant 0 : i32
      %dma_wait3A_88 = tpu.memref_slice %arg8[%dma_wait3A_86, %dma_wait3A_87] : memref<128x64xf32, #tpu.memory_space<vmem>> -> memref<16x64xf32, #tpu.memory_space<vmem>>
      %dma_wait3A_89 = arith.constant 0 : i32
      %dma_wait3A_90 = tpu.memref_slice %arg12[%add3A_21, %dma_wait3A_89] : memref<10496x64xf32, #tpu.memory_space<vmem_shared>> -> memref<16x64xf32, #tpu.memory_space<vmem_shared>>
      %dma_wait3A_91 = arith.constant 0 : i32
      %dma_wait3A_92 = tpu.memref_slice %arg12[%add3A_21, %dma_wait3A_91] : memref<10496x64xf32, #tpu.memory_space<vmem_shared>> -> memref<16x64xf32, #tpu.memory_space<vmem_shared>>
      %dma_wait3A_93 = arith.constant 0 : i32
      %dma_wait3A_94 = arith.constant 0 : i32
      %dma_wait3A_95 = tpu.memref_slice %arg8[%dma_wait3A_93, %dma_wait3A_94] : memref<128x64xf32, #tpu.memory_space<vmem>> -> memref<16x64xf32, #tpu.memory_space<vmem>>
      tpu.wait_dma2 semaphore(%run_scoped3A : memref<!tpu.dma_semaphore, #tpu.memory_space<semaphore_mem>>) src(%dma_wait3A_95 : memref<16x64xf32, #tpu.memory_space<vmem>>) dst(%dma_wait3A_92 : memref<16x64xf32, #tpu.memory_space<vmem_shared>>)
      tpu.yield
    }) : () -> ()
    %barrier3A = arith.constant 0 : index
    tpu.barrier barrier_id(%barrier3A)
    %dma_start3A = arith.constant 0 : i32
    %dma_start3A_22 = arith.constant 0 : i32
    %dma_start3A_23 = tpu.memref_slice %arg6[%dma_start3A, %dma_start3A_22] : memref<160x128xi32, #tpu.memory_space<vmem>> -> memref<1x128xi32, #tpu.memory_space<vmem>>
    %dma_start3A_24 = tpu.memref_squeeze %dma_start3A_23 : memref<1x128xi32, #tpu.memory_space<vmem>> -> memref<128xi32, #tpu.memory_space<vmem>>
    %dma_start3A_25 = arith.constant 0 : i32
    %dma_start3A_26 = arith.constant 0 : i32
    %dma_start3A_27 = tpu.memref_slice %arg2[%dma_start3A_25, %dma_start3A_26] : memref<20000x64xf32, #tpu.memory_space<hbm>> -> memref<20000x64xf32, #tpu.memory_space<hbm>>
    tpu.enqueue_indirect_dma source(%dma_start3A_27 : memref<20000x64xf32, #tpu.memory_space<hbm>>) target(%arg8 : memref<128x64xf32, #tpu.memory_space<vmem>>) offsets(%dma_start3A_24 : memref<128xi32, #tpu.memory_space<vmem>>) semaphore(%arg13 : memref<!tpu.dma_semaphore, #tpu.memory_space<semaphore_mem>>)
    %dma_start3A_28 = arith.constant 1 : i32
    %dma_start3A_29 = arith.constant 0 : i32
    %dma_start3A_30 = tpu.memref_slice %arg6[%dma_start3A_28, %dma_start3A_29] : memref<160x128xi32, #tpu.memory_space<vmem>> -> memref<1x128xi32, #tpu.memory_space<vmem>>
    %dma_start3A_31 = tpu.memref_squeeze %dma_start3A_30 : memref<1x128xi32, #tpu.memory_space<vmem>> -> memref<128xi32, #tpu.memory_space<vmem>>
    %dma_start3A_32 = arith.constant 0 : i32
    %dma_start3A_33 = arith.constant 0 : i32
    %dma_start3A_34 = tpu.memref_slice %arg2[%dma_start3A_32, %dma_start3A_33] : memref<20000x64xf32, #tpu.memory_space<hbm>> -> memref<20000x64xf32, #tpu.memory_space<hbm>>
    tpu.enqueue_indirect_dma source(%dma_start3A_34 : memref<20000x64xf32, #tpu.memory_space<hbm>>) target(%arg9 : memref<128x64xf32, #tpu.memory_space<vmem>>) offsets(%dma_start3A_31 : memref<128xi32, #tpu.memory_space<vmem>>) semaphore(%arg14 : memref<!tpu.dma_semaphore, #tpu.memory_space<semaphore_mem>>)
    %dma_start3A_35 = arith.constant 2 : i32
    %dma_start3A_36 = arith.constant 0 : i32
    %dma_start3A_37 = tpu.memref_slice %arg6[%dma_start3A_35, %dma_start3A_36] : memref<160x128xi32, #tpu.memory_space<vmem>> -> memref<1x128xi32, #tpu.memory_space<vmem>>
    %dma_start3A_38 = tpu.memref_squeeze %dma_start3A_37 : memref<1x128xi32, #tpu.memory_space<vmem>> -> memref<128xi32, #tpu.memory_space<vmem>>
    %dma_start3A_39 = arith.constant 0 : i32
    %dma_start3A_40 = arith.constant 0 : i32
    %dma_start3A_41 = tpu.memref_slice %arg2[%dma_start3A_39, %dma_start3A_40] : memref<20000x64xf32, #tpu.memory_space<hbm>> -> memref<20000x64xf32, #tpu.memory_space<hbm>>
    tpu.enqueue_indirect_dma source(%dma_start3A_41 : memref<20000x64xf32, #tpu.memory_space<hbm>>) target(%arg10 : memref<128x64xf32, #tpu.memory_space<vmem>>) offsets(%dma_start3A_38 : memref<128xi32, #tpu.memory_space<vmem>>) semaphore(%arg15 : memref<!tpu.dma_semaphore, #tpu.memory_space<semaphore_mem>>)
    %scan3A_42 = arith.constant 0 : i32
    %scan3A_43 = arith.constant 0 : i32
    %scan3A_44 = arith.constant 40 : i32
    %scan3A_45 = arith.addi %scan3A_43, %scan3A_44 : i32
    %scan3A_46 = arith.constant 1 : i32
    scf.for %scan3A_76 = %scan3A_43 to %scan3A_45 step %scan3A_46  : i32 {
      %mul3A_77 = arith.constant 4 : i32
      %mul3A_78 = arith.muli %scan3A_76, %mul3A_77 : i32
      %add3A_79 = arith.constant 0 : i32
      %add3A_80 = arith.addi %mul3A_78, %add3A_79 : i32
      %dma_wait3A_81 = arith.constant 0 : i32
      %dma_wait3A_82 = tpu.memref_slice %arg6[%add3A_80, %dma_wait3A_81] : memref<160x128xi32, #tpu.memory_space<vmem>> -> memref<1x128xi32, #tpu.memory_space<vmem>>
      %dma_wait3A_83 = tpu.memref_squeeze %dma_wait3A_82 : memref<1x128xi32, #tpu.memory_space<vmem>> -> memref<128xi32, #tpu.memory_space<vmem>>
      %dma_wait3A_84 = arith.constant 0 : i32
      %dma_wait3A_85 = arith.constant 0 : i32
      %dma_wait3A_86 = tpu.memref_slice %arg2[%dma_wait3A_84, %dma_wait3A_85] : memref<20000x64xf32, #tpu.memory_space<hbm>> -> memref<20000x64xf32, #tpu.memory_space<hbm>>
      tpu.wait_indirect_dma semaphore(%arg13 : memref<!tpu.dma_semaphore, #tpu.memory_space<semaphore_mem>>) src(%dma_wait3A_86 : memref<20000x64xf32, #tpu.memory_space<hbm>>) dst(%arg8 : memref<128x64xf32, #tpu.memory_space<vmem>>)
      %dma_start3A_87 = arith.constant 0 : i32
      %dma_start3A_88 = tpu.memref_slice %arg7[%add3A_80, %dma_start3A_87] : memref<160x128xi32, #tpu.memory_space<vmem>> -> memref<1x128xi32, #tpu.memory_space<vmem>>
      %dma_start3A_89 = tpu.memref_squeeze %dma_start3A_88 : memref<1x128xi32, #tpu.memory_space<vmem>> -> memref<128xi32, #tpu.memory_space<vmem>>
      %dma_start3A_90 = arith.constant 0 : i32
      %dma_start3A_91 = arith.constant 0 : i32
      %dma_start3A_92 = tpu.memref_slice %arg12[%dma_start3A_90, %dma_start3A_91] : memref<10496x64xf32, #tpu.memory_space<vmem_shared>> -> memref<10496x64xf32, #tpu.memory_space<vmem_shared>>
      tpu.enqueue_indirect_dma source(%arg8 : memref<128x64xf32, #tpu.memory_space<vmem>>) target(%dma_start3A_92 : memref<10496x64xf32, #tpu.memory_space<vmem_shared>>) offsets(%dma_start3A_89 : memref<128xi32, #tpu.memory_space<vmem>>) semaphore(%arg17 : memref<!tpu.dma_semaphore, #tpu.memory_space<semaphore_mem>>) {add = true}
      %ge3A = arith.constant 1 : i32
      %ge3A_93 = arith.cmpi sge, %add3A_80, %ge3A : i32
      %add3A_94 = arith.constant 4 : i32
      %add3A_95 = arith.addi %add3A_80, %add3A_94 : i32
      %sub3A = arith.constant 1 : i32
      %sub3A_96 = arith.subi %add3A_95, %sub3A : i32
      %lt3A = arith.constant 160 : i32
      %lt3A_97 = arith.cmpi slt, %sub3A_96, %lt3A : i32
      %and3A = arith.andi %ge3A_93, %lt3A_97 : i1
      %convert_element_type3A = arith.extui %and3A : i1 to i32
      %cond3A = arith.constant 0 : i32
      %cond3A_98 = arith.cmpi ne, %convert_element_type3A, %cond3A : i32
      scf.if %cond3A_98 {
        %sub3A_213 = arith.constant 1 : i32
        %sub3A_214 = arith.subi %add3A_80, %sub3A_213 : i32
        %dma_wait3A_215 = arith.constant 0 : i32
        %dma_wait3A_216 = tpu.memref_slice %arg7[%sub3A_214, %dma_wait3A_215] : memref<160x128xi32, #tpu.memory_space<vmem>> -> memref<1x128xi32, #tpu.memory_space<vmem>>
        %dma_wait3A_217 = tpu.memref_squeeze %dma_wait3A_216 : memref<1x128xi32, #tpu.memory_space<vmem>> -> memref<128xi32, #tpu.memory_space<vmem>>
        %dma_wait3A_218 = arith.constant 0 : i32
        %dma_wait3A_219 = arith.constant 0 : i32
        %dma_wait3A_220 = tpu.memref_slice %arg12[%dma_wait3A_218, %dma_wait3A_219] : memref<10496x64xf32, #tpu.memory_space<vmem_shared>> -> memref<10496x64xf32, #tpu.memory_space<vmem_shared>>
        tpu.wait_indirect_dma semaphore(%arg20 : memref<!tpu.dma_semaphore, #tpu.memory_space<semaphore_mem>>) src(%arg11 : memref<128x64xf32, #tpu.memory_space<vmem>>) dst(%dma_wait3A_220 : memref<10496x64xf32, #tpu.memory_space<vmem_shared>>)
      } else {
      }
      %add3A_99 = arith.constant 4 : i32
      %add3A_100 = arith.addi %add3A_80, %add3A_99 : i32
      %sub3A_101 = arith.constant 1 : i32
      %sub3A_102 = arith.subi %add3A_100, %sub3A_101 : i32
      %lt3A_103 = arith.constant 160 : i32
      %lt3A_104 = arith.cmpi slt, %sub3A_102, %lt3A_103 : i32
      %convert_element_type3A_105 = arith.extui %lt3A_104 : i1 to i32
      %cond3A_106 = arith.constant 0 : i32
      %cond3A_107 = arith.cmpi ne, %convert_element_type3A_105, %cond3A_106 : i32
      scf.if %cond3A_107 {
        %add3A_213 = arith.constant 4 : i32
        %add3A_214 = arith.addi %add3A_80, %add3A_213 : i32
        %sub3A_215 = arith.constant 1 : i32
        %sub3A_216 = arith.subi %add3A_214, %sub3A_215 : i32
        %dma_start3A_217 = arith.constant 0 : i32
        %dma_start3A_218 = tpu.memref_slice %arg6[%sub3A_216, %dma_start3A_217] : memref<160x128xi32, #tpu.memory_space<vmem>> -> memref<1x128xi32, #tpu.memory_space<vmem>>
        %dma_start3A_219 = tpu.memref_squeeze %dma_start3A_218 : memref<1x128xi32, #tpu.memory_space<vmem>> -> memref<128xi32, #tpu.memory_space<vmem>>
        %dma_start3A_220 = arith.constant 0 : i32
        %dma_start3A_221 = arith.constant 0 : i32
        %dma_start3A_222 = tpu.memref_slice %arg2[%dma_start3A_220, %dma_start3A_221] : memref<20000x64xf32, #tpu.memory_space<hbm>> -> memref<20000x64xf32, #tpu.memory_space<hbm>>
        tpu.enqueue_indirect_dma source(%dma_start3A_222 : memref<20000x64xf32, #tpu.memory_space<hbm>>) target(%arg11 : memref<128x64xf32, #tpu.memory_space<vmem>>) offsets(%dma_start3A_219 : memref<128xi32, #tpu.memory_space<vmem>>) semaphore(%arg16 : memref<!tpu.dma_semaphore, #tpu.memory_space<semaphore_mem>>)
      } else {
      }
      %add3A_108 = arith.constant 1 : i32
      %add3A_109 = arith.addi %mul3A_78, %add3A_108 : i32
      %dma_wait3A_110 = arith.constant 0 : i32
      %dma_wait3A_111 = tpu.memref_slice %arg6[%add3A_109, %dma_wait3A_110] : memref<160x128xi32, #tpu.memory_space<vmem>> -> memref<1x128xi32, #tpu.memory_space<vmem>>
      %dma_wait3A_112 = tpu.memref_squeeze %dma_wait3A_111 : memref<1x128xi32, #tpu.memory_space<vmem>> -> memref<128xi32, #tpu.memory_space<vmem>>
      %dma_wait3A_113 = arith.constant 0 : i32
      %dma_wait3A_114 = arith.constant 0 : i32
      %dma_wait3A_115 = tpu.memref_slice %arg2[%dma_wait3A_113, %dma_wait3A_114] : memref<20000x64xf32, #tpu.memory_space<hbm>> -> memref<20000x64xf32, #tpu.memory_space<hbm>>
      tpu.wait_indirect_dma semaphore(%arg14 : memref<!tpu.dma_semaphore, #tpu.memory_space<semaphore_mem>>) src(%dma_wait3A_115 : memref<20000x64xf32, #tpu.memory_space<hbm>>) dst(%arg9 : memref<128x64xf32, #tpu.memory_space<vmem>>)
      %dma_start3A_116 = arith.constant 0 : i32
      %dma_start3A_117 = tpu.memref_slice %arg7[%add3A_109, %dma_start3A_116] : memref<160x128xi32, #tpu.memory_space<vmem>> -> memref<1x128xi32, #tpu.memory_space<vmem>>
      %dma_start3A_118 = tpu.memref_squeeze %dma_start3A_117 : memref<1x128xi32, #tpu.memory_space<vmem>> -> memref<128xi32, #tpu.memory_space<vmem>>
      %dma_start3A_119 = arith.constant 0 : i32
      %dma_start3A_120 = arith.constant 0 : i32
      %dma_start3A_121 = tpu.memref_slice %arg12[%dma_start3A_119, %dma_start3A_120] : memref<10496x64xf32, #tpu.memory_space<vmem_shared>> -> memref<10496x64xf32, #tpu.memory_space<vmem_shared>>
      tpu.enqueue_indirect_dma source(%arg9 : memref<128x64xf32, #tpu.memory_space<vmem>>) target(%dma_start3A_121 : memref<10496x64xf32, #tpu.memory_space<vmem_shared>>) offsets(%dma_start3A_118 : memref<128xi32, #tpu.memory_space<vmem>>) semaphore(%arg18 : memref<!tpu.dma_semaphore, #tpu.memory_space<semaphore_mem>>) {add = true}
      %ge3A_122 = arith.constant 1 : i32
      %ge3A_123 = arith.cmpi sge, %add3A_109, %ge3A_122 : i32
      %add3A_124 = arith.constant 4 : i32
      %add3A_125 = arith.addi %add3A_109, %add3A_124 : i32
      %sub3A_126 = arith.constant 1 : i32
      %sub3A_127 = arith.subi %add3A_125, %sub3A_126 : i32
      %lt3A_128 = arith.constant 160 : i32
      %lt3A_129 = arith.cmpi slt, %sub3A_127, %lt3A_128 : i32
      %and3A_130 = arith.andi %ge3A_123, %lt3A_129 : i1
      %convert_element_type3A_131 = arith.extui %and3A_130 : i1 to i32
      %cond3A_132 = arith.constant 0 : i32
      %cond3A_133 = arith.cmpi ne, %convert_element_type3A_131, %cond3A_132 : i32
      scf.if %cond3A_133 {
        %sub3A_213 = arith.constant 1 : i32
        %sub3A_214 = arith.subi %add3A_109, %sub3A_213 : i32
        %dma_wait3A_215 = arith.constant 0 : i32
        %dma_wait3A_216 = tpu.memref_slice %arg7[%sub3A_214, %dma_wait3A_215] : memref<160x128xi32, #tpu.memory_space<vmem>> -> memref<1x128xi32, #tpu.memory_space<vmem>>
        %dma_wait3A_217 = tpu.memref_squeeze %dma_wait3A_216 : memref<1x128xi32, #tpu.memory_space<vmem>> -> memref<128xi32, #tpu.memory_space<vmem>>
        %dma_wait3A_218 = arith.constant 0 : i32
        %dma_wait3A_219 = arith.constant 0 : i32
        %dma_wait3A_220 = tpu.memref_slice %arg12[%dma_wait3A_218, %dma_wait3A_219] : memref<10496x64xf32, #tpu.memory_space<vmem_shared>> -> memref<10496x64xf32, #tpu.memory_space<vmem_shared>>
        tpu.wait_indirect_dma semaphore(%arg17 : memref<!tpu.dma_semaphore, #tpu.memory_space<semaphore_mem>>) src(%arg8 : memref<128x64xf32, #tpu.memory_space<vmem>>) dst(%dma_wait3A_220 : memref<10496x64xf32, #tpu.memory_space<vmem_shared>>)
      } else {
      }
      %add3A_134 = arith.constant 4 : i32
      %add3A_135 = arith.addi %add3A_109, %add3A_134 : i32
      %sub3A_136 = arith.constant 1 : i32
      %sub3A_137 = arith.subi %add3A_135, %sub3A_136 : i32
      %lt3A_138 = arith.constant 160 : i32
      %lt3A_139 = arith.cmpi slt, %sub3A_137, %lt3A_138 : i32
      %convert_element_type3A_140 = arith.extui %lt3A_139 : i1 to i32
      %cond3A_141 = arith.constant 0 : i32
      %cond3A_142 = arith.cmpi ne, %convert_element_type3A_140, %cond3A_141 : i32
      scf.if %cond3A_142 {
        %add3A_213 = arith.constant 4 : i32
        %add3A_214 = arith.addi %add3A_109, %add3A_213 : i32
        %sub3A_215 = arith.constant 1 : i32
        %sub3A_216 = arith.subi %add3A_214, %sub3A_215 : i32
        %dma_start3A_217 = arith.constant 0 : i32
        %dma_start3A_218 = tpu.memref_slice %arg6[%sub3A_216, %dma_start3A_217] : memref<160x128xi32, #tpu.memory_space<vmem>> -> memref<1x128xi32, #tpu.memory_space<vmem>>
        %dma_start3A_219 = tpu.memref_squeeze %dma_start3A_218 : memref<1x128xi32, #tpu.memory_space<vmem>> -> memref<128xi32, #tpu.memory_space<vmem>>
        %dma_start3A_220 = arith.constant 0 : i32
        %dma_start3A_221 = arith.constant 0 : i32
        %dma_start3A_222 = tpu.memref_slice %arg2[%dma_start3A_220, %dma_start3A_221] : memref<20000x64xf32, #tpu.memory_space<hbm>> -> memref<20000x64xf32, #tpu.memory_space<hbm>>
        tpu.enqueue_indirect_dma source(%dma_start3A_222 : memref<20000x64xf32, #tpu.memory_space<hbm>>) target(%arg8 : memref<128x64xf32, #tpu.memory_space<vmem>>) offsets(%dma_start3A_219 : memref<128xi32, #tpu.memory_space<vmem>>) semaphore(%arg13 : memref<!tpu.dma_semaphore, #tpu.memory_space<semaphore_mem>>)
      } else {
      }
      %add3A_143 = arith.constant 2 : i32
      %add3A_144 = arith.addi %mul3A_78, %add3A_143 : i32
      %dma_wait3A_145 = arith.constant 0 : i32
      %dma_wait3A_146 = tpu.memref_slice %arg6[%add3A_144, %dma_wait3A_145] : memref<160x128xi32, #tpu.memory_space<vmem>> -> memref<1x128xi32, #tpu.memory_space<vmem>>
      %dma_wait3A_147 = tpu.memref_squeeze %dma_wait3A_146 : memref<1x128xi32, #tpu.memory_space<vmem>> -> memref<128xi32, #tpu.memory_space<vmem>>
      %dma_wait3A_148 = arith.constant 0 : i32
      %dma_wait3A_149 = arith.constant 0 : i32
      %dma_wait3A_150 = tpu.memref_slice %arg2[%dma_wait3A_148, %dma_wait3A_149] : memref<20000x64xf32, #tpu.memory_space<hbm>> -> memref<20000x64xf32, #tpu.memory_space<hbm>>
      tpu.wait_indirect_dma semaphore(%arg15 : memref<!tpu.dma_semaphore, #tpu.memory_space<semaphore_mem>>) src(%dma_wait3A_150 : memref<20000x64xf32, #tpu.memory_space<hbm>>) dst(%arg10 : memref<128x64xf32, #tpu.memory_space<vmem>>)
      %dma_start3A_151 = arith.constant 0 : i32
      %dma_start3A_152 = tpu.memref_slice %arg7[%add3A_144, %dma_start3A_151] : memref<160x128xi32, #tpu.memory_space<vmem>> -> memref<1x128xi32, #tpu.memory_space<vmem>>
      %dma_start3A_153 = tpu.memref_squeeze %dma_start3A_152 : memref<1x128xi32, #tpu.memory_space<vmem>> -> memref<128xi32, #tpu.memory_space<vmem>>
      %dma_start3A_154 = arith.constant 0 : i32
      %dma_start3A_155 = arith.constant 0 : i32
      %dma_start3A_156 = tpu.memref_slice %arg12[%dma_start3A_154, %dma_start3A_155] : memref<10496x64xf32, #tpu.memory_space<vmem_shared>> -> memref<10496x64xf32, #tpu.memory_space<vmem_shared>>
      tpu.enqueue_indirect_dma source(%arg10 : memref<128x64xf32, #tpu.memory_space<vmem>>) target(%dma_start3A_156 : memref<10496x64xf32, #tpu.memory_space<vmem_shared>>) offsets(%dma_start3A_153 : memref<128xi32, #tpu.memory_space<vmem>>) semaphore(%arg19 : memref<!tpu.dma_semaphore, #tpu.memory_space<semaphore_mem>>) {add = true}
      %ge3A_157 = arith.constant 1 : i32
      %ge3A_158 = arith.cmpi sge, %add3A_144, %ge3A_157 : i32
      %add3A_159 = arith.constant 4 : i32
      %add3A_160 = arith.addi %add3A_144, %add3A_159 : i32
      %sub3A_161 = arith.constant 1 : i32
      %sub3A_162 = arith.subi %add3A_160, %sub3A_161 : i32
      %lt3A_163 = arith.constant 160 : i32
      %lt3A_164 = arith.cmpi slt, %sub3A_162, %lt3A_163 : i32
      %and3A_165 = arith.andi %ge3A_158, %lt3A_164 : i1
      %convert_element_type3A_166 = arith.extui %and3A_165 : i1 to i32
      %cond3A_167 = arith.constant 0 : i32
      %cond3A_168 = arith.cmpi ne, %convert_element_type3A_166, %cond3A_167 : i32
      scf.if %cond3A_168 {
        %sub3A_213 = arith.constant 1 : i32
        %sub3A_214 = arith.subi %add3A_144, %sub3A_213 : i32
        %dma_wait3A_215 = arith.constant 0 : i32
        %dma_wait3A_216 = tpu.memref_slice %arg7[%sub3A_214, %dma_wait3A_215] : memref<160x128xi32, #tpu.memory_space<vmem>> -> memref<1x128xi32, #tpu.memory_space<vmem>>
        %dma_wait3A_217 = tpu.memref_squeeze %dma_wait3A_216 : memref<1x128xi32, #tpu.memory_space<vmem>> -> memref<128xi32, #tpu.memory_space<vmem>>
        %dma_wait3A_218 = arith.constant 0 : i32
        %dma_wait3A_219 = arith.constant 0 : i32
        %dma_wait3A_220 = tpu.memref_slice %arg12[%dma_wait3A_218, %dma_wait3A_219] : memref<10496x64xf32, #tpu.memory_space<vmem_shared>> -> memref<10496x64xf32, #tpu.memory_space<vmem_shared>>
        tpu.wait_indirect_dma semaphore(%arg18 : memref<!tpu.dma_semaphore, #tpu.memory_space<semaphore_mem>>) src(%arg9 : memref<128x64xf32, #tpu.memory_space<vmem>>) dst(%dma_wait3A_220 : memref<10496x64xf32, #tpu.memory_space<vmem_shared>>)
      } else {
      }
      %add3A_169 = arith.constant 4 : i32
      %add3A_170 = arith.addi %add3A_144, %add3A_169 : i32
      %sub3A_171 = arith.constant 1 : i32
      %sub3A_172 = arith.subi %add3A_170, %sub3A_171 : i32
      %lt3A_173 = arith.constant 160 : i32
      %lt3A_174 = arith.cmpi slt, %sub3A_172, %lt3A_173 : i32
      %convert_element_type3A_175 = arith.extui %lt3A_174 : i1 to i32
      %cond3A_176 = arith.constant 0 : i32
      %cond3A_177 = arith.cmpi ne, %convert_element_type3A_175, %cond3A_176 : i32
      scf.if %cond3A_177 {
        %add3A_213 = arith.constant 4 : i32
        %add3A_214 = arith.addi %add3A_144, %add3A_213 : i32
        %sub3A_215 = arith.constant 1 : i32
        %sub3A_216 = arith.subi %add3A_214, %sub3A_215 : i32
        %dma_start3A_217 = arith.constant 0 : i32
        %dma_start3A_218 = tpu.memref_slice %arg6[%sub3A_216, %dma_start3A_217] : memref<160x128xi32, #tpu.memory_space<vmem>> -> memref<1x128xi32, #tpu.memory_space<vmem>>
        %dma_start3A_219 = tpu.memref_squeeze %dma_start3A_218 : memref<1x128xi32, #tpu.memory_space<vmem>> -> memref<128xi32, #tpu.memory_space<vmem>>
        %dma_start3A_220 = arith.constant 0 : i32
        %dma_start3A_221 = arith.constant 0 : i32
        %dma_start3A_222 = tpu.memref_slice %arg2[%dma_start3A_220, %dma_start3A_221] : memref<20000x64xf32, #tpu.memory_space<hbm>> -> memref<20000x64xf32, #tpu.memory_space<hbm>>
        tpu.enqueue_indirect_dma source(%dma_start3A_222 : memref<20000x64xf32, #tpu.memory_space<hbm>>) target(%arg9 : memref<128x64xf32, #tpu.memory_space<vmem>>) offsets(%dma_start3A_219 : memref<128xi32, #tpu.memory_space<vmem>>) semaphore(%arg14 : memref<!tpu.dma_semaphore, #tpu.memory_space<semaphore_mem>>)
      } else {
      }
      %add3A_178 = arith.constant 3 : i32
      %add3A_179 = arith.addi %mul3A_78, %add3A_178 : i32
      %dma_wait3A_180 = arith.constant 0 : i32
      %dma_wait3A_181 = tpu.memref_slice %arg6[%add3A_179, %dma_wait3A_180] : memref<160x128xi32, #tpu.memory_space<vmem>> -> memref<1x128xi32, #tpu.memory_space<vmem>>
      %dma_wait3A_182 = tpu.memref_squeeze %dma_wait3A_181 : memref<1x128xi32, #tpu.memory_space<vmem>> -> memref<128xi32, #tpu.memory_space<vmem>>
      %dma_wait3A_183 = arith.constant 0 : i32
      %dma_wait3A_184 = arith.constant 0 : i32
      %dma_wait3A_185 = tpu.memref_slice %arg2[%dma_wait3A_183, %dma_wait3A_184] : memref<20000x64xf32, #tpu.memory_space<hbm>> -> memref<20000x64xf32, #tpu.memory_space<hbm>>
      tpu.wait_indirect_dma semaphore(%arg16 : memref<!tpu.dma_semaphore, #tpu.memory_space<semaphore_mem>>) src(%dma_wait3A_185 : memref<20000x64xf32, #tpu.memory_space<hbm>>) dst(%arg11 : memref<128x64xf32, #tpu.memory_space<vmem>>)
      %dma_start3A_186 = arith.constant 0 : i32
      %dma_start3A_187 = tpu.memref_slice %arg7[%add3A_179, %dma_start3A_186] : memref<160x128xi32, #tpu.memory_space<vmem>> -> memref<1x128xi32, #tpu.memory_space<vmem>>
      %dma_start3A_188 = tpu.memref_squeeze %dma_start3A_187 : memref<1x128xi32, #tpu.memory_space<vmem>> -> memref<128xi32, #tpu.memory_space<vmem>>
      %dma_start3A_189 = arith.constant 0 : i32
      %dma_start3A_190 = arith.constant 0 : i32
      %dma_start3A_191 = tpu.memref_slice %arg12[%dma_start3A_189, %dma_start3A_190] : memref<10496x64xf32, #tpu.memory_space<vmem_shared>> -> memref<10496x64xf32, #tpu.memory_space<vmem_shared>>
      tpu.enqueue_indirect_dma source(%arg11 : memref<128x64xf32, #tpu.memory_space<vmem>>) target(%dma_start3A_191 : memref<10496x64xf32, #tpu.memory_space<vmem_shared>>) offsets(%dma_start3A_188 : memref<128xi32, #tpu.memory_space<vmem>>) semaphore(%arg20 : memref<!tpu.dma_semaphore, #tpu.memory_space<semaphore_mem>>) {add = true}
      %ge3A_192 = arith.constant 1 : i32
      %ge3A_193 = arith.cmpi sge, %add3A_179, %ge3A_192 : i32
      %add3A_194 = arith.constant 4 : i32
      %add3A_195 = arith.addi %add3A_179, %add3A_194 : i32
      %sub3A_196 = arith.constant 1 : i32
      %sub3A_197 = arith.subi %add3A_195, %sub3A_196 : i32
      %lt3A_198 = arith.constant 160 : i32
      %lt3A_199 = arith.cmpi slt, %sub3A_197, %lt3A_198 : i32
      %and3A_200 = arith.andi %ge3A_193, %lt3A_199 : i1
      %convert_element_type3A_201 = arith.extui %and3A_200 : i1 to i32
      %cond3A_202 = arith.constant 0 : i32
      %cond3A_203 = arith.cmpi ne, %convert_element_type3A_201, %cond3A_202 : i32
      scf.if %cond3A_203 {
        %sub3A_213 = arith.constant 1 : i32
        %sub3A_214 = arith.subi %add3A_179, %sub3A_213 : i32
        %dma_wait3A_215 = arith.constant 0 : i32
        %dma_wait3A_216 = tpu.memref_slice %arg7[%sub3A_214, %dma_wait3A_215] : memref<160x128xi32, #tpu.memory_space<vmem>> -> memref<1x128xi32, #tpu.memory_space<vmem>>
        %dma_wait3A_217 = tpu.memref_squeeze %dma_wait3A_216 : memref<1x128xi32, #tpu.memory_space<vmem>> -> memref<128xi32, #tpu.memory_space<vmem>>
        %dma_wait3A_218 = arith.constant 0 : i32
        %dma_wait3A_219 = arith.constant 0 : i32
        %dma_wait3A_220 = tpu.memref_slice %arg12[%dma_wait3A_218, %dma_wait3A_219] : memref<10496x64xf32, #tpu.memory_space<vmem_shared>> -> memref<10496x64xf32, #tpu.memory_space<vmem_shared>>
        tpu.wait_indirect_dma semaphore(%arg19 : memref<!tpu.dma_semaphore, #tpu.memory_space<semaphore_mem>>) src(%arg10 : memref<128x64xf32, #tpu.memory_space<vmem>>) dst(%dma_wait3A_220 : memref<10496x64xf32, #tpu.memory_space<vmem_shared>>)
      } else {
      }
      %add3A_204 = arith.constant 4 : i32
      %add3A_205 = arith.addi %add3A_179, %add3A_204 : i32
      %sub3A_206 = arith.constant 1 : i32
      %sub3A_207 = arith.subi %add3A_205, %sub3A_206 : i32
      %lt3A_208 = arith.constant 160 : i32
      %lt3A_209 = arith.cmpi slt, %sub3A_207, %lt3A_208 : i32
      %convert_element_type3A_210 = arith.extui %lt3A_209 : i1 to i32
      %cond3A_211 = arith.constant 0 : i32
      %cond3A_212 = arith.cmpi ne, %convert_element_type3A_210, %cond3A_211 : i32
      scf.if %cond3A_212 {
        %add3A_213 = arith.constant 4 : i32
        %add3A_214 = arith.addi %add3A_179, %add3A_213 : i32
        %sub3A_215 = arith.constant 1 : i32
        %sub3A_216 = arith.subi %add3A_214, %sub3A_215 : i32
        %dma_start3A_217 = arith.constant 0 : i32
        %dma_start3A_218 = tpu.memref_slice %arg6[%sub3A_216, %dma_start3A_217] : memref<160x128xi32, #tpu.memory_space<vmem>> -> memref<1x128xi32, #tpu.memory_space<vmem>>
        %dma_start3A_219 = tpu.memref_squeeze %dma_start3A_218 : memref<1x128xi32, #tpu.memory_space<vmem>> -> memref<128xi32, #tpu.memory_space<vmem>>
        %dma_start3A_220 = arith.constant 0 : i32
        %dma_start3A_221 = arith.constant 0 : i32
        %dma_start3A_222 = tpu.memref_slice %arg2[%dma_start3A_220, %dma_start3A_221] : memref<20000x64xf32, #tpu.memory_space<hbm>> -> memref<20000x64xf32, #tpu.memory_space<hbm>>
        tpu.enqueue_indirect_dma source(%dma_start3A_222 : memref<20000x64xf32, #tpu.memory_space<hbm>>) target(%arg10 : memref<128x64xf32, #tpu.memory_space<vmem>>) offsets(%dma_start3A_219 : memref<128xi32, #tpu.memory_space<vmem>>) semaphore(%arg15 : memref<!tpu.dma_semaphore, #tpu.memory_space<semaphore_mem>>)
      } else {
      }
    }
    %scan3A_47 = arith.constant 40 : i32
    %dma_wait3A = arith.constant 156 : i32
    %dma_wait3A_48 = arith.constant 0 : i32
    %dma_wait3A_49 = tpu.memref_slice %arg7[%dma_wait3A, %dma_wait3A_48] : memref<160x128xi32, #tpu.memory_space<vmem>> -> memref<1x128xi32, #tpu.memory_space<vmem>>
    %dma_wait3A_50 = tpu.memref_squeeze %dma_wait3A_49 : memref<1x128xi32, #tpu.memory_space<vmem>> -> memref<128xi32, #tpu.memory_space<vmem>>
    %dma_wait3A_51 = arith.constant 0 : i32
    %dma_wait3A_52 = arith.constant 0 : i32
    %dma_wait3A_53 = tpu.memref_slice %arg12[%dma_wait3A_51, %dma_wait3A_52] : memref<10496x64xf32, #tpu.memory_space<vmem_shared>> -> memref<10496x64xf32, #tpu.memory_space<vmem_shared>>
    tpu.wait_indirect_dma semaphore(%arg17 : memref<!tpu.dma_semaphore, #tpu.memory_space<semaphore_mem>>) src(%arg8 : memref<128x64xf32, #tpu.memory_space<vmem>>) dst(%dma_wait3A_53 : memref<10496x64xf32, #tpu.memory_space<vmem_shared>>)
    %dma_wait3A_54 = arith.constant 157 : i32
    %dma_wait3A_55 = arith.constant 0 : i32
    %dma_wait3A_56 = tpu.memref_slice %arg7[%dma_wait3A_54, %dma_wait3A_55] : memref<160x128xi32, #tpu.memory_space<vmem>> -> memref<1x128xi32, #tpu.memory_space<vmem>>
    %dma_wait3A_57 = tpu.memref_squeeze %dma_wait3A_56 : memref<1x128xi32, #tpu.memory_space<vmem>> -> memref<128xi32, #tpu.memory_space<vmem>>
    %dma_wait3A_58 = arith.constant 0 : i32
    %dma_wait3A_59 = arith.constant 0 : i32
    %dma_wait3A_60 = tpu.memref_slice %arg12[%dma_wait3A_58, %dma_wait3A_59] : memref<10496x64xf32, #tpu.memory_space<vmem_shared>> -> memref<10496x64xf32, #tpu.memory_space<vmem_shared>>
    tpu.wait_indirect_dma semaphore(%arg18 : memref<!tpu.dma_semaphore, #tpu.memory_space<semaphore_mem>>) src(%arg9 : memref<128x64xf32, #tpu.memory_space<vmem>>) dst(%dma_wait3A_60 : memref<10496x64xf32, #tpu.memory_space<vmem_shared>>)
    %dma_wait3A_61 = arith.constant 158 : i32
    %dma_wait3A_62 = arith.constant 0 : i32
    %dma_wait3A_63 = tpu.memref_slice %arg7[%dma_wait3A_61, %dma_wait3A_62] : memref<160x128xi32, #tpu.memory_space<vmem>> -> memref<1x128xi32, #tpu.memory_space<vmem>>
    %dma_wait3A_64 = tpu.memref_squeeze %dma_wait3A_63 : memref<1x128xi32, #tpu.memory_space<vmem>> -> memref<128xi32, #tpu.memory_space<vmem>>
    %dma_wait3A_65 = arith.constant 0 : i32
    %dma_wait3A_66 = arith.constant 0 : i32
    %dma_wait3A_67 = tpu.memref_slice %arg12[%dma_wait3A_65, %dma_wait3A_66] : memref<10496x64xf32, #tpu.memory_space<vmem_shared>> -> memref<10496x64xf32, #tpu.memory_space<vmem_shared>>
    tpu.wait_indirect_dma semaphore(%arg19 : memref<!tpu.dma_semaphore, #tpu.memory_space<semaphore_mem>>) src(%arg10 : memref<128x64xf32, #tpu.memory_space<vmem>>) dst(%dma_wait3A_67 : memref<10496x64xf32, #tpu.memory_space<vmem_shared>>)
    %dma_wait3A_68 = arith.constant 159 : i32
    %dma_wait3A_69 = arith.constant 0 : i32
    %dma_wait3A_70 = tpu.memref_slice %arg7[%dma_wait3A_68, %dma_wait3A_69] : memref<160x128xi32, #tpu.memory_space<vmem>> -> memref<1x128xi32, #tpu.memory_space<vmem>>
    %dma_wait3A_71 = tpu.memref_squeeze %dma_wait3A_70 : memref<1x128xi32, #tpu.memory_space<vmem>> -> memref<128xi32, #tpu.memory_space<vmem>>
    %dma_wait3A_72 = arith.constant 0 : i32
    %dma_wait3A_73 = arith.constant 0 : i32
    %dma_wait3A_74 = tpu.memref_slice %arg12[%dma_wait3A_72, %dma_wait3A_73] : memref<10496x64xf32, #tpu.memory_space<vmem_shared>> -> memref<10496x64xf32, #tpu.memory_space<vmem_shared>>
    tpu.wait_indirect_dma semaphore(%arg20 : memref<!tpu.dma_semaphore, #tpu.memory_space<semaphore_mem>>) src(%arg11 : memref<128x64xf32, #tpu.memory_space<vmem>>) dst(%dma_wait3A_74 : memref<10496x64xf32, #tpu.memory_space<vmem_shared>>)
    %barrier3A_75 = arith.constant 0 : index
    tpu.barrier barrier_id(%barrier3A_75)
    "tpu.region"() ({
      %run_scoped3A = tpu.sem_alloc : memref<!tpu.dma_semaphore, #tpu.memory_space<semaphore_mem>>
      %dma_start3A_76 = arith.constant 0 : i32
      %dma_start3A_77 = tpu.memref_slice %arg5[%arg0, %mul3A_2, %dma_start3A_76] : memref<2x10496x64xf32, #tpu.memory_space<hbm>> -> memref<1x656x64xf32, #tpu.memory_space<hbm>>
      %dma_start3A_78 = tpu.memref_squeeze %dma_start3A_77 : memref<1x656x64xf32, #tpu.memory_space<hbm>> -> memref<656x64xf32, #tpu.memory_space<hbm>>
      %dma_start3A_79 = arith.constant 0 : i32
      %dma_start3A_80 = tpu.memref_slice %arg12[%mul3A_2, %dma_start3A_79] : memref<10496x64xf32, #tpu.memory_space<vmem_shared>> -> memref<656x64xf32, #tpu.memory_space<vmem_shared>>
      tpu.enqueue_dma source(%dma_start3A_80 : memref<656x64xf32, #tpu.memory_space<vmem_shared>>) target(%dma_start3A_78 : memref<656x64xf32, #tpu.memory_space<hbm>>) target_semaphore(%run_scoped3A : memref<!tpu.dma_semaphore, #tpu.memory_space<semaphore_mem>>)
      %dma_wait3A_81 = arith.constant 0 : i32
      %dma_wait3A_82 = tpu.memref_slice %arg5[%arg0, %mul3A_2, %dma_wait3A_81] : memref<2x10496x64xf32, #tpu.memory_space<hbm>> -> memref<1x656x64xf32, #tpu.memory_space<hbm>>
      %dma_wait3A_83 = tpu.memref_squeeze %dma_wait3A_82 : memref<1x656x64xf32, #tpu.memory_space<hbm>> -> memref<656x64xf32, #tpu.memory_space<hbm>>
      %dma_wait3A_84 = arith.constant 0 : i32
      %dma_wait3A_85 = tpu.memref_slice %arg12[%mul3A_2, %dma_wait3A_84] : memref<10496x64xf32, #tpu.memory_space<vmem_shared>> -> memref<656x64xf32, #tpu.memory_space<vmem_shared>>
      tpu.wait_dma2 semaphore(%run_scoped3A : memref<!tpu.dma_semaphore, #tpu.memory_space<semaphore_mem>>) src(%dma_wait3A_85 : memref<656x64xf32, #tpu.memory_space<vmem_shared>>) dst(%dma_wait3A_83 : memref<656x64xf32, #tpu.memory_space<hbm>>)
      tpu.yield
    }) : () -> ()
    return
  }
}

#map = affine_map<(d0, d1) -> (0, 0)>
#map1 = affine_map<(d0, d1) -> (0, 0, 0)>
module attributes {stable_mosaic.version = 14 : i64} {
  func.func @sc_scatter_b(%arg0: i32, %arg1: i32, %arg2: memref<40000x64xf32, #tpu.memory_space<hbm>>, %arg3: memref<4x2560x128xi32, #tpu.memory_space<hbm>>, %arg4: memref<2560x128xi32, #tpu.memory_space<hbm>>, %arg5: memref<4x10496x64xf32, #tpu.memory_space<hbm>>, %arg6: memref<160x128xi32, #tpu.memory_space<vmem>>, %arg7: memref<160x128xi32, #tpu.memory_space<vmem>>, %arg8: memref<128x64xf32, #tpu.memory_space<vmem>>, %arg9: memref<128x64xf32, #tpu.memory_space<vmem>>, %arg10: memref<128x64xf32, #tpu.memory_space<vmem>>, %arg11: memref<128x64xf32, #tpu.memory_space<vmem>>, %arg12: memref<10496x64xf32, #tpu.memory_space<vmem_shared>>, %arg13: memref<!tpu.dma_semaphore, #tpu.memory_space<semaphore_mem>>, %arg14: memref<!tpu.dma_semaphore, #tpu.memory_space<semaphore_mem>>, %arg15: memref<!tpu.dma_semaphore, #tpu.memory_space<semaphore_mem>>, %arg16: memref<!tpu.dma_semaphore, #tpu.memory_space<semaphore_mem>>, %arg17: memref<!tpu.dma_semaphore, #tpu.memory_space<semaphore_mem>>, %arg18: memref<!tpu.dma_semaphore, #tpu.memory_space<semaphore_mem>>, %arg19: memref<!tpu.dma_semaphore, #tpu.memory_space<semaphore_mem>>, %arg20: memref<!tpu.dma_semaphore, #tpu.memory_space<semaphore_mem>>) attributes {dimension_semantics = [#tpu.dimension_semantics<core_parallel>, #tpu.dimension_semantics<subcore_parallel>], iteration_bounds = array<i64: 2, 16>, scalar_prefetch = 0 : i64, scratch_operands = 15 : i64, tpu.core_type = #tpu.core_type<sc_vector_subcore>, window_params = [{transform_indices = #map}, {transform_indices = #map1}, {transform_indices = #map}, {transform_indices = #map1}]} {
    %mul3A = arith.constant 160 : i32
    %mul3A_0 = arith.muli %arg1, %mul3A : i32
    "tpu.region"() ({
      %run_scoped3A = tpu.sem_alloc : memref<!tpu.dma_semaphore, #tpu.memory_space<semaphore_mem>>
      %dma_start3A_163 = arith.constant 0 : i32
      %dma_start3A_164 = tpu.memref_slice %arg4[%mul3A_0, %dma_start3A_163] : memref<2560x128xi32, #tpu.memory_space<hbm>> -> memref<160x128xi32, #tpu.memory_space<hbm>>
      %dma_start3A_165 = arith.constant 0 : i32
      %dma_start3A_166 = tpu.memref_slice %arg4[%mul3A_0, %dma_start3A_165] : memref<2560x128xi32, #tpu.memory_space<hbm>> -> memref<160x128xi32, #tpu.memory_space<hbm>>
      tpu.enqueue_dma source(%dma_start3A_166 : memref<160x128xi32, #tpu.memory_space<hbm>>) target(%arg7 : memref<160x128xi32, #tpu.memory_space<vmem>>) target_semaphore(%run_scoped3A : memref<!tpu.dma_semaphore, #tpu.memory_space<semaphore_mem>>)
      %dma_wait3A_167 = arith.constant 0 : i32
      %dma_wait3A_168 = tpu.memref_slice %arg4[%mul3A_0, %dma_wait3A_167] : memref<2560x128xi32, #tpu.memory_space<hbm>> -> memref<160x128xi32, #tpu.memory_space<hbm>>
      %dma_wait3A_169 = arith.constant 0 : i32
      %dma_wait3A_170 = tpu.memref_slice %arg4[%mul3A_0, %dma_wait3A_169] : memref<2560x128xi32, #tpu.memory_space<hbm>> -> memref<160x128xi32, #tpu.memory_space<hbm>>
      tpu.wait_dma2 semaphore(%run_scoped3A : memref<!tpu.dma_semaphore, #tpu.memory_space<semaphore_mem>>) src(%dma_wait3A_170 : memref<160x128xi32, #tpu.memory_space<hbm>>) dst(%arg7 : memref<160x128xi32, #tpu.memory_space<vmem>>)
      tpu.yield
    }) : () -> ()
    %mul3A_1 = arith.constant 2 : i32
    %mul3A_2 = arith.muli %mul3A_1, %arg0 : i32
    %mul3A_3 = arith.constant 656 : i32
    %mul3A_4 = arith.muli %arg1, %mul3A_3 : i32
    %mul3A_5 = arith.constant 160 : i32
    %mul3A_6 = arith.muli %arg1, %mul3A_5 : i32
    "tpu.region"() ({
      %run_scoped3A = tpu.sem_alloc : memref<!tpu.dma_semaphore, #tpu.memory_space<semaphore_mem>>
      %dma_start3A_163 = arith.constant 0 : i32
      %dma_start3A_164 = tpu.memref_slice %arg3[%mul3A_2, %mul3A_6, %dma_start3A_163] : memref<4x2560x128xi32, #tpu.memory_space<hbm>> -> memref<1x160x128xi32, #tpu.memory_space<hbm>>
      %dma_start3A_165 = tpu.memref_squeeze %dma_start3A_164 : memref<1x160x128xi32, #tpu.memory_space<hbm>> -> memref<160x128xi32, #tpu.memory_space<hbm>>
      %dma_start3A_166 = arith.constant 0 : i32
      %dma_start3A_167 = tpu.memref_slice %arg3[%mul3A_2, %mul3A_6, %dma_start3A_166] : memref<4x2560x128xi32, #tpu.memory_space<hbm>> -> memref<1x160x128xi32, #tpu.memory_space<hbm>>
      %dma_start3A_168 = tpu.memref_squeeze %dma_start3A_167 : memref<1x160x128xi32, #tpu.memory_space<hbm>> -> memref<160x128xi32, #tpu.memory_space<hbm>>
      tpu.enqueue_dma source(%dma_start3A_168 : memref<160x128xi32, #tpu.memory_space<hbm>>) target(%arg6 : memref<160x128xi32, #tpu.memory_space<vmem>>) target_semaphore(%run_scoped3A : memref<!tpu.dma_semaphore, #tpu.memory_space<semaphore_mem>>)
      %dma_wait3A_169 = arith.constant 0 : i32
      %dma_wait3A_170 = tpu.memref_slice %arg3[%mul3A_2, %mul3A_6, %dma_wait3A_169] : memref<4x2560x128xi32, #tpu.memory_space<hbm>> -> memref<1x160x128xi32, #tpu.memory_space<hbm>>
      %dma_wait3A_171 = tpu.memref_squeeze %dma_wait3A_170 : memref<1x160x128xi32, #tpu.memory_space<hbm>> -> memref<160x128xi32, #tpu.memory_space<hbm>>
      %dma_wait3A_172 = arith.constant 0 : i32
      %dma_wait3A_173 = tpu.memref_slice %arg3[%mul3A_2, %mul3A_6, %dma_wait3A_172] : memref<4x2560x128xi32, #tpu.memory_space<hbm>> -> memref<1x160x128xi32, #tpu.memory_space<hbm>>
      %dma_wait3A_174 = tpu.memref_squeeze %dma_wait3A_173 : memref<1x160x128xi32, #tpu.memory_space<hbm>> -> memref<160x128xi32, #tpu.memory_space<hbm>>
      tpu.wait_dma2 semaphore(%run_scoped3A : memref<!tpu.dma_semaphore, #tpu.memory_space<semaphore_mem>>) src(%dma_wait3A_174 : memref<160x128xi32, #tpu.memory_space<hbm>>) dst(%arg6 : memref<160x128xi32, #tpu.memory_space<vmem>>)
      tpu.yield
    }) : () -> ()
    %broadcast_in_dim3A = arith.constant 0.000000e+00 : f32
    %broadcast_in_dim3A_7 = vector.broadcast %broadcast_in_dim3A : f32 to vector<16xf32>
    %scan3A = arith.constant 0 : i32
    %scan3A_8 = arith.constant 0 : i32
    %scan3A_9 = arith.constant 128 : i32
    %scan3A_10 = arith.addi %scan3A_8, %scan3A_9 : i32
    %scan3A_11 = arith.constant 1 : i32
    scf.for %scan3A_163 = %scan3A_8 to %scan3A_10 step %scan3A_11  : i32 {
      %swap3A = arith.index_cast %scan3A_163 : i32 to index
      %swap3A_164 = arith.constant 0 : index
      %swap3A_165 = tpu.vector_load %arg8[%swap3A, %swap3A_164] {strides = array<i32>} : memref<128x64xf32, #tpu.memory_space<vmem>>, vector<1x16xf32>,
      %swap3A_166 = vector.shape_cast %swap3A_165 : vector<1x16xf32> to vector<16xf32>
      %swap3A_167 = vector.shape_cast %broadcast_in_dim3A_7 : vector<16xf32> to vector<1x16xf32>
      tpu.vector_store %arg8[%swap3A, %swap3A_164], %swap3A_167 {strides = array<i32>} : memref<128x64xf32, #tpu.memory_space<vmem>>, vector<1x16xf32>,
      %swap3A_168 = arith.index_cast %scan3A_163 : i32 to index
      %swap3A_169 = arith.constant 16 : index
      %swap3A_170 = tpu.vector_load %arg8[%swap3A_168, %swap3A_169] {strides = array<i32>} : memref<128x64xf32, #tpu.memory_space<vmem>>, vector<1x16xf32>,
      %swap3A_171 = vector.shape_cast %swap3A_170 : vector<1x16xf32> to vector<16xf32>
      %swap3A_172 = vector.shape_cast %broadcast_in_dim3A_7 : vector<16xf32> to vector<1x16xf32>
      tpu.vector_store %arg8[%swap3A_168, %swap3A_169], %swap3A_172 {strides = array<i32>} : memref<128x64xf32, #tpu.memory_space<vmem>>, vector<1x16xf32>,
      %swap3A_173 = arith.index_cast %scan3A_163 : i32 to index
      %swap3A_174 = arith.constant 32 : index
      %swap3A_175 = tpu.vector_load %arg8[%swap3A_173, %swap3A_174] {strides = array<i32>} : memref<128x64xf32, #tpu.memory_space<vmem>>, vector<1x16xf32>,
      %swap3A_176 = vector.shape_cast %swap3A_175 : vector<1x16xf32> to vector<16xf32>
      %swap3A_177 = vector.shape_cast %broadcast_in_dim3A_7 : vector<16xf32> to vector<1x16xf32>
      tpu.vector_store %arg8[%swap3A_173, %swap3A_174], %swap3A_177 {strides = array<i32>} : memref<128x64xf32, #tpu.memory_space<vmem>>, vector<1x16xf32>,
      %swap3A_178 = arith.index_cast %scan3A_163 : i32 to index
      %swap3A_179 = arith.constant 48 : index
      %swap3A_180 = tpu.vector_load %arg8[%swap3A_178, %swap3A_179] {strides = array<i32>} : memref<128x64xf32, #tpu.memory_space<vmem>>, vector<1x16xf32>,
      %swap3A_181 = vector.shape_cast %swap3A_180 : vector<1x16xf32> to vector<16xf32>
      %swap3A_182 = vector.shape_cast %broadcast_in_dim3A_7 : vector<16xf32> to vector<1x16xf32>
      tpu.vector_store %arg8[%swap3A_178, %swap3A_179], %swap3A_182 {strides = array<i32>} : memref<128x64xf32, #tpu.memory_space<vmem>>, vector<1x16xf32>,
    }
    %scan3A_12 = arith.constant 128 : i32
    %add3A = arith.constant 0 : i32
    %add3A_13 = arith.addi %mul3A_4, %add3A : i32
    "tpu.region"() ({
      %run_scoped3A = tpu.sem_alloc : memref<!tpu.dma_semaphore, #tpu.memory_space<semaphore_mem>>
      %dma_start3A_163 = arith.constant 0 : i32
      %dma_start3A_164 = tpu.memref_slice %arg12[%add3A_13, %dma_start3A_163] : memref<10496x64xf32, #tpu.memory_space<vmem_shared>> -> memref<128x64xf32, #tpu.memory_space<vmem_shared>>
      %dma_start3A_165 = arith.constant 0 : i32
      %dma_start3A_166 = tpu.memref_slice %arg12[%add3A_13, %dma_start3A_165] : memref<10496x64xf32, #tpu.memory_space<vmem_shared>> -> memref<128x64xf32, #tpu.memory_space<vmem_shared>>
      tpu.enqueue_dma source(%arg8 : memref<128x64xf32, #tpu.memory_space<vmem>>) target(%dma_start3A_166 : memref<128x64xf32, #tpu.memory_space<vmem_shared>>) target_semaphore(%run_scoped3A : memref<!tpu.dma_semaphore, #tpu.memory_space<semaphore_mem>>)
      %dma_wait3A_167 = arith.constant 0 : i32
      %dma_wait3A_168 = tpu.memref_slice %arg12[%add3A_13, %dma_wait3A_167] : memref<10496x64xf32, #tpu.memory_space<vmem_shared>> -> memref<128x64xf32, #tpu.memory_space<vmem_shared>>
      %dma_wait3A_169 = arith.constant 0 : i32
      %dma_wait3A_170 = tpu.memref_slice %arg12[%add3A_13, %dma_wait3A_169] : memref<10496x64xf32, #tpu.memory_space<vmem_shared>> -> memref<128x64xf32, #tpu.memory_space<vmem_shared>>
      tpu.wait_dma2 semaphore(%run_scoped3A : memref<!tpu.dma_semaphore, #tpu.memory_space<semaphore_mem>>) src(%arg8 : memref<128x64xf32, #tpu.memory_space<vmem>>) dst(%dma_wait3A_170 : memref<128x64xf32, #tpu.memory_space<vmem_shared>>)
      tpu.yield
    }) : () -> ()
    %add3A_14 = arith.constant 128 : i32
    %add3A_15 = arith.addi %mul3A_4, %add3A_14 : i32
    "tpu.region"() ({
      %run_scoped3A = tpu.sem_alloc : memref<!tpu.dma_semaphore, #tpu.memory_space<semaphore_mem>>
      %dma_start3A_163 = arith.constant 0 : i32
      %dma_start3A_164 = tpu.memref_slice %arg12[%add3A_15, %dma_start3A_163] : memref<10496x64xf32, #tpu.memory_space<vmem_shared>> -> memref<128x64xf32, #tpu.memory_space<vmem_shared>>
      %dma_start3A_165 = arith.constant 0 : i32
      %dma_start3A_166 = tpu.memref_slice %arg12[%add3A_15, %dma_start3A_165] : memref<10496x64xf32, #tpu.memory_space<vmem_shared>> -> memref<128x64xf32, #tpu.memory_space<vmem_shared>>
      tpu.enqueue_dma source(%arg8 : memref<128x64xf32, #tpu.memory_space<vmem>>) target(%dma_start3A_166 : memref<128x64xf32, #tpu.memory_space<vmem_shared>>) target_semaphore(%run_scoped3A : memref<!tpu.dma_semaphore, #tpu.memory_space<semaphore_mem>>)
      %dma_wait3A_167 = arith.constant 0 : i32
      %dma_wait3A_168 = tpu.memref_slice %arg12[%add3A_15, %dma_wait3A_167] : memref<10496x64xf32, #tpu.memory_space<vmem_shared>> -> memref<128x64xf32, #tpu.memory_space<vmem_shared>>
      %dma_wait3A_169 = arith.constant 0 : i32
      %dma_wait3A_170 = tpu.memref_slice %arg12[%add3A_15, %dma_wait3A_169] : memref<10496x64xf32, #tpu.memory_space<vmem_shared>> -> memref<128x64xf32, #tpu.memory_space<vmem_shared>>
      tpu.wait_dma2 semaphore(%run_scoped3A : memref<!tpu.dma_semaphore, #tpu.memory_space<semaphore_mem>>) src(%arg8 : memref<128x64xf32, #tpu.memory_space<vmem>>) dst(%dma_wait3A_170 : memref<128x64xf32, #tpu.memory_space<vmem_shared>>)
      tpu.yield
    }) : () -> ()
    %add3A_16 = arith.constant 256 : i32
    %add3A_17 = arith.addi %mul3A_4, %add3A_16 : i32
    "tpu.region"() ({
      %run_scoped3A = tpu.sem_alloc : memref<!tpu.dma_semaphore, #tpu.memory_space<semaphore_mem>>
      %dma_start3A_163 = arith.constant 0 : i32
      %dma_start3A_164 = tpu.memref_slice %arg12[%add3A_17, %dma_start3A_163] : memref<10496x64xf32, #tpu.memory_space<vmem_shared>> -> memref<128x64xf32, #tpu.memory_space<vmem_shared>>
      %dma_start3A_165 = arith.constant 0 : i32
      %dma_start3A_166 = tpu.memref_slice %arg12[%add3A_17, %dma_start3A_165] : memref<10496x64xf32, #tpu.memory_space<vmem_shared>> -> memref<128x64xf32, #tpu.memory_space<vmem_shared>>
      tpu.enqueue_dma source(%arg8 : memref<128x64xf32, #tpu.memory_space<vmem>>) target(%dma_start3A_166 : memref<128x64xf32, #tpu.memory_space<vmem_shared>>) target_semaphore(%run_scoped3A : memref<!tpu.dma_semaphore, #tpu.memory_space<semaphore_mem>>)
      %dma_wait3A_167 = arith.constant 0 : i32
      %dma_wait3A_168 = tpu.memref_slice %arg12[%add3A_17, %dma_wait3A_167] : memref<10496x64xf32, #tpu.memory_space<vmem_shared>> -> memref<128x64xf32, #tpu.memory_space<vmem_shared>>
      %dma_wait3A_169 = arith.constant 0 : i32
      %dma_wait3A_170 = tpu.memref_slice %arg12[%add3A_17, %dma_wait3A_169] : memref<10496x64xf32, #tpu.memory_space<vmem_shared>> -> memref<128x64xf32, #tpu.memory_space<vmem_shared>>
      tpu.wait_dma2 semaphore(%run_scoped3A : memref<!tpu.dma_semaphore, #tpu.memory_space<semaphore_mem>>) src(%arg8 : memref<128x64xf32, #tpu.memory_space<vmem>>) dst(%dma_wait3A_170 : memref<128x64xf32, #tpu.memory_space<vmem_shared>>)
      tpu.yield
    }) : () -> ()
    %add3A_18 = arith.constant 384 : i32
    %add3A_19 = arith.addi %mul3A_4, %add3A_18 : i32
    "tpu.region"() ({
      %run_scoped3A = tpu.sem_alloc : memref<!tpu.dma_semaphore, #tpu.memory_space<semaphore_mem>>
      %dma_start3A_163 = arith.constant 0 : i32
      %dma_start3A_164 = tpu.memref_slice %arg12[%add3A_19, %dma_start3A_163] : memref<10496x64xf32, #tpu.memory_space<vmem_shared>> -> memref<128x64xf32, #tpu.memory_space<vmem_shared>>
      %dma_start3A_165 = arith.constant 0 : i32
      %dma_start3A_166 = tpu.memref_slice %arg12[%add3A_19, %dma_start3A_165] : memref<10496x64xf32, #tpu.memory_space<vmem_shared>> -> memref<128x64xf32, #tpu.memory_space<vmem_shared>>
      tpu.enqueue_dma source(%arg8 : memref<128x64xf32, #tpu.memory_space<vmem>>) target(%dma_start3A_166 : memref<128x64xf32, #tpu.memory_space<vmem_shared>>) target_semaphore(%run_scoped3A : memref<!tpu.dma_semaphore, #tpu.memory_space<semaphore_mem>>)
      %dma_wait3A_167 = arith.constant 0 : i32
      %dma_wait3A_168 = tpu.memref_slice %arg12[%add3A_19, %dma_wait3A_167] : memref<10496x64xf32, #tpu.memory_space<vmem_shared>> -> memref<128x64xf32, #tpu.memory_space<vmem_shared>>
      %dma_wait3A_169 = arith.constant 0 : i32
      %dma_wait3A_170 = tpu.memref_slice %arg12[%add3A_19, %dma_wait3A_169] : memref<10496x64xf32, #tpu.memory_space<vmem_shared>> -> memref<128x64xf32, #tpu.memory_space<vmem_shared>>
      tpu.wait_dma2 semaphore(%run_scoped3A : memref<!tpu.dma_semaphore, #tpu.memory_space<semaphore_mem>>) src(%arg8 : memref<128x64xf32, #tpu.memory_space<vmem>>) dst(%dma_wait3A_170 : memref<128x64xf32, #tpu.memory_space<vmem_shared>>)
      tpu.yield
    }) : () -> ()
    %add3A_20 = arith.constant 512 : i32
    %add3A_21 = arith.addi %mul3A_4, %add3A_20 : i32
    "tpu.region"() ({
      %run_scoped3A = tpu.sem_alloc : memref<!tpu.dma_semaphore, #tpu.memory_space<semaphore_mem>>
      %dma_start3A_163 = arith.constant 0 : i32
      %dma_start3A_164 = tpu.memref_slice %arg12[%add3A_21, %dma_start3A_163] : memref<10496x64xf32, #tpu.memory_space<vmem_shared>> -> memref<128x64xf32, #tpu.memory_space<vmem_shared>>
      %dma_start3A_165 = arith.constant 0 : i32
      %dma_start3A_166 = tpu.memref_slice %arg12[%add3A_21, %dma_start3A_165] : memref<10496x64xf32, #tpu.memory_space<vmem_shared>> -> memref<128x64xf32, #tpu.memory_space<vmem_shared>>
      tpu.enqueue_dma source(%arg8 : memref<128x64xf32, #tpu.memory_space<vmem>>) target(%dma_start3A_166 : memref<128x64xf32, #tpu.memory_space<vmem_shared>>) target_semaphore(%run_scoped3A : memref<!tpu.dma_semaphore, #tpu.memory_space<semaphore_mem>>)
      %dma_wait3A_167 = arith.constant 0 : i32
      %dma_wait3A_168 = tpu.memref_slice %arg12[%add3A_21, %dma_wait3A_167] : memref<10496x64xf32, #tpu.memory_space<vmem_shared>> -> memref<128x64xf32, #tpu.memory_space<vmem_shared>>
      %dma_wait3A_169 = arith.constant 0 : i32
      %dma_wait3A_170 = tpu.memref_slice %arg12[%add3A_21, %dma_wait3A_169] : memref<10496x64xf32, #tpu.memory_space<vmem_shared>> -> memref<128x64xf32, #tpu.memory_space<vmem_shared>>
      tpu.wait_dma2 semaphore(%run_scoped3A : memref<!tpu.dma_semaphore, #tpu.memory_space<semaphore_mem>>) src(%arg8 : memref<128x64xf32, #tpu.memory_space<vmem>>) dst(%dma_wait3A_170 : memref<128x64xf32, #tpu.memory_space<vmem_shared>>)
      tpu.yield
    }) : () -> ()
    %add3A_22 = arith.constant 640 : i32
    %add3A_23 = arith.addi %mul3A_4, %add3A_22 : i32
    "tpu.region"() ({
      %run_scoped3A = tpu.sem_alloc : memref<!tpu.dma_semaphore, #tpu.memory_space<semaphore_mem>>
      %dma_start3A_163 = arith.constant 0 : i32
      %dma_start3A_164 = arith.constant 0 : i32
      %dma_start3A_165 = tpu.memref_slice %arg8[%dma_start3A_163, %dma_start3A_164] : memref<128x64xf32, #tpu.memory_space<vmem>> -> memref<16x64xf32, #tpu.memory_space<vmem>>
      %dma_start3A_166 = arith.constant 0 : i32
      %dma_start3A_167 = tpu.memref_slice %arg12[%add3A_23, %dma_start3A_166] : memref<10496x64xf32, #tpu.memory_space<vmem_shared>> -> memref<16x64xf32, #tpu.memory_space<vmem_shared>>
      %dma_start3A_168 = arith.constant 0 : i32
      %dma_start3A_169 = tpu.memref_slice %arg12[%add3A_23, %dma_start3A_168] : memref<10496x64xf32, #tpu.memory_space<vmem_shared>> -> memref<16x64xf32, #tpu.memory_space<vmem_shared>>
      %dma_start3A_170 = arith.constant 0 : i32
      %dma_start3A_171 = arith.constant 0 : i32
      %dma_start3A_172 = tpu.memref_slice %arg8[%dma_start3A_170, %dma_start3A_171] : memref<128x64xf32, #tpu.memory_space<vmem>> -> memref<16x64xf32, #tpu.memory_space<vmem>>
      tpu.enqueue_dma source(%dma_start3A_172 : memref<16x64xf32, #tpu.memory_space<vmem>>) target(%dma_start3A_169 : memref<16x64xf32, #tpu.memory_space<vmem_shared>>) target_semaphore(%run_scoped3A : memref<!tpu.dma_semaphore, #tpu.memory_space<semaphore_mem>>)
      %dma_wait3A_173 = arith.constant 0 : i32
      %dma_wait3A_174 = arith.constant 0 : i32
      %dma_wait3A_175 = tpu.memref_slice %arg8[%dma_wait3A_173, %dma_wait3A_174] : memref<128x64xf32, #tpu.memory_space<vmem>> -> memref<16x64xf32, #tpu.memory_space<vmem>>
      %dma_wait3A_176 = arith.constant 0 : i32
      %dma_wait3A_177 = tpu.memref_slice %arg12[%add3A_23, %dma_wait3A_176] : memref<10496x64xf32, #tpu.memory_space<vmem_shared>> -> memref<16x64xf32, #tpu.memory_space<vmem_shared>>
      %dma_wait3A_178 = arith.constant 0 : i32
      %dma_wait3A_179 = tpu.memref_slice %arg12[%add3A_23, %dma_wait3A_178] : memref<10496x64xf32, #tpu.memory_space<vmem_shared>> -> memref<16x64xf32, #tpu.memory_space<vmem_shared>>
      %dma_wait3A_180 = arith.constant 0 : i32
      %dma_wait3A_181 = arith.constant 0 : i32
      %dma_wait3A_182 = tpu.memref_slice %arg8[%dma_wait3A_180, %dma_wait3A_181] : memref<128x64xf32, #tpu.memory_space<vmem>> -> memref<16x64xf32, #tpu.memory_space<vmem>>
      tpu.wait_dma2 semaphore(%run_scoped3A : memref<!tpu.dma_semaphore, #tpu.memory_space<semaphore_mem>>) src(%dma_wait3A_182 : memref<16x64xf32, #tpu.memory_space<vmem>>) dst(%dma_wait3A_179 : memref<16x64xf32, #tpu.memory_space<vmem_shared>>)
      tpu.yield
    }) : () -> ()
    %barrier3A = arith.constant 0 : index
    tpu.barrier barrier_id(%barrier3A)
    %dma_start3A = arith.constant 0 : i32
    %dma_start3A_24 = arith.constant 0 : i32
    %dma_start3A_25 = tpu.memref_slice %arg6[%dma_start3A, %dma_start3A_24] : memref<160x128xi32, #tpu.memory_space<vmem>> -> memref<1x128xi32, #tpu.memory_space<vmem>>
    %dma_start3A_26 = tpu.memref_squeeze %dma_start3A_25 : memref<1x128xi32, #tpu.memory_space<vmem>> -> memref<128xi32, #tpu.memory_space<vmem>>
    %dma_start3A_27 = arith.constant 0 : i32
    %dma_start3A_28 = arith.constant 0 : i32
    %dma_start3A_29 = tpu.memref_slice %arg2[%dma_start3A_27, %dma_start3A_28] : memref<40000x64xf32, #tpu.memory_space<hbm>> -> memref<40000x64xf32, #tpu.memory_space<hbm>>
    tpu.enqueue_indirect_dma source(%dma_start3A_29 : memref<40000x64xf32, #tpu.memory_space<hbm>>) target(%arg8 : memref<128x64xf32, #tpu.memory_space<vmem>>) offsets(%dma_start3A_26 : memref<128xi32, #tpu.memory_space<vmem>>) semaphore(%arg13 : memref<!tpu.dma_semaphore, #tpu.memory_space<semaphore_mem>>)
    %dma_start3A_30 = arith.constant 1 : i32
    %dma_start3A_31 = arith.constant 0 : i32
    %dma_start3A_32 = tpu.memref_slice %arg6[%dma_start3A_30, %dma_start3A_31] : memref<160x128xi32, #tpu.memory_space<vmem>> -> memref<1x128xi32, #tpu.memory_space<vmem>>
    %dma_start3A_33 = tpu.memref_squeeze %dma_start3A_32 : memref<1x128xi32, #tpu.memory_space<vmem>> -> memref<128xi32, #tpu.memory_space<vmem>>
    %dma_start3A_34 = arith.constant 0 : i32
    %dma_start3A_35 = arith.constant 0 : i32
    %dma_start3A_36 = tpu.memref_slice %arg2[%dma_start3A_34, %dma_start3A_35] : memref<40000x64xf32, #tpu.memory_space<hbm>> -> memref<40000x64xf32, #tpu.memory_space<hbm>>
    tpu.enqueue_indirect_dma source(%dma_start3A_36 : memref<40000x64xf32, #tpu.memory_space<hbm>>) target(%arg9 : memref<128x64xf32, #tpu.memory_space<vmem>>) offsets(%dma_start3A_33 : memref<128xi32, #tpu.memory_space<vmem>>) semaphore(%arg14 : memref<!tpu.dma_semaphore, #tpu.memory_space<semaphore_mem>>)
    %dma_start3A_37 = arith.constant 2 : i32
    %dma_start3A_38 = arith.constant 0 : i32
    %dma_start3A_39 = tpu.memref_slice %arg6[%dma_start3A_37, %dma_start3A_38] : memref<160x128xi32, #tpu.memory_space<vmem>> -> memref<1x128xi32, #tpu.memory_space<vmem>>
    %dma_start3A_40 = tpu.memref_squeeze %dma_start3A_39 : memref<1x128xi32, #tpu.memory_space<vmem>> -> memref<128xi32, #tpu.memory_space<vmem>>
    %dma_start3A_41 = arith.constant 0 : i32
    %dma_start3A_42 = arith.constant 0 : i32
    %dma_start3A_43 = tpu.memref_slice %arg2[%dma_start3A_41, %dma_start3A_42] : memref<40000x64xf32, #tpu.memory_space<hbm>> -> memref<40000x64xf32, #tpu.memory_space<hbm>>
    tpu.enqueue_indirect_dma source(%dma_start3A_43 : memref<40000x64xf32, #tpu.memory_space<hbm>>) target(%arg10 : memref<128x64xf32, #tpu.memory_space<vmem>>) offsets(%dma_start3A_40 : memref<128xi32, #tpu.memory_space<vmem>>) semaphore(%arg15 : memref<!tpu.dma_semaphore, #tpu.memory_space<semaphore_mem>>)
    %scan3A_44 = arith.constant 0 : i32
    %scan3A_45 = arith.constant 0 : i32
    %scan3A_46 = arith.constant 40 : i32
    %scan3A_47 = arith.addi %scan3A_45, %scan3A_46 : i32
    %scan3A_48 = arith.constant 1 : i32
    scf.for %scan3A_163 = %scan3A_45 to %scan3A_47 step %scan3A_48  : i32 {
      %mul3A_164 = arith.constant 4 : i32
      %mul3A_165 = arith.muli %scan3A_163, %mul3A_164 : i32
      %add3A_166 = arith.constant 0 : i32
      %add3A_167 = arith.addi %mul3A_165, %add3A_166 : i32
      %dma_wait3A_168 = arith.constant 0 : i32
      %dma_wait3A_169 = tpu.memref_slice %arg6[%add3A_167, %dma_wait3A_168] : memref<160x128xi32, #tpu.memory_space<vmem>> -> memref<1x128xi32, #tpu.memory_space<vmem>>
      %dma_wait3A_170 = tpu.memref_squeeze %dma_wait3A_169 : memref<1x128xi32, #tpu.memory_space<vmem>> -> memref<128xi32, #tpu.memory_space<vmem>>
      %dma_wait3A_171 = arith.constant 0 : i32
      %dma_wait3A_172 = arith.constant 0 : i32
      %dma_wait3A_173 = tpu.memref_slice %arg2[%dma_wait3A_171, %dma_wait3A_172] : memref<40000x64xf32, #tpu.memory_space<hbm>> -> memref<40000x64xf32, #tpu.memory_space<hbm>>
      tpu.wait_indirect_dma semaphore(%arg13 : memref<!tpu.dma_semaphore, #tpu.memory_space<semaphore_mem>>) src(%dma_wait3A_173 : memref<40000x64xf32, #tpu.memory_space<hbm>>) dst(%arg8 : memref<128x64xf32, #tpu.memory_space<vmem>>)
      %dma_start3A_174 = arith.constant 0 : i32
      %dma_start3A_175 = tpu.memref_slice %arg7[%add3A_167, %dma_start3A_174] : memref<160x128xi32, #tpu.memory_space<vmem>> -> memref<1x128xi32, #tpu.memory_space<vmem>>
      %dma_start3A_176 = tpu.memref_squeeze %dma_start3A_175 : memref<1x128xi32, #tpu.memory_space<vmem>> -> memref<128xi32, #tpu.memory_space<vmem>>
      %dma_start3A_177 = arith.constant 0 : i32
      %dma_start3A_178 = arith.constant 0 : i32
      %dma_start3A_179 = tpu.memref_slice %arg12[%dma_start3A_177, %dma_start3A_178] : memref<10496x64xf32, #tpu.memory_space<vmem_shared>> -> memref<10496x64xf32, #tpu.memory_space<vmem_shared>>
      tpu.enqueue_indirect_dma source(%arg8 : memref<128x64xf32, #tpu.memory_space<vmem>>) target(%dma_start3A_179 : memref<10496x64xf32, #tpu.memory_space<vmem_shared>>) offsets(%dma_start3A_176 : memref<128xi32, #tpu.memory_space<vmem>>) semaphore(%arg17 : memref<!tpu.dma_semaphore, #tpu.memory_space<semaphore_mem>>) {add = true}
      %ge3A = arith.constant 1 : i32
      %ge3A_180 = arith.cmpi sge, %add3A_167, %ge3A : i32
      %add3A_181 = arith.constant 4 : i32
      %add3A_182 = arith.addi %add3A_167, %add3A_181 : i32
      %sub3A = arith.constant 1 : i32
      %sub3A_183 = arith.subi %add3A_182, %sub3A : i32
      %lt3A = arith.constant 160 : i32
      %lt3A_184 = arith.cmpi slt, %sub3A_183, %lt3A : i32
      %and3A = arith.andi %ge3A_180, %lt3A_184 : i1
      %convert_element_type3A = arith.extui %and3A : i1 to i32
      %cond3A = arith.constant 0 : i32
      %cond3A_185 = arith.cmpi ne, %convert_element_type3A, %cond3A : i32
      scf.if %cond3A_185 {
        %sub3A_300 = arith.constant 1 : i32
        %sub3A_301 = arith.subi %add3A_167, %sub3A_300 : i32
        %dma_wait3A_302 = arith.constant 0 : i32
        %dma_wait3A_303 = tpu.memref_slice %arg7[%sub3A_301, %dma_wait3A_302] : memref<160x128xi32, #tpu.memory_space<vmem>> -> memref<1x128xi32, #tpu.memory_space<vmem>>
        %dma_wait3A_304 = tpu.memref_squeeze %dma_wait3A_303 : memref<1x128xi32, #tpu.memory_space<vmem>> -> memref<128xi32, #tpu.memory_space<vmem>>
        %dma_wait3A_305 = arith.constant 0 : i32
        %dma_wait3A_306 = arith.constant 0 : i32
        %dma_wait3A_307 = tpu.memref_slice %arg12[%dma_wait3A_305, %dma_wait3A_306] : memref<10496x64xf32, #tpu.memory_space<vmem_shared>> -> memref<10496x64xf32, #tpu.memory_space<vmem_shared>>
        tpu.wait_indirect_dma semaphore(%arg20 : memref<!tpu.dma_semaphore, #tpu.memory_space<semaphore_mem>>) src(%arg11 : memref<128x64xf32, #tpu.memory_space<vmem>>) dst(%dma_wait3A_307 : memref<10496x64xf32, #tpu.memory_space<vmem_shared>>)
      } else {
      }
      %add3A_186 = arith.constant 4 : i32
      %add3A_187 = arith.addi %add3A_167, %add3A_186 : i32
      %sub3A_188 = arith.constant 1 : i32
      %sub3A_189 = arith.subi %add3A_187, %sub3A_188 : i32
      %lt3A_190 = arith.constant 160 : i32
      %lt3A_191 = arith.cmpi slt, %sub3A_189, %lt3A_190 : i32
      %convert_element_type3A_192 = arith.extui %lt3A_191 : i1 to i32
      %cond3A_193 = arith.constant 0 : i32
      %cond3A_194 = arith.cmpi ne, %convert_element_type3A_192, %cond3A_193 : i32
      scf.if %cond3A_194 {
        %add3A_300 = arith.constant 4 : i32
        %add3A_301 = arith.addi %add3A_167, %add3A_300 : i32
        %sub3A_302 = arith.constant 1 : i32
        %sub3A_303 = arith.subi %add3A_301, %sub3A_302 : i32
        %dma_start3A_304 = arith.constant 0 : i32
        %dma_start3A_305 = tpu.memref_slice %arg6[%sub3A_303, %dma_start3A_304] : memref<160x128xi32, #tpu.memory_space<vmem>> -> memref<1x128xi32, #tpu.memory_space<vmem>>
        %dma_start3A_306 = tpu.memref_squeeze %dma_start3A_305 : memref<1x128xi32, #tpu.memory_space<vmem>> -> memref<128xi32, #tpu.memory_space<vmem>>
        %dma_start3A_307 = arith.constant 0 : i32
        %dma_start3A_308 = arith.constant 0 : i32
        %dma_start3A_309 = tpu.memref_slice %arg2[%dma_start3A_307, %dma_start3A_308] : memref<40000x64xf32, #tpu.memory_space<hbm>> -> memref<40000x64xf32, #tpu.memory_space<hbm>>
        tpu.enqueue_indirect_dma source(%dma_start3A_309 : memref<40000x64xf32, #tpu.memory_space<hbm>>) target(%arg11 : memref<128x64xf32, #tpu.memory_space<vmem>>) offsets(%dma_start3A_306 : memref<128xi32, #tpu.memory_space<vmem>>) semaphore(%arg16 : memref<!tpu.dma_semaphore, #tpu.memory_space<semaphore_mem>>)
      } else {
      }
      %add3A_195 = arith.constant 1 : i32
      %add3A_196 = arith.addi %mul3A_165, %add3A_195 : i32
      %dma_wait3A_197 = arith.constant 0 : i32
      %dma_wait3A_198 = tpu.memref_slice %arg6[%add3A_196, %dma_wait3A_197] : memref<160x128xi32, #tpu.memory_space<vmem>> -> memref<1x128xi32, #tpu.memory_space<vmem>>
      %dma_wait3A_199 = tpu.memref_squeeze %dma_wait3A_198 : memref<1x128xi32, #tpu.memory_space<vmem>> -> memref<128xi32, #tpu.memory_space<vmem>>
      %dma_wait3A_200 = arith.constant 0 : i32
      %dma_wait3A_201 = arith.constant 0 : i32
      %dma_wait3A_202 = tpu.memref_slice %arg2[%dma_wait3A_200, %dma_wait3A_201] : memref<40000x64xf32, #tpu.memory_space<hbm>> -> memref<40000x64xf32, #tpu.memory_space<hbm>>
      tpu.wait_indirect_dma semaphore(%arg14 : memref<!tpu.dma_semaphore, #tpu.memory_space<semaphore_mem>>) src(%dma_wait3A_202 : memref<40000x64xf32, #tpu.memory_space<hbm>>) dst(%arg9 : memref<128x64xf32, #tpu.memory_space<vmem>>)
      %dma_start3A_203 = arith.constant 0 : i32
      %dma_start3A_204 = tpu.memref_slice %arg7[%add3A_196, %dma_start3A_203] : memref<160x128xi32, #tpu.memory_space<vmem>> -> memref<1x128xi32, #tpu.memory_space<vmem>>
      %dma_start3A_205 = tpu.memref_squeeze %dma_start3A_204 : memref<1x128xi32, #tpu.memory_space<vmem>> -> memref<128xi32, #tpu.memory_space<vmem>>
      %dma_start3A_206 = arith.constant 0 : i32
      %dma_start3A_207 = arith.constant 0 : i32
      %dma_start3A_208 = tpu.memref_slice %arg12[%dma_start3A_206, %dma_start3A_207] : memref<10496x64xf32, #tpu.memory_space<vmem_shared>> -> memref<10496x64xf32, #tpu.memory_space<vmem_shared>>
      tpu.enqueue_indirect_dma source(%arg9 : memref<128x64xf32, #tpu.memory_space<vmem>>) target(%dma_start3A_208 : memref<10496x64xf32, #tpu.memory_space<vmem_shared>>) offsets(%dma_start3A_205 : memref<128xi32, #tpu.memory_space<vmem>>) semaphore(%arg18 : memref<!tpu.dma_semaphore, #tpu.memory_space<semaphore_mem>>) {add = true}
      %ge3A_209 = arith.constant 1 : i32
      %ge3A_210 = arith.cmpi sge, %add3A_196, %ge3A_209 : i32
      %add3A_211 = arith.constant 4 : i32
      %add3A_212 = arith.addi %add3A_196, %add3A_211 : i32
      %sub3A_213 = arith.constant 1 : i32
      %sub3A_214 = arith.subi %add3A_212, %sub3A_213 : i32
      %lt3A_215 = arith.constant 160 : i32
      %lt3A_216 = arith.cmpi slt, %sub3A_214, %lt3A_215 : i32
      %and3A_217 = arith.andi %ge3A_210, %lt3A_216 : i1
      %convert_element_type3A_218 = arith.extui %and3A_217 : i1 to i32
      %cond3A_219 = arith.constant 0 : i32
      %cond3A_220 = arith.cmpi ne, %convert_element_type3A_218, %cond3A_219 : i32
      scf.if %cond3A_220 {
        %sub3A_300 = arith.constant 1 : i32
        %sub3A_301 = arith.subi %add3A_196, %sub3A_300 : i32
        %dma_wait3A_302 = arith.constant 0 : i32
        %dma_wait3A_303 = tpu.memref_slice %arg7[%sub3A_301, %dma_wait3A_302] : memref<160x128xi32, #tpu.memory_space<vmem>> -> memref<1x128xi32, #tpu.memory_space<vmem>>
        %dma_wait3A_304 = tpu.memref_squeeze %dma_wait3A_303 : memref<1x128xi32, #tpu.memory_space<vmem>> -> memref<128xi32, #tpu.memory_space<vmem>>
        %dma_wait3A_305 = arith.constant 0 : i32
        %dma_wait3A_306 = arith.constant 0 : i32
        %dma_wait3A_307 = tpu.memref_slice %arg12[%dma_wait3A_305, %dma_wait3A_306] : memref<10496x64xf32, #tpu.memory_space<vmem_shared>> -> memref<10496x64xf32, #tpu.memory_space<vmem_shared>>
        tpu.wait_indirect_dma semaphore(%arg17 : memref<!tpu.dma_semaphore, #tpu.memory_space<semaphore_mem>>) src(%arg8 : memref<128x64xf32, #tpu.memory_space<vmem>>) dst(%dma_wait3A_307 : memref<10496x64xf32, #tpu.memory_space<vmem_shared>>)
      } else {
      }
      %add3A_221 = arith.constant 4 : i32
      %add3A_222 = arith.addi %add3A_196, %add3A_221 : i32
      %sub3A_223 = arith.constant 1 : i32
      %sub3A_224 = arith.subi %add3A_222, %sub3A_223 : i32
      %lt3A_225 = arith.constant 160 : i32
      %lt3A_226 = arith.cmpi slt, %sub3A_224, %lt3A_225 : i32
      %convert_element_type3A_227 = arith.extui %lt3A_226 : i1 to i32
      %cond3A_228 = arith.constant 0 : i32
      %cond3A_229 = arith.cmpi ne, %convert_element_type3A_227, %cond3A_228 : i32
      scf.if %cond3A_229 {
        %add3A_300 = arith.constant 4 : i32
        %add3A_301 = arith.addi %add3A_196, %add3A_300 : i32
        %sub3A_302 = arith.constant 1 : i32
        %sub3A_303 = arith.subi %add3A_301, %sub3A_302 : i32
        %dma_start3A_304 = arith.constant 0 : i32
        %dma_start3A_305 = tpu.memref_slice %arg6[%sub3A_303, %dma_start3A_304] : memref<160x128xi32, #tpu.memory_space<vmem>> -> memref<1x128xi32, #tpu.memory_space<vmem>>
        %dma_start3A_306 = tpu.memref_squeeze %dma_start3A_305 : memref<1x128xi32, #tpu.memory_space<vmem>> -> memref<128xi32, #tpu.memory_space<vmem>>
        %dma_start3A_307 = arith.constant 0 : i32
        %dma_start3A_308 = arith.constant 0 : i32
        %dma_start3A_309 = tpu.memref_slice %arg2[%dma_start3A_307, %dma_start3A_308] : memref<40000x64xf32, #tpu.memory_space<hbm>> -> memref<40000x64xf32, #tpu.memory_space<hbm>>
        tpu.enqueue_indirect_dma source(%dma_start3A_309 : memref<40000x64xf32, #tpu.memory_space<hbm>>) target(%arg8 : memref<128x64xf32, #tpu.memory_space<vmem>>) offsets(%dma_start3A_306 : memref<128xi32, #tpu.memory_space<vmem>>) semaphore(%arg13 : memref<!tpu.dma_semaphore, #tpu.memory_space<semaphore_mem>>)
      } else {
      }
      %add3A_230 = arith.constant 2 : i32
      %add3A_231 = arith.addi %mul3A_165, %add3A_230 : i32
      %dma_wait3A_232 = arith.constant 0 : i32
      %dma_wait3A_233 = tpu.memref_slice %arg6[%add3A_231, %dma_wait3A_232] : memref<160x128xi32, #tpu.memory_space<vmem>> -> memref<1x128xi32, #tpu.memory_space<vmem>>
      %dma_wait3A_234 = tpu.memref_squeeze %dma_wait3A_233 : memref<1x128xi32, #tpu.memory_space<vmem>> -> memref<128xi32, #tpu.memory_space<vmem>>
      %dma_wait3A_235 = arith.constant 0 : i32
      %dma_wait3A_236 = arith.constant 0 : i32
      %dma_wait3A_237 = tpu.memref_slice %arg2[%dma_wait3A_235, %dma_wait3A_236] : memref<40000x64xf32, #tpu.memory_space<hbm>> -> memref<40000x64xf32, #tpu.memory_space<hbm>>
      tpu.wait_indirect_dma semaphore(%arg15 : memref<!tpu.dma_semaphore, #tpu.memory_space<semaphore_mem>>) src(%dma_wait3A_237 : memref<40000x64xf32, #tpu.memory_space<hbm>>) dst(%arg10 : memref<128x64xf32, #tpu.memory_space<vmem>>)
      %dma_start3A_238 = arith.constant 0 : i32
      %dma_start3A_239 = tpu.memref_slice %arg7[%add3A_231, %dma_start3A_238] : memref<160x128xi32, #tpu.memory_space<vmem>> -> memref<1x128xi32, #tpu.memory_space<vmem>>
      %dma_start3A_240 = tpu.memref_squeeze %dma_start3A_239 : memref<1x128xi32, #tpu.memory_space<vmem>> -> memref<128xi32, #tpu.memory_space<vmem>>
      %dma_start3A_241 = arith.constant 0 : i32
      %dma_start3A_242 = arith.constant 0 : i32
      %dma_start3A_243 = tpu.memref_slice %arg12[%dma_start3A_241, %dma_start3A_242] : memref<10496x64xf32, #tpu.memory_space<vmem_shared>> -> memref<10496x64xf32, #tpu.memory_space<vmem_shared>>
      tpu.enqueue_indirect_dma source(%arg10 : memref<128x64xf32, #tpu.memory_space<vmem>>) target(%dma_start3A_243 : memref<10496x64xf32, #tpu.memory_space<vmem_shared>>) offsets(%dma_start3A_240 : memref<128xi32, #tpu.memory_space<vmem>>) semaphore(%arg19 : memref<!tpu.dma_semaphore, #tpu.memory_space<semaphore_mem>>) {add = true}
      %ge3A_244 = arith.constant 1 : i32
      %ge3A_245 = arith.cmpi sge, %add3A_231, %ge3A_244 : i32
      %add3A_246 = arith.constant 4 : i32
      %add3A_247 = arith.addi %add3A_231, %add3A_246 : i32
      %sub3A_248 = arith.constant 1 : i32
      %sub3A_249 = arith.subi %add3A_247, %sub3A_248 : i32
      %lt3A_250 = arith.constant 160 : i32
      %lt3A_251 = arith.cmpi slt, %sub3A_249, %lt3A_250 : i32
      %and3A_252 = arith.andi %ge3A_245, %lt3A_251 : i1
      %convert_element_type3A_253 = arith.extui %and3A_252 : i1 to i32
      %cond3A_254 = arith.constant 0 : i32
      %cond3A_255 = arith.cmpi ne, %convert_element_type3A_253, %cond3A_254 : i32
      scf.if %cond3A_255 {
        %sub3A_300 = arith.constant 1 : i32
        %sub3A_301 = arith.subi %add3A_231, %sub3A_300 : i32
        %dma_wait3A_302 = arith.constant 0 : i32
        %dma_wait3A_303 = tpu.memref_slice %arg7[%sub3A_301, %dma_wait3A_302] : memref<160x128xi32, #tpu.memory_space<vmem>> -> memref<1x128xi32, #tpu.memory_space<vmem>>
        %dma_wait3A_304 = tpu.memref_squeeze %dma_wait3A_303 : memref<1x128xi32, #tpu.memory_space<vmem>> -> memref<128xi32, #tpu.memory_space<vmem>>
        %dma_wait3A_305 = arith.constant 0 : i32
        %dma_wait3A_306 = arith.constant 0 : i32
        %dma_wait3A_307 = tpu.memref_slice %arg12[%dma_wait3A_305, %dma_wait3A_306] : memref<10496x64xf32, #tpu.memory_space<vmem_shared>> -> memref<10496x64xf32, #tpu.memory_space<vmem_shared>>
        tpu.wait_indirect_dma semaphore(%arg18 : memref<!tpu.dma_semaphore, #tpu.memory_space<semaphore_mem>>) src(%arg9 : memref<128x64xf32, #tpu.memory_space<vmem>>) dst(%dma_wait3A_307 : memref<10496x64xf32, #tpu.memory_space<vmem_shared>>)
      } else {
      }
      %add3A_256 = arith.constant 4 : i32
      %add3A_257 = arith.addi %add3A_231, %add3A_256 : i32
      %sub3A_258 = arith.constant 1 : i32
      %sub3A_259 = arith.subi %add3A_257, %sub3A_258 : i32
      %lt3A_260 = arith.constant 160 : i32
      %lt3A_261 = arith.cmpi slt, %sub3A_259, %lt3A_260 : i32
      %convert_element_type3A_262 = arith.extui %lt3A_261 : i1 to i32
      %cond3A_263 = arith.constant 0 : i32
      %cond3A_264 = arith.cmpi ne, %convert_element_type3A_262, %cond3A_263 : i32
      scf.if %cond3A_264 {
        %add3A_300 = arith.constant 4 : i32
        %add3A_301 = arith.addi %add3A_231, %add3A_300 : i32
        %sub3A_302 = arith.constant 1 : i32
        %sub3A_303 = arith.subi %add3A_301, %sub3A_302 : i32
        %dma_start3A_304 = arith.constant 0 : i32
        %dma_start3A_305 = tpu.memref_slice %arg6[%sub3A_303, %dma_start3A_304] : memref<160x128xi32, #tpu.memory_space<vmem>> -> memref<1x128xi32, #tpu.memory_space<vmem>>
        %dma_start3A_306 = tpu.memref_squeeze %dma_start3A_305 : memref<1x128xi32, #tpu.memory_space<vmem>> -> memref<128xi32, #tpu.memory_space<vmem>>
        %dma_start3A_307 = arith.constant 0 : i32
        %dma_start3A_308 = arith.constant 0 : i32
        %dma_start3A_309 = tpu.memref_slice %arg2[%dma_start3A_307, %dma_start3A_308] : memref<40000x64xf32, #tpu.memory_space<hbm>> -> memref<40000x64xf32, #tpu.memory_space<hbm>>
        tpu.enqueue_indirect_dma source(%dma_start3A_309 : memref<40000x64xf32, #tpu.memory_space<hbm>>) target(%arg9 : memref<128x64xf32, #tpu.memory_space<vmem>>) offsets(%dma_start3A_306 : memref<128xi32, #tpu.memory_space<vmem>>) semaphore(%arg14 : memref<!tpu.dma_semaphore, #tpu.memory_space<semaphore_mem>>)
      } else {
      }
      %add3A_265 = arith.constant 3 : i32
      %add3A_266 = arith.addi %mul3A_165, %add3A_265 : i32
      %dma_wait3A_267 = arith.constant 0 : i32
      %dma_wait3A_268 = tpu.memref_slice %arg6[%add3A_266, %dma_wait3A_267] : memref<160x128xi32, #tpu.memory_space<vmem>> -> memref<1x128xi32, #tpu.memory_space<vmem>>
      %dma_wait3A_269 = tpu.memref_squeeze %dma_wait3A_268 : memref<1x128xi32, #tpu.memory_space<vmem>> -> memref<128xi32, #tpu.memory_space<vmem>>
      %dma_wait3A_270 = arith.constant 0 : i32
      %dma_wait3A_271 = arith.constant 0 : i32
      %dma_wait3A_272 = tpu.memref_slice %arg2[%dma_wait3A_270, %dma_wait3A_271] : memref<40000x64xf32, #tpu.memory_space<hbm>> -> memref<40000x64xf32, #tpu.memory_space<hbm>>
      tpu.wait_indirect_dma semaphore(%arg16 : memref<!tpu.dma_semaphore, #tpu.memory_space<semaphore_mem>>) src(%dma_wait3A_272 : memref<40000x64xf32, #tpu.memory_space<hbm>>) dst(%arg11 : memref<128x64xf32, #tpu.memory_space<vmem>>)
      %dma_start3A_273 = arith.constant 0 : i32
      %dma_start3A_274 = tpu.memref_slice %arg7[%add3A_266, %dma_start3A_273] : memref<160x128xi32, #tpu.memory_space<vmem>> -> memref<1x128xi32, #tpu.memory_space<vmem>>
      %dma_start3A_275 = tpu.memref_squeeze %dma_start3A_274 : memref<1x128xi32, #tpu.memory_space<vmem>> -> memref<128xi32, #tpu.memory_space<vmem>>
      %dma_start3A_276 = arith.constant 0 : i32
      %dma_start3A_277 = arith.constant 0 : i32
      %dma_start3A_278 = tpu.memref_slice %arg12[%dma_start3A_276, %dma_start3A_277] : memref<10496x64xf32, #tpu.memory_space<vmem_shared>> -> memref<10496x64xf32, #tpu.memory_space<vmem_shared>>
      tpu.enqueue_indirect_dma source(%arg11 : memref<128x64xf32, #tpu.memory_space<vmem>>) target(%dma_start3A_278 : memref<10496x64xf32, #tpu.memory_space<vmem_shared>>) offsets(%dma_start3A_275 : memref<128xi32, #tpu.memory_space<vmem>>) semaphore(%arg20 : memref<!tpu.dma_semaphore, #tpu.memory_space<semaphore_mem>>) {add = true}
      %ge3A_279 = arith.constant 1 : i32
      %ge3A_280 = arith.cmpi sge, %add3A_266, %ge3A_279 : i32
      %add3A_281 = arith.constant 4 : i32
      %add3A_282 = arith.addi %add3A_266, %add3A_281 : i32
      %sub3A_283 = arith.constant 1 : i32
      %sub3A_284 = arith.subi %add3A_282, %sub3A_283 : i32
      %lt3A_285 = arith.constant 160 : i32
      %lt3A_286 = arith.cmpi slt, %sub3A_284, %lt3A_285 : i32
      %and3A_287 = arith.andi %ge3A_280, %lt3A_286 : i1
      %convert_element_type3A_288 = arith.extui %and3A_287 : i1 to i32
      %cond3A_289 = arith.constant 0 : i32
      %cond3A_290 = arith.cmpi ne, %convert_element_type3A_288, %cond3A_289 : i32
      scf.if %cond3A_290 {
        %sub3A_300 = arith.constant 1 : i32
        %sub3A_301 = arith.subi %add3A_266, %sub3A_300 : i32
        %dma_wait3A_302 = arith.constant 0 : i32
        %dma_wait3A_303 = tpu.memref_slice %arg7[%sub3A_301, %dma_wait3A_302] : memref<160x128xi32, #tpu.memory_space<vmem>> -> memref<1x128xi32, #tpu.memory_space<vmem>>
        %dma_wait3A_304 = tpu.memref_squeeze %dma_wait3A_303 : memref<1x128xi32, #tpu.memory_space<vmem>> -> memref<128xi32, #tpu.memory_space<vmem>>
        %dma_wait3A_305 = arith.constant 0 : i32
        %dma_wait3A_306 = arith.constant 0 : i32
        %dma_wait3A_307 = tpu.memref_slice %arg12[%dma_wait3A_305, %dma_wait3A_306] : memref<10496x64xf32, #tpu.memory_space<vmem_shared>> -> memref<10496x64xf32, #tpu.memory_space<vmem_shared>>
        tpu.wait_indirect_dma semaphore(%arg19 : memref<!tpu.dma_semaphore, #tpu.memory_space<semaphore_mem>>) src(%arg10 : memref<128x64xf32, #tpu.memory_space<vmem>>) dst(%dma_wait3A_307 : memref<10496x64xf32, #tpu.memory_space<vmem_shared>>)
      } else {
      }
      %add3A_291 = arith.constant 4 : i32
      %add3A_292 = arith.addi %add3A_266, %add3A_291 : i32
      %sub3A_293 = arith.constant 1 : i32
      %sub3A_294 = arith.subi %add3A_292, %sub3A_293 : i32
      %lt3A_295 = arith.constant 160 : i32
      %lt3A_296 = arith.cmpi slt, %sub3A_294, %lt3A_295 : i32
      %convert_element_type3A_297 = arith.extui %lt3A_296 : i1 to i32
      %cond3A_298 = arith.constant 0 : i32
      %cond3A_299 = arith.cmpi ne, %convert_element_type3A_297, %cond3A_298 : i32
      scf.if %cond3A_299 {
        %add3A_300 = arith.constant 4 : i32
        %add3A_301 = arith.addi %add3A_266, %add3A_300 : i32
        %sub3A_302 = arith.constant 1 : i32
        %sub3A_303 = arith.subi %add3A_301, %sub3A_302 : i32
        %dma_start3A_304 = arith.constant 0 : i32
        %dma_start3A_305 = tpu.memref_slice %arg6[%sub3A_303, %dma_start3A_304] : memref<160x128xi32, #tpu.memory_space<vmem>> -> memref<1x128xi32, #tpu.memory_space<vmem>>
        %dma_start3A_306 = tpu.memref_squeeze %dma_start3A_305 : memref<1x128xi32, #tpu.memory_space<vmem>> -> memref<128xi32, #tpu.memory_space<vmem>>
        %dma_start3A_307 = arith.constant 0 : i32
        %dma_start3A_308 = arith.constant 0 : i32
        %dma_start3A_309 = tpu.memref_slice %arg2[%dma_start3A_307, %dma_start3A_308] : memref<40000x64xf32, #tpu.memory_space<hbm>> -> memref<40000x64xf32, #tpu.memory_space<hbm>>
        tpu.enqueue_indirect_dma source(%dma_start3A_309 : memref<40000x64xf32, #tpu.memory_space<hbm>>) target(%arg10 : memref<128x64xf32, #tpu.memory_space<vmem>>) offsets(%dma_start3A_306 : memref<128xi32, #tpu.memory_space<vmem>>) semaphore(%arg15 : memref<!tpu.dma_semaphore, #tpu.memory_space<semaphore_mem>>)
      } else {
      }
    }
    %scan3A_49 = arith.constant 40 : i32
    %dma_wait3A = arith.constant 156 : i32
    %dma_wait3A_50 = arith.constant 0 : i32
    %dma_wait3A_51 = tpu.memref_slice %arg7[%dma_wait3A, %dma_wait3A_50] : memref<160x128xi32, #tpu.memory_space<vmem>> -> memref<1x128xi32, #tpu.memory_space<vmem>>
    %dma_wait3A_52 = tpu.memref_squeeze %dma_wait3A_51 : memref<1x128xi32, #tpu.memory_space<vmem>> -> memref<128xi32, #tpu.memory_space<vmem>>
    %dma_wait3A_53 = arith.constant 0 : i32
    %dma_wait3A_54 = arith.constant 0 : i32
    %dma_wait3A_55 = tpu.memref_slice %arg12[%dma_wait3A_53, %dma_wait3A_54] : memref<10496x64xf32, #tpu.memory_space<vmem_shared>> -> memref<10496x64xf32, #tpu.memory_space<vmem_shared>>
    tpu.wait_indirect_dma semaphore(%arg17 : memref<!tpu.dma_semaphore, #tpu.memory_space<semaphore_mem>>) src(%arg8 : memref<128x64xf32, #tpu.memory_space<vmem>>) dst(%dma_wait3A_55 : memref<10496x64xf32, #tpu.memory_space<vmem_shared>>)
    %dma_wait3A_56 = arith.constant 157 : i32
    %dma_wait3A_57 = arith.constant 0 : i32
    %dma_wait3A_58 = tpu.memref_slice %arg7[%dma_wait3A_56, %dma_wait3A_57] : memref<160x128xi32, #tpu.memory_space<vmem>> -> memref<1x128xi32, #tpu.memory_space<vmem>>
    %dma_wait3A_59 = tpu.memref_squeeze %dma_wait3A_58 : memref<1x128xi32, #tpu.memory_space<vmem>> -> memref<128xi32, #tpu.memory_space<vmem>>
    %dma_wait3A_60 = arith.constant 0 : i32
    %dma_wait3A_61 = arith.constant 0 : i32
    %dma_wait3A_62 = tpu.memref_slice %arg12[%dma_wait3A_60, %dma_wait3A_61] : memref<10496x64xf32, #tpu.memory_space<vmem_shared>> -> memref<10496x64xf32, #tpu.memory_space<vmem_shared>>
    tpu.wait_indirect_dma semaphore(%arg18 : memref<!tpu.dma_semaphore, #tpu.memory_space<semaphore_mem>>) src(%arg9 : memref<128x64xf32, #tpu.memory_space<vmem>>) dst(%dma_wait3A_62 : memref<10496x64xf32, #tpu.memory_space<vmem_shared>>)
    %dma_wait3A_63 = arith.constant 158 : i32
    %dma_wait3A_64 = arith.constant 0 : i32
    %dma_wait3A_65 = tpu.memref_slice %arg7[%dma_wait3A_63, %dma_wait3A_64] : memref<160x128xi32, #tpu.memory_space<vmem>> -> memref<1x128xi32, #tpu.memory_space<vmem>>
    %dma_wait3A_66 = tpu.memref_squeeze %dma_wait3A_65 : memref<1x128xi32, #tpu.memory_space<vmem>> -> memref<128xi32, #tpu.memory_space<vmem>>
    %dma_wait3A_67 = arith.constant 0 : i32
    %dma_wait3A_68 = arith.constant 0 : i32
    %dma_wait3A_69 = tpu.memref_slice %arg12[%dma_wait3A_67, %dma_wait3A_68] : memref<10496x64xf32, #tpu.memory_space<vmem_shared>> -> memref<10496x64xf32, #tpu.memory_space<vmem_shared>>
    tpu.wait_indirect_dma semaphore(%arg19 : memref<!tpu.dma_semaphore, #tpu.memory_space<semaphore_mem>>) src(%arg10 : memref<128x64xf32, #tpu.memory_space<vmem>>) dst(%dma_wait3A_69 : memref<10496x64xf32, #tpu.memory_space<vmem_shared>>)
    %dma_wait3A_70 = arith.constant 159 : i32
    %dma_wait3A_71 = arith.constant 0 : i32
    %dma_wait3A_72 = tpu.memref_slice %arg7[%dma_wait3A_70, %dma_wait3A_71] : memref<160x128xi32, #tpu.memory_space<vmem>> -> memref<1x128xi32, #tpu.memory_space<vmem>>
    %dma_wait3A_73 = tpu.memref_squeeze %dma_wait3A_72 : memref<1x128xi32, #tpu.memory_space<vmem>> -> memref<128xi32, #tpu.memory_space<vmem>>
    %dma_wait3A_74 = arith.constant 0 : i32
    %dma_wait3A_75 = arith.constant 0 : i32
    %dma_wait3A_76 = tpu.memref_slice %arg12[%dma_wait3A_74, %dma_wait3A_75] : memref<10496x64xf32, #tpu.memory_space<vmem_shared>> -> memref<10496x64xf32, #tpu.memory_space<vmem_shared>>
    tpu.wait_indirect_dma semaphore(%arg20 : memref<!tpu.dma_semaphore, #tpu.memory_space<semaphore_mem>>) src(%arg11 : memref<128x64xf32, #tpu.memory_space<vmem>>) dst(%dma_wait3A_76 : memref<10496x64xf32, #tpu.memory_space<vmem_shared>>)
    %barrier3A_77 = arith.constant 0 : index
    tpu.barrier barrier_id(%barrier3A_77)
    "tpu.region"() ({
      %run_scoped3A = tpu.sem_alloc : memref<!tpu.dma_semaphore, #tpu.memory_space<semaphore_mem>>
      %dma_start3A_163 = arith.constant 0 : i32
      %dma_start3A_164 = tpu.memref_slice %arg5[%mul3A_2, %mul3A_4, %dma_start3A_163] : memref<4x10496x64xf32, #tpu.memory_space<hbm>> -> memref<1x656x64xf32, #tpu.memory_space<hbm>>
      %dma_start3A_165 = tpu.memref_squeeze %dma_start3A_164 : memref<1x656x64xf32, #tpu.memory_space<hbm>> -> memref<656x64xf32, #tpu.memory_space<hbm>>
      %dma_start3A_166 = arith.constant 0 : i32
      %dma_start3A_167 = tpu.memref_slice %arg12[%mul3A_4, %dma_start3A_166] : memref<10496x64xf32, #tpu.memory_space<vmem_shared>> -> memref<656x64xf32, #tpu.memory_space<vmem_shared>>
      tpu.enqueue_dma source(%dma_start3A_167 : memref<656x64xf32, #tpu.memory_space<vmem_shared>>) target(%dma_start3A_165 : memref<656x64xf32, #tpu.memory_space<hbm>>) target_semaphore(%run_scoped3A : memref<!tpu.dma_semaphore, #tpu.memory_space<semaphore_mem>>)
      %dma_wait3A_168 = arith.constant 0 : i32
      %dma_wait3A_169 = tpu.memref_slice %arg5[%mul3A_2, %mul3A_4, %dma_wait3A_168] : memref<4x10496x64xf32, #tpu.memory_space<hbm>> -> memref<1x656x64xf32, #tpu.memory_space<hbm>>
      %dma_wait3A_170 = tpu.memref_squeeze %dma_wait3A_169 : memref<1x656x64xf32, #tpu.memory_space<hbm>> -> memref<656x64xf32, #tpu.memory_space<hbm>>
      %dma_wait3A_171 = arith.constant 0 : i32
      %dma_wait3A_172 = tpu.memref_slice %arg12[%mul3A_4, %dma_wait3A_171] : memref<10496x64xf32, #tpu.memory_space<vmem_shared>> -> memref<656x64xf32, #tpu.memory_space<vmem_shared>>
      tpu.wait_dma2 semaphore(%run_scoped3A : memref<!tpu.dma_semaphore, #tpu.memory_space<semaphore_mem>>) src(%dma_wait3A_172 : memref<656x64xf32, #tpu.memory_space<vmem_shared>>) dst(%dma_wait3A_170 : memref<656x64xf32, #tpu.memory_space<hbm>>)
      tpu.yield
    }) : () -> ()
    %mul3A_78 = arith.constant 2 : i32
    %mul3A_79 = arith.muli %mul3A_78, %arg0 : i32
    %add3A_80 = arith.constant 1 : i32
    %add3A_81 = arith.addi %mul3A_79, %add3A_80 : i32
    %mul3A_82 = arith.constant 656 : i32
    %mul3A_83 = arith.muli %arg1, %mul3A_82 : i32
    %mul3A_84 = arith.constant 160 : i32
    %mul3A_85 = arith.muli %arg1, %mul3A_84 : i32
    "tpu.region"() ({
      %run_scoped3A = tpu.sem_alloc : memref<!tpu.dma_semaphore, #tpu.memory_space<semaphore_mem>>
      %dma_start3A_163 = arith.constant 0 : i32
      %dma_start3A_164 = tpu.memref_slice %arg3[%add3A_81, %mul3A_85, %dma_start3A_163] : memref<4x2560x128xi32, #tpu.memory_space<hbm>> -> memref<1x160x128xi32, #tpu.memory_space<hbm>>
      %dma_start3A_165 = tpu.memref_squeeze %dma_start3A_164 : memref<1x160x128xi32, #tpu.memory_space<hbm>> -> memref<160x128xi32, #tpu.memory_space<hbm>>
      %dma_start3A_166 = arith.constant 0 : i32
      %dma_start3A_167 = tpu.memref_slice %arg3[%add3A_81, %mul3A_85, %dma_start3A_166] : memref<4x2560x128xi32, #tpu.memory_space<hbm>> -> memref<1x160x128xi32, #tpu.memory_space<hbm>>
      %dma_start3A_168 = tpu.memref_squeeze %dma_start3A_167 : memref<1x160x128xi32, #tpu.memory_space<hbm>> -> memref<160x128xi32, #tpu.memory_space<hbm>>
      tpu.enqueue_dma source(%dma_start3A_168 : memref<160x128xi32, #tpu.memory_space<hbm>>) target(%arg6 : memref<160x128xi32, #tpu.memory_space<vmem>>) target_semaphore(%run_scoped3A : memref<!tpu.dma_semaphore, #tpu.memory_space<semaphore_mem>>)
      %dma_wait3A_169 = arith.constant 0 : i32
      %dma_wait3A_170 = tpu.memref_slice %arg3[%add3A_81, %mul3A_85, %dma_wait3A_169] : memref<4x2560x128xi32, #tpu.memory_space<hbm>> -> memref<1x160x128xi32, #tpu.memory_space<hbm>>
      %dma_wait3A_171 = tpu.memref_squeeze %dma_wait3A_170 : memref<1x160x128xi32, #tpu.memory_space<hbm>> -> memref<160x128xi32, #tpu.memory_space<hbm>>
      %dma_wait3A_172 = arith.constant 0 : i32
      %dma_wait3A_173 = tpu.memref_slice %arg3[%add3A_81, %mul3A_85, %dma_wait3A_172] : memref<4x2560x128xi32, #tpu.memory_space<hbm>> -> memref<1x160x128xi32, #tpu.memory_space<hbm>>
      %dma_wait3A_174 = tpu.memref_squeeze %dma_wait3A_173 : memref<1x160x128xi32, #tpu.memory_space<hbm>> -> memref<160x128xi32, #tpu.memory_space<hbm>>
      tpu.wait_dma2 semaphore(%run_scoped3A : memref<!tpu.dma_semaphore, #tpu.memory_space<semaphore_mem>>) src(%dma_wait3A_174 : memref<160x128xi32, #tpu.memory_space<hbm>>) dst(%arg6 : memref<160x128xi32, #tpu.memory_space<vmem>>)
      tpu.yield
    }) : () -> ()
    %broadcast_in_dim3A_86 = arith.constant 0.000000e+00 : f32
    %broadcast_in_dim3A_87 = vector.broadcast %broadcast_in_dim3A_86 : f32 to vector<16xf32>
    %scan3A_88 = arith.constant 0 : i32
    %scan3A_89 = arith.constant 0 : i32
    %scan3A_90 = arith.constant 128 : i32
    %scan3A_91 = arith.addi %scan3A_89, %scan3A_90 : i32
    %scan3A_92 = arith.constant 1 : i32
    scf.for %scan3A_163 = %scan3A_89 to %scan3A_91 step %scan3A_92  : i32 {
      %swap3A = arith.index_cast %scan3A_163 : i32 to index
      %swap3A_164 = arith.constant 0 : index
      %swap3A_165 = tpu.vector_load %arg8[%swap3A, %swap3A_164] {strides = array<i32>} : memref<128x64xf32, #tpu.memory_space<vmem>>, vector<1x16xf32>,
      %swap3A_166 = vector.shape_cast %swap3A_165 : vector<1x16xf32> to vector<16xf32>
      %swap3A_167 = vector.shape_cast %broadcast_in_dim3A_87 : vector<16xf32> to vector<1x16xf32>
      tpu.vector_store %arg8[%swap3A, %swap3A_164], %swap3A_167 {strides = array<i32>} : memref<128x64xf32, #tpu.memory_space<vmem>>, vector<1x16xf32>,
      %swap3A_168 = arith.index_cast %scan3A_163 : i32 to index
      %swap3A_169 = arith.constant 16 : index
      %swap3A_170 = tpu.vector_load %arg8[%swap3A_168, %swap3A_169] {strides = array<i32>} : memref<128x64xf32, #tpu.memory_space<vmem>>, vector<1x16xf32>,
      %swap3A_171 = vector.shape_cast %swap3A_170 : vector<1x16xf32> to vector<16xf32>
      %swap3A_172 = vector.shape_cast %broadcast_in_dim3A_87 : vector<16xf32> to vector<1x16xf32>
      tpu.vector_store %arg8[%swap3A_168, %swap3A_169], %swap3A_172 {strides = array<i32>} : memref<128x64xf32, #tpu.memory_space<vmem>>, vector<1x16xf32>,
      %swap3A_173 = arith.index_cast %scan3A_163 : i32 to index
      %swap3A_174 = arith.constant 32 : index
      %swap3A_175 = tpu.vector_load %arg8[%swap3A_173, %swap3A_174] {strides = array<i32>} : memref<128x64xf32, #tpu.memory_space<vmem>>, vector<1x16xf32>,
      %swap3A_176 = vector.shape_cast %swap3A_175 : vector<1x16xf32> to vector<16xf32>
      %swap3A_177 = vector.shape_cast %broadcast_in_dim3A_87 : vector<16xf32> to vector<1x16xf32>
      tpu.vector_store %arg8[%swap3A_173, %swap3A_174], %swap3A_177 {strides = array<i32>} : memref<128x64xf32, #tpu.memory_space<vmem>>, vector<1x16xf32>,
      %swap3A_178 = arith.index_cast %scan3A_163 : i32 to index
      %swap3A_179 = arith.constant 48 : index
      %swap3A_180 = tpu.vector_load %arg8[%swap3A_178, %swap3A_179] {strides = array<i32>} : memref<128x64xf32, #tpu.memory_space<vmem>>, vector<1x16xf32>,
      %swap3A_181 = vector.shape_cast %swap3A_180 : vector<1x16xf32> to vector<16xf32>
      %swap3A_182 = vector.shape_cast %broadcast_in_dim3A_87 : vector<16xf32> to vector<1x16xf32>
      tpu.vector_store %arg8[%swap3A_178, %swap3A_179], %swap3A_182 {strides = array<i32>} : memref<128x64xf32, #tpu.memory_space<vmem>>, vector<1x16xf32>,
    }
    %scan3A_93 = arith.constant 128 : i32
    %add3A_94 = arith.constant 0 : i32
    %add3A_95 = arith.addi %mul3A_83, %add3A_94 : i32
    "tpu.region"() ({
      %run_scoped3A = tpu.sem_alloc : memref<!tpu.dma_semaphore, #tpu.memory_space<semaphore_mem>>
      %dma_start3A_163 = arith.constant 0 : i32
      %dma_start3A_164 = tpu.memref_slice %arg12[%add3A_95, %dma_start3A_163] : memref<10496x64xf32, #tpu.memory_space<vmem_shared>> -> memref<128x64xf32, #tpu.memory_space<vmem_shared>>
      %dma_start3A_165 = arith.constant 0 : i32
      %dma_start3A_166 = tpu.memref_slice %arg12[%add3A_95, %dma_start3A_165] : memref<10496x64xf32, #tpu.memory_space<vmem_shared>> -> memref<128x64xf32, #tpu.memory_space<vmem_shared>>
      tpu.enqueue_dma source(%arg8 : memref<128x64xf32, #tpu.memory_space<vmem>>) target(%dma_start3A_166 : memref<128x64xf32, #tpu.memory_space<vmem_shared>>) target_semaphore(%run_scoped3A : memref<!tpu.dma_semaphore, #tpu.memory_space<semaphore_mem>>)
      %dma_wait3A_167 = arith.constant 0 : i32
      %dma_wait3A_168 = tpu.memref_slice %arg12[%add3A_95, %dma_wait3A_167] : memref<10496x64xf32, #tpu.memory_space<vmem_shared>> -> memref<128x64xf32, #tpu.memory_space<vmem_shared>>
      %dma_wait3A_169 = arith.constant 0 : i32
      %dma_wait3A_170 = tpu.memref_slice %arg12[%add3A_95, %dma_wait3A_169] : memref<10496x64xf32, #tpu.memory_space<vmem_shared>> -> memref<128x64xf32, #tpu.memory_space<vmem_shared>>
      tpu.wait_dma2 semaphore(%run_scoped3A : memref<!tpu.dma_semaphore, #tpu.memory_space<semaphore_mem>>) src(%arg8 : memref<128x64xf32, #tpu.memory_space<vmem>>) dst(%dma_wait3A_170 : memref<128x64xf32, #tpu.memory_space<vmem_shared>>)
      tpu.yield
    }) : () -> ()
    %add3A_96 = arith.constant 128 : i32
    %add3A_97 = arith.addi %mul3A_83, %add3A_96 : i32
    "tpu.region"() ({
      %run_scoped3A = tpu.sem_alloc : memref<!tpu.dma_semaphore, #tpu.memory_space<semaphore_mem>>
      %dma_start3A_163 = arith.constant 0 : i32
      %dma_start3A_164 = tpu.memref_slice %arg12[%add3A_97, %dma_start3A_163] : memref<10496x64xf32, #tpu.memory_space<vmem_shared>> -> memref<128x64xf32, #tpu.memory_space<vmem_shared>>
      %dma_start3A_165 = arith.constant 0 : i32
      %dma_start3A_166 = tpu.memref_slice %arg12[%add3A_97, %dma_start3A_165] : memref<10496x64xf32, #tpu.memory_space<vmem_shared>> -> memref<128x64xf32, #tpu.memory_space<vmem_shared>>
      tpu.enqueue_dma source(%arg8 : memref<128x64xf32, #tpu.memory_space<vmem>>) target(%dma_start3A_166 : memref<128x64xf32, #tpu.memory_space<vmem_shared>>) target_semaphore(%run_scoped3A : memref<!tpu.dma_semaphore, #tpu.memory_space<semaphore_mem>>)
      %dma_wait3A_167 = arith.constant 0 : i32
      %dma_wait3A_168 = tpu.memref_slice %arg12[%add3A_97, %dma_wait3A_167] : memref<10496x64xf32, #tpu.memory_space<vmem_shared>> -> memref<128x64xf32, #tpu.memory_space<vmem_shared>>
      %dma_wait3A_169 = arith.constant 0 : i32
      %dma_wait3A_170 = tpu.memref_slice %arg12[%add3A_97, %dma_wait3A_169] : memref<10496x64xf32, #tpu.memory_space<vmem_shared>> -> memref<128x64xf32, #tpu.memory_space<vmem_shared>>
      tpu.wait_dma2 semaphore(%run_scoped3A : memref<!tpu.dma_semaphore, #tpu.memory_space<semaphore_mem>>) src(%arg8 : memref<128x64xf32, #tpu.memory_space<vmem>>) dst(%dma_wait3A_170 : memref<128x64xf32, #tpu.memory_space<vmem_shared>>)
      tpu.yield
    }) : () -> ()
    %add3A_98 = arith.constant 256 : i32
    %add3A_99 = arith.addi %mul3A_83, %add3A_98 : i32
    "tpu.region"() ({
      %run_scoped3A = tpu.sem_alloc : memref<!tpu.dma_semaphore, #tpu.memory_space<semaphore_mem>>
      %dma_start3A_163 = arith.constant 0 : i32
      %dma_start3A_164 = tpu.memref_slice %arg12[%add3A_99, %dma_start3A_163] : memref<10496x64xf32, #tpu.memory_space<vmem_shared>> -> memref<128x64xf32, #tpu.memory_space<vmem_shared>>
      %dma_start3A_165 = arith.constant 0 : i32
      %dma_start3A_166 = tpu.memref_slice %arg12[%add3A_99, %dma_start3A_165] : memref<10496x64xf32, #tpu.memory_space<vmem_shared>> -> memref<128x64xf32, #tpu.memory_space<vmem_shared>>
      tpu.enqueue_dma source(%arg8 : memref<128x64xf32, #tpu.memory_space<vmem>>) target(%dma_start3A_166 : memref<128x64xf32, #tpu.memory_space<vmem_shared>>) target_semaphore(%run_scoped3A : memref<!tpu.dma_semaphore, #tpu.memory_space<semaphore_mem>>)
      %dma_wait3A_167 = arith.constant 0 : i32
      %dma_wait3A_168 = tpu.memref_slice %arg12[%add3A_99, %dma_wait3A_167] : memref<10496x64xf32, #tpu.memory_space<vmem_shared>> -> memref<128x64xf32, #tpu.memory_space<vmem_shared>>
      %dma_wait3A_169 = arith.constant 0 : i32
      %dma_wait3A_170 = tpu.memref_slice %arg12[%add3A_99, %dma_wait3A_169] : memref<10496x64xf32, #tpu.memory_space<vmem_shared>> -> memref<128x64xf32, #tpu.memory_space<vmem_shared>>
      tpu.wait_dma2 semaphore(%run_scoped3A : memref<!tpu.dma_semaphore, #tpu.memory_space<semaphore_mem>>) src(%arg8 : memref<128x64xf32, #tpu.memory_space<vmem>>) dst(%dma_wait3A_170 : memref<128x64xf32, #tpu.memory_space<vmem_shared>>)
      tpu.yield
    }) : () -> ()
    %add3A_100 = arith.constant 384 : i32
    %add3A_101 = arith.addi %mul3A_83, %add3A_100 : i32
    "tpu.region"() ({
      %run_scoped3A = tpu.sem_alloc : memref<!tpu.dma_semaphore, #tpu.memory_space<semaphore_mem>>
      %dma_start3A_163 = arith.constant 0 : i32
      %dma_start3A_164 = tpu.memref_slice %arg12[%add3A_101, %dma_start3A_163] : memref<10496x64xf32, #tpu.memory_space<vmem_shared>> -> memref<128x64xf32, #tpu.memory_space<vmem_shared>>
      %dma_start3A_165 = arith.constant 0 : i32
      %dma_start3A_166 = tpu.memref_slice %arg12[%add3A_101, %dma_start3A_165] : memref<10496x64xf32, #tpu.memory_space<vmem_shared>> -> memref<128x64xf32, #tpu.memory_space<vmem_shared>>
      tpu.enqueue_dma source(%arg8 : memref<128x64xf32, #tpu.memory_space<vmem>>) target(%dma_start3A_166 : memref<128x64xf32, #tpu.memory_space<vmem_shared>>) target_semaphore(%run_scoped3A : memref<!tpu.dma_semaphore, #tpu.memory_space<semaphore_mem>>)
      %dma_wait3A_167 = arith.constant 0 : i32
      %dma_wait3A_168 = tpu.memref_slice %arg12[%add3A_101, %dma_wait3A_167] : memref<10496x64xf32, #tpu.memory_space<vmem_shared>> -> memref<128x64xf32, #tpu.memory_space<vmem_shared>>
      %dma_wait3A_169 = arith.constant 0 : i32
      %dma_wait3A_170 = tpu.memref_slice %arg12[%add3A_101, %dma_wait3A_169] : memref<10496x64xf32, #tpu.memory_space<vmem_shared>> -> memref<128x64xf32, #tpu.memory_space<vmem_shared>>
      tpu.wait_dma2 semaphore(%run_scoped3A : memref<!tpu.dma_semaphore, #tpu.memory_space<semaphore_mem>>) src(%arg8 : memref<128x64xf32, #tpu.memory_space<vmem>>) dst(%dma_wait3A_170 : memref<128x64xf32, #tpu.memory_space<vmem_shared>>)
      tpu.yield
    }) : () -> ()
    %add3A_102 = arith.constant 512 : i32
    %add3A_103 = arith.addi %mul3A_83, %add3A_102 : i32
    "tpu.region"() ({
      %run_scoped3A = tpu.sem_alloc : memref<!tpu.dma_semaphore, #tpu.memory_space<semaphore_mem>>
      %dma_start3A_163 = arith.constant 0 : i32
      %dma_start3A_164 = tpu.memref_slice %arg12[%add3A_103, %dma_start3A_163] : memref<10496x64xf32, #tpu.memory_space<vmem_shared>> -> memref<128x64xf32, #tpu.memory_space<vmem_shared>>
      %dma_start3A_165 = arith.constant 0 : i32
      %dma_start3A_166 = tpu.memref_slice %arg12[%add3A_103, %dma_start3A_165] : memref<10496x64xf32, #tpu.memory_space<vmem_shared>> -> memref<128x64xf32, #tpu.memory_space<vmem_shared>>
      tpu.enqueue_dma source(%arg8 : memref<128x64xf32, #tpu.memory_space<vmem>>) target(%dma_start3A_166 : memref<128x64xf32, #tpu.memory_space<vmem_shared>>) target_semaphore(%run_scoped3A : memref<!tpu.dma_semaphore, #tpu.memory_space<semaphore_mem>>)
      %dma_wait3A_167 = arith.constant 0 : i32
      %dma_wait3A_168 = tpu.memref_slice %arg12[%add3A_103, %dma_wait3A_167] : memref<10496x64xf32, #tpu.memory_space<vmem_shared>> -> memref<128x64xf32, #tpu.memory_space<vmem_shared>>
      %dma_wait3A_169 = arith.constant 0 : i32
      %dma_wait3A_170 = tpu.memref_slice %arg12[%add3A_103, %dma_wait3A_169] : memref<10496x64xf32, #tpu.memory_space<vmem_shared>> -> memref<128x64xf32, #tpu.memory_space<vmem_shared>>
      tpu.wait_dma2 semaphore(%run_scoped3A : memref<!tpu.dma_semaphore, #tpu.memory_space<semaphore_mem>>) src(%arg8 : memref<128x64xf32, #tpu.memory_space<vmem>>) dst(%dma_wait3A_170 : memref<128x64xf32, #tpu.memory_space<vmem_shared>>)
      tpu.yield
    }) : () -> ()
    %add3A_104 = arith.constant 640 : i32
    %add3A_105 = arith.addi %mul3A_83, %add3A_104 : i32
    "tpu.region"() ({
      %run_scoped3A = tpu.sem_alloc : memref<!tpu.dma_semaphore, #tpu.memory_space<semaphore_mem>>
      %dma_start3A_163 = arith.constant 0 : i32
      %dma_start3A_164 = arith.constant 0 : i32
      %dma_start3A_165 = tpu.memref_slice %arg8[%dma_start3A_163, %dma_start3A_164] : memref<128x64xf32, #tpu.memory_space<vmem>> -> memref<16x64xf32, #tpu.memory_space<vmem>>
      %dma_start3A_166 = arith.constant 0 : i32
      %dma_start3A_167 = tpu.memref_slice %arg12[%add3A_105, %dma_start3A_166] : memref<10496x64xf32, #tpu.memory_space<vmem_shared>> -> memref<16x64xf32, #tpu.memory_space<vmem_shared>>
      %dma_start3A_168 = arith.constant 0 : i32
      %dma_start3A_169 = tpu.memref_slice %arg12[%add3A_105, %dma_start3A_168] : memref<10496x64xf32, #tpu.memory_space<vmem_shared>> -> memref<16x64xf32, #tpu.memory_space<vmem_shared>>
      %dma_start3A_170 = arith.constant 0 : i32
      %dma_start3A_171 = arith.constant 0 : i32
      %dma_start3A_172 = tpu.memref_slice %arg8[%dma_start3A_170, %dma_start3A_171] : memref<128x64xf32, #tpu.memory_space<vmem>> -> memref<16x64xf32, #tpu.memory_space<vmem>>
      tpu.enqueue_dma source(%dma_start3A_172 : memref<16x64xf32, #tpu.memory_space<vmem>>) target(%dma_start3A_169 : memref<16x64xf32, #tpu.memory_space<vmem_shared>>) target_semaphore(%run_scoped3A : memref<!tpu.dma_semaphore, #tpu.memory_space<semaphore_mem>>)
      %dma_wait3A_173 = arith.constant 0 : i32
      %dma_wait3A_174 = arith.constant 0 : i32
      %dma_wait3A_175 = tpu.memref_slice %arg8[%dma_wait3A_173, %dma_wait3A_174] : memref<128x64xf32, #tpu.memory_space<vmem>> -> memref<16x64xf32, #tpu.memory_space<vmem>>
      %dma_wait3A_176 = arith.constant 0 : i32
      %dma_wait3A_177 = tpu.memref_slice %arg12[%add3A_105, %dma_wait3A_176] : memref<10496x64xf32, #tpu.memory_space<vmem_shared>> -> memref<16x64xf32, #tpu.memory_space<vmem_shared>>
      %dma_wait3A_178 = arith.constant 0 : i32
      %dma_wait3A_179 = tpu.memref_slice %arg12[%add3A_105, %dma_wait3A_178] : memref<10496x64xf32, #tpu.memory_space<vmem_shared>> -> memref<16x64xf32, #tpu.memory_space<vmem_shared>>
      %dma_wait3A_180 = arith.constant 0 : i32
      %dma_wait3A_181 = arith.constant 0 : i32
      %dma_wait3A_182 = tpu.memref_slice %arg8[%dma_wait3A_180, %dma_wait3A_181] : memref<128x64xf32, #tpu.memory_space<vmem>> -> memref<16x64xf32, #tpu.memory_space<vmem>>
      tpu.wait_dma2 semaphore(%run_scoped3A : memref<!tpu.dma_semaphore, #tpu.memory_space<semaphore_mem>>) src(%dma_wait3A_182 : memref<16x64xf32, #tpu.memory_space<vmem>>) dst(%dma_wait3A_179 : memref<16x64xf32, #tpu.memory_space<vmem_shared>>)
      tpu.yield
    }) : () -> ()
    %barrier3A_106 = arith.constant 0 : index
    tpu.barrier barrier_id(%barrier3A_106)
    %dma_start3A_107 = arith.constant 0 : i32
    %dma_start3A_108 = arith.constant 0 : i32
    %dma_start3A_109 = tpu.memref_slice %arg6[%dma_start3A_107, %dma_start3A_108] : memref<160x128xi32, #tpu.memory_space<vmem>> -> memref<1x128xi32, #tpu.memory_space<vmem>>
    %dma_start3A_110 = tpu.memref_squeeze %dma_start3A_109 : memref<1x128xi32, #tpu.memory_space<vmem>> -> memref<128xi32, #tpu.memory_space<vmem>>
    %dma_start3A_111 = arith.constant 0 : i32
    %dma_start3A_112 = arith.constant 0 : i32
    %dma_start3A_113 = tpu.memref_slice %arg2[%dma_start3A_111, %dma_start3A_112] : memref<40000x64xf32, #tpu.memory_space<hbm>> -> memref<40000x64xf32, #tpu.memory_space<hbm>>
    tpu.enqueue_indirect_dma source(%dma_start3A_113 : memref<40000x64xf32, #tpu.memory_space<hbm>>) target(%arg8 : memref<128x64xf32, #tpu.memory_space<vmem>>) offsets(%dma_start3A_110 : memref<128xi32, #tpu.memory_space<vmem>>) semaphore(%arg13 : memref<!tpu.dma_semaphore, #tpu.memory_space<semaphore_mem>>)
    %dma_start3A_114 = arith.constant 1 : i32
    %dma_start3A_115 = arith.constant 0 : i32
    %dma_start3A_116 = tpu.memref_slice %arg6[%dma_start3A_114, %dma_start3A_115] : memref<160x128xi32, #tpu.memory_space<vmem>> -> memref<1x128xi32, #tpu.memory_space<vmem>>
    %dma_start3A_117 = tpu.memref_squeeze %dma_start3A_116 : memref<1x128xi32, #tpu.memory_space<vmem>> -> memref<128xi32, #tpu.memory_space<vmem>>
    %dma_start3A_118 = arith.constant 0 : i32
    %dma_start3A_119 = arith.constant 0 : i32
    %dma_start3A_120 = tpu.memref_slice %arg2[%dma_start3A_118, %dma_start3A_119] : memref<40000x64xf32, #tpu.memory_space<hbm>> -> memref<40000x64xf32, #tpu.memory_space<hbm>>
    tpu.enqueue_indirect_dma source(%dma_start3A_120 : memref<40000x64xf32, #tpu.memory_space<hbm>>) target(%arg9 : memref<128x64xf32, #tpu.memory_space<vmem>>) offsets(%dma_start3A_117 : memref<128xi32, #tpu.memory_space<vmem>>) semaphore(%arg14 : memref<!tpu.dma_semaphore, #tpu.memory_space<semaphore_mem>>)
    %dma_start3A_121 = arith.constant 2 : i32
    %dma_start3A_122 = arith.constant 0 : i32
    %dma_start3A_123 = tpu.memref_slice %arg6[%dma_start3A_121, %dma_start3A_122] : memref<160x128xi32, #tpu.memory_space<vmem>> -> memref<1x128xi32, #tpu.memory_space<vmem>>
    %dma_start3A_124 = tpu.memref_squeeze %dma_start3A_123 : memref<1x128xi32, #tpu.memory_space<vmem>> -> memref<128xi32, #tpu.memory_space<vmem>>
    %dma_start3A_125 = arith.constant 0 : i32
    %dma_start3A_126 = arith.constant 0 : i32
    %dma_start3A_127 = tpu.memref_slice %arg2[%dma_start3A_125, %dma_start3A_126] : memref<40000x64xf32, #tpu.memory_space<hbm>> -> memref<40000x64xf32, #tpu.memory_space<hbm>>
    tpu.enqueue_indirect_dma source(%dma_start3A_127 : memref<40000x64xf32, #tpu.memory_space<hbm>>) target(%arg10 : memref<128x64xf32, #tpu.memory_space<vmem>>) offsets(%dma_start3A_124 : memref<128xi32, #tpu.memory_space<vmem>>) semaphore(%arg15 : memref<!tpu.dma_semaphore, #tpu.memory_space<semaphore_mem>>)
    %scan3A_128 = arith.constant 0 : i32
    %scan3A_129 = arith.constant 0 : i32
    %scan3A_130 = arith.constant 40 : i32
    %scan3A_131 = arith.addi %scan3A_129, %scan3A_130 : i32
    %scan3A_132 = arith.constant 1 : i32
    scf.for %scan3A_163 = %scan3A_129 to %scan3A_131 step %scan3A_132  : i32 {
      %mul3A_164 = arith.constant 4 : i32
      %mul3A_165 = arith.muli %scan3A_163, %mul3A_164 : i32
      %add3A_166 = arith.constant 0 : i32
      %add3A_167 = arith.addi %mul3A_165, %add3A_166 : i32
      %dma_wait3A_168 = arith.constant 0 : i32
      %dma_wait3A_169 = tpu.memref_slice %arg6[%add3A_167, %dma_wait3A_168] : memref<160x128xi32, #tpu.memory_space<vmem>> -> memref<1x128xi32, #tpu.memory_space<vmem>>
      %dma_wait3A_170 = tpu.memref_squeeze %dma_wait3A_169 : memref<1x128xi32, #tpu.memory_space<vmem>> -> memref<128xi32, #tpu.memory_space<vmem>>
      %dma_wait3A_171 = arith.constant 0 : i32
      %dma_wait3A_172 = arith.constant 0 : i32
      %dma_wait3A_173 = tpu.memref_slice %arg2[%dma_wait3A_171, %dma_wait3A_172] : memref<40000x64xf32, #tpu.memory_space<hbm>> -> memref<40000x64xf32, #tpu.memory_space<hbm>>
      tpu.wait_indirect_dma semaphore(%arg13 : memref<!tpu.dma_semaphore, #tpu.memory_space<semaphore_mem>>) src(%dma_wait3A_173 : memref<40000x64xf32, #tpu.memory_space<hbm>>) dst(%arg8 : memref<128x64xf32, #tpu.memory_space<vmem>>)
      %dma_start3A_174 = arith.constant 0 : i32
      %dma_start3A_175 = tpu.memref_slice %arg7[%add3A_167, %dma_start3A_174] : memref<160x128xi32, #tpu.memory_space<vmem>> -> memref<1x128xi32, #tpu.memory_space<vmem>>
      %dma_start3A_176 = tpu.memref_squeeze %dma_start3A_175 : memref<1x128xi32, #tpu.memory_space<vmem>> -> memref<128xi32, #tpu.memory_space<vmem>>
      %dma_start3A_177 = arith.constant 0 : i32
      %dma_start3A_178 = arith.constant 0 : i32
      %dma_start3A_179 = tpu.memref_slice %arg12[%dma_start3A_177, %dma_start3A_178] : memref<10496x64xf32, #tpu.memory_space<vmem_shared>> -> memref<10496x64xf32, #tpu.memory_space<vmem_shared>>
      tpu.enqueue_indirect_dma source(%arg8 : memref<128x64xf32, #tpu.memory_space<vmem>>) target(%dma_start3A_179 : memref<10496x64xf32, #tpu.memory_space<vmem_shared>>) offsets(%dma_start3A_176 : memref<128xi32, #tpu.memory_space<vmem>>) semaphore(%arg17 : memref<!tpu.dma_semaphore, #tpu.memory_space<semaphore_mem>>) {add = true}
      %ge3A = arith.constant 1 : i32
      %ge3A_180 = arith.cmpi sge, %add3A_167, %ge3A : i32
      %add3A_181 = arith.constant 4 : i32
      %add3A_182 = arith.addi %add3A_167, %add3A_181 : i32
      %sub3A = arith.constant 1 : i32
      %sub3A_183 = arith.subi %add3A_182, %sub3A : i32
      %lt3A = arith.constant 160 : i32
      %lt3A_184 = arith.cmpi slt, %sub3A_183, %lt3A : i32
      %and3A = arith.andi %ge3A_180, %lt3A_184 : i1
      %convert_element_type3A = arith.extui %and3A : i1 to i32
      %cond3A = arith.constant 0 : i32
      %cond3A_185 = arith.cmpi ne, %convert_element_type3A, %cond3A : i32
      scf.if %cond3A_185 {
        %sub3A_300 = arith.constant 1 : i32
        %sub3A_301 = arith.subi %add3A_167, %sub3A_300 : i32
        %dma_wait3A_302 = arith.constant 0 : i32
        %dma_wait3A_303 = tpu.memref_slice %arg7[%sub3A_301, %dma_wait3A_302] : memref<160x128xi32, #tpu.memory_space<vmem>> -> memref<1x128xi32, #tpu.memory_space<vmem>>
        %dma_wait3A_304 = tpu.memref_squeeze %dma_wait3A_303 : memref<1x128xi32, #tpu.memory_space<vmem>> -> memref<128xi32, #tpu.memory_space<vmem>>
        %dma_wait3A_305 = arith.constant 0 : i32
        %dma_wait3A_306 = arith.constant 0 : i32
        %dma_wait3A_307 = tpu.memref_slice %arg12[%dma_wait3A_305, %dma_wait3A_306] : memref<10496x64xf32, #tpu.memory_space<vmem_shared>> -> memref<10496x64xf32, #tpu.memory_space<vmem_shared>>
        tpu.wait_indirect_dma semaphore(%arg20 : memref<!tpu.dma_semaphore, #tpu.memory_space<semaphore_mem>>) src(%arg11 : memref<128x64xf32, #tpu.memory_space<vmem>>) dst(%dma_wait3A_307 : memref<10496x64xf32, #tpu.memory_space<vmem_shared>>)
      } else {
      }
      %add3A_186 = arith.constant 4 : i32
      %add3A_187 = arith.addi %add3A_167, %add3A_186 : i32
      %sub3A_188 = arith.constant 1 : i32
      %sub3A_189 = arith.subi %add3A_187, %sub3A_188 : i32
      %lt3A_190 = arith.constant 160 : i32
      %lt3A_191 = arith.cmpi slt, %sub3A_189, %lt3A_190 : i32
      %convert_element_type3A_192 = arith.extui %lt3A_191 : i1 to i32
      %cond3A_193 = arith.constant 0 : i32
      %cond3A_194 = arith.cmpi ne, %convert_element_type3A_192, %cond3A_193 : i32
      scf.if %cond3A_194 {
        %add3A_300 = arith.constant 4 : i32
        %add3A_301 = arith.addi %add3A_167, %add3A_300 : i32
        %sub3A_302 = arith.constant 1 : i32
        %sub3A_303 = arith.subi %add3A_301, %sub3A_302 : i32
        %dma_start3A_304 = arith.constant 0 : i32
        %dma_start3A_305 = tpu.memref_slice %arg6[%sub3A_303, %dma_start3A_304] : memref<160x128xi32, #tpu.memory_space<vmem>> -> memref<1x128xi32, #tpu.memory_space<vmem>>
        %dma_start3A_306 = tpu.memref_squeeze %dma_start3A_305 : memref<1x128xi32, #tpu.memory_space<vmem>> -> memref<128xi32, #tpu.memory_space<vmem>>
        %dma_start3A_307 = arith.constant 0 : i32
        %dma_start3A_308 = arith.constant 0 : i32
        %dma_start3A_309 = tpu.memref_slice %arg2[%dma_start3A_307, %dma_start3A_308] : memref<40000x64xf32, #tpu.memory_space<hbm>> -> memref<40000x64xf32, #tpu.memory_space<hbm>>
        tpu.enqueue_indirect_dma source(%dma_start3A_309 : memref<40000x64xf32, #tpu.memory_space<hbm>>) target(%arg11 : memref<128x64xf32, #tpu.memory_space<vmem>>) offsets(%dma_start3A_306 : memref<128xi32, #tpu.memory_space<vmem>>) semaphore(%arg16 : memref<!tpu.dma_semaphore, #tpu.memory_space<semaphore_mem>>)
      } else {
      }
      %add3A_195 = arith.constant 1 : i32
      %add3A_196 = arith.addi %mul3A_165, %add3A_195 : i32
      %dma_wait3A_197 = arith.constant 0 : i32
      %dma_wait3A_198 = tpu.memref_slice %arg6[%add3A_196, %dma_wait3A_197] : memref<160x128xi32, #tpu.memory_space<vmem>> -> memref<1x128xi32, #tpu.memory_space<vmem>>
      %dma_wait3A_199 = tpu.memref_squeeze %dma_wait3A_198 : memref<1x128xi32, #tpu.memory_space<vmem>> -> memref<128xi32, #tpu.memory_space<vmem>>
      %dma_wait3A_200 = arith.constant 0 : i32
      %dma_wait3A_201 = arith.constant 0 : i32
      %dma_wait3A_202 = tpu.memref_slice %arg2[%dma_wait3A_200, %dma_wait3A_201] : memref<40000x64xf32, #tpu.memory_space<hbm>> -> memref<40000x64xf32, #tpu.memory_space<hbm>>
      tpu.wait_indirect_dma semaphore(%arg14 : memref<!tpu.dma_semaphore, #tpu.memory_space<semaphore_mem>>) src(%dma_wait3A_202 : memref<40000x64xf32, #tpu.memory_space<hbm>>) dst(%arg9 : memref<128x64xf32, #tpu.memory_space<vmem>>)
      %dma_start3A_203 = arith.constant 0 : i32
      %dma_start3A_204 = tpu.memref_slice %arg7[%add3A_196, %dma_start3A_203] : memref<160x128xi32, #tpu.memory_space<vmem>> -> memref<1x128xi32, #tpu.memory_space<vmem>>
      %dma_start3A_205 = tpu.memref_squeeze %dma_start3A_204 : memref<1x128xi32, #tpu.memory_space<vmem>> -> memref<128xi32, #tpu.memory_space<vmem>>
      %dma_start3A_206 = arith.constant 0 : i32
      %dma_start3A_207 = arith.constant 0 : i32
      %dma_start3A_208 = tpu.memref_slice %arg12[%dma_start3A_206, %dma_start3A_207] : memref<10496x64xf32, #tpu.memory_space<vmem_shared>> -> memref<10496x64xf32, #tpu.memory_space<vmem_shared>>
      tpu.enqueue_indirect_dma source(%arg9 : memref<128x64xf32, #tpu.memory_space<vmem>>) target(%dma_start3A_208 : memref<10496x64xf32, #tpu.memory_space<vmem_shared>>) offsets(%dma_start3A_205 : memref<128xi32, #tpu.memory_space<vmem>>) semaphore(%arg18 : memref<!tpu.dma_semaphore, #tpu.memory_space<semaphore_mem>>) {add = true}
      %ge3A_209 = arith.constant 1 : i32
      %ge3A_210 = arith.cmpi sge, %add3A_196, %ge3A_209 : i32
      %add3A_211 = arith.constant 4 : i32
      %add3A_212 = arith.addi %add3A_196, %add3A_211 : i32
      %sub3A_213 = arith.constant 1 : i32
      %sub3A_214 = arith.subi %add3A_212, %sub3A_213 : i32
      %lt3A_215 = arith.constant 160 : i32
      %lt3A_216 = arith.cmpi slt, %sub3A_214, %lt3A_215 : i32
      %and3A_217 = arith.andi %ge3A_210, %lt3A_216 : i1
      %convert_element_type3A_218 = arith.extui %and3A_217 : i1 to i32
      %cond3A_219 = arith.constant 0 : i32
      %cond3A_220 = arith.cmpi ne, %convert_element_type3A_218, %cond3A_219 : i32
      scf.if %cond3A_220 {
        %sub3A_300 = arith.constant 1 : i32
        %sub3A_301 = arith.subi %add3A_196, %sub3A_300 : i32
        %dma_wait3A_302 = arith.constant 0 : i32
        %dma_wait3A_303 = tpu.memref_slice %arg7[%sub3A_301, %dma_wait3A_302] : memref<160x128xi32, #tpu.memory_space<vmem>> -> memref<1x128xi32, #tpu.memory_space<vmem>>
        %dma_wait3A_304 = tpu.memref_squeeze %dma_wait3A_303 : memref<1x128xi32, #tpu.memory_space<vmem>> -> memref<128xi32, #tpu.memory_space<vmem>>
        %dma_wait3A_305 = arith.constant 0 : i32
        %dma_wait3A_306 = arith.constant 0 : i32
        %dma_wait3A_307 = tpu.memref_slice %arg12[%dma_wait3A_305, %dma_wait3A_306] : memref<10496x64xf32, #tpu.memory_space<vmem_shared>> -> memref<10496x64xf32, #tpu.memory_space<vmem_shared>>
        tpu.wait_indirect_dma semaphore(%arg17 : memref<!tpu.dma_semaphore, #tpu.memory_space<semaphore_mem>>) src(%arg8 : memref<128x64xf32, #tpu.memory_space<vmem>>) dst(%dma_wait3A_307 : memref<10496x64xf32, #tpu.memory_space<vmem_shared>>)
      } else {
      }
      %add3A_221 = arith.constant 4 : i32
      %add3A_222 = arith.addi %add3A_196, %add3A_221 : i32
      %sub3A_223 = arith.constant 1 : i32
      %sub3A_224 = arith.subi %add3A_222, %sub3A_223 : i32
      %lt3A_225 = arith.constant 160 : i32
      %lt3A_226 = arith.cmpi slt, %sub3A_224, %lt3A_225 : i32
      %convert_element_type3A_227 = arith.extui %lt3A_226 : i1 to i32
      %cond3A_228 = arith.constant 0 : i32
      %cond3A_229 = arith.cmpi ne, %convert_element_type3A_227, %cond3A_228 : i32
      scf.if %cond3A_229 {
        %add3A_300 = arith.constant 4 : i32
        %add3A_301 = arith.addi %add3A_196, %add3A_300 : i32
        %sub3A_302 = arith.constant 1 : i32
        %sub3A_303 = arith.subi %add3A_301, %sub3A_302 : i32
        %dma_start3A_304 = arith.constant 0 : i32
        %dma_start3A_305 = tpu.memref_slice %arg6[%sub3A_303, %dma_start3A_304] : memref<160x128xi32, #tpu.memory_space<vmem>> -> memref<1x128xi32, #tpu.memory_space<vmem>>
        %dma_start3A_306 = tpu.memref_squeeze %dma_start3A_305 : memref<1x128xi32, #tpu.memory_space<vmem>> -> memref<128xi32, #tpu.memory_space<vmem>>
        %dma_start3A_307 = arith.constant 0 : i32
        %dma_start3A_308 = arith.constant 0 : i32
        %dma_start3A_309 = tpu.memref_slice %arg2[%dma_start3A_307, %dma_start3A_308] : memref<40000x64xf32, #tpu.memory_space<hbm>> -> memref<40000x64xf32, #tpu.memory_space<hbm>>
        tpu.enqueue_indirect_dma source(%dma_start3A_309 : memref<40000x64xf32, #tpu.memory_space<hbm>>) target(%arg8 : memref<128x64xf32, #tpu.memory_space<vmem>>) offsets(%dma_start3A_306 : memref<128xi32, #tpu.memory_space<vmem>>) semaphore(%arg13 : memref<!tpu.dma_semaphore, #tpu.memory_space<semaphore_mem>>)
      } else {
      }
      %add3A_230 = arith.constant 2 : i32
      %add3A_231 = arith.addi %mul3A_165, %add3A_230 : i32
      %dma_wait3A_232 = arith.constant 0 : i32
      %dma_wait3A_233 = tpu.memref_slice %arg6[%add3A_231, %dma_wait3A_232] : memref<160x128xi32, #tpu.memory_space<vmem>> -> memref<1x128xi32, #tpu.memory_space<vmem>>
      %dma_wait3A_234 = tpu.memref_squeeze %dma_wait3A_233 : memref<1x128xi32, #tpu.memory_space<vmem>> -> memref<128xi32, #tpu.memory_space<vmem>>
      %dma_wait3A_235 = arith.constant 0 : i32
      %dma_wait3A_236 = arith.constant 0 : i32
      %dma_wait3A_237 = tpu.memref_slice %arg2[%dma_wait3A_235, %dma_wait3A_236] : memref<40000x64xf32, #tpu.memory_space<hbm>> -> memref<40000x64xf32, #tpu.memory_space<hbm>>
      tpu.wait_indirect_dma semaphore(%arg15 : memref<!tpu.dma_semaphore, #tpu.memory_space<semaphore_mem>>) src(%dma_wait3A_237 : memref<40000x64xf32, #tpu.memory_space<hbm>>) dst(%arg10 : memref<128x64xf32, #tpu.memory_space<vmem>>)
      %dma_start3A_238 = arith.constant 0 : i32
      %dma_start3A_239 = tpu.memref_slice %arg7[%add3A_231, %dma_start3A_238] : memref<160x128xi32, #tpu.memory_space<vmem>> -> memref<1x128xi32, #tpu.memory_space<vmem>>
      %dma_start3A_240 = tpu.memref_squeeze %dma_start3A_239 : memref<1x128xi32, #tpu.memory_space<vmem>> -> memref<128xi32, #tpu.memory_space<vmem>>
      %dma_start3A_241 = arith.constant 0 : i32
      %dma_start3A_242 = arith.constant 0 : i32
      %dma_start3A_243 = tpu.memref_slice %arg12[%dma_start3A_241, %dma_start3A_242] : memref<10496x64xf32, #tpu.memory_space<vmem_shared>> -> memref<10496x64xf32, #tpu.memory_space<vmem_shared>>
      tpu.enqueue_indirect_dma source(%arg10 : memref<128x64xf32, #tpu.memory_space<vmem>>) target(%dma_start3A_243 : memref<10496x64xf32, #tpu.memory_space<vmem_shared>>) offsets(%dma_start3A_240 : memref<128xi32, #tpu.memory_space<vmem>>) semaphore(%arg19 : memref<!tpu.dma_semaphore, #tpu.memory_space<semaphore_mem>>) {add = true}
      %ge3A_244 = arith.constant 1 : i32
      %ge3A_245 = arith.cmpi sge, %add3A_231, %ge3A_244 : i32
      %add3A_246 = arith.constant 4 : i32
      %add3A_247 = arith.addi %add3A_231, %add3A_246 : i32
      %sub3A_248 = arith.constant 1 : i32
      %sub3A_249 = arith.subi %add3A_247, %sub3A_248 : i32
      %lt3A_250 = arith.constant 160 : i32
      %lt3A_251 = arith.cmpi slt, %sub3A_249, %lt3A_250 : i32
      %and3A_252 = arith.andi %ge3A_245, %lt3A_251 : i1
      %convert_element_type3A_253 = arith.extui %and3A_252 : i1 to i32
      %cond3A_254 = arith.constant 0 : i32
      %cond3A_255 = arith.cmpi ne, %convert_element_type3A_253, %cond3A_254 : i32
      scf.if %cond3A_255 {
        %sub3A_300 = arith.constant 1 : i32
        %sub3A_301 = arith.subi %add3A_231, %sub3A_300 : i32
        %dma_wait3A_302 = arith.constant 0 : i32
        %dma_wait3A_303 = tpu.memref_slice %arg7[%sub3A_301, %dma_wait3A_302] : memref<160x128xi32, #tpu.memory_space<vmem>> -> memref<1x128xi32, #tpu.memory_space<vmem>>
        %dma_wait3A_304 = tpu.memref_squeeze %dma_wait3A_303 : memref<1x128xi32, #tpu.memory_space<vmem>> -> memref<128xi32, #tpu.memory_space<vmem>>
        %dma_wait3A_305 = arith.constant 0 : i32
        %dma_wait3A_306 = arith.constant 0 : i32
        %dma_wait3A_307 = tpu.memref_slice %arg12[%dma_wait3A_305, %dma_wait3A_306] : memref<10496x64xf32, #tpu.memory_space<vmem_shared>> -> memref<10496x64xf32, #tpu.memory_space<vmem_shared>>
        tpu.wait_indirect_dma semaphore(%arg18 : memref<!tpu.dma_semaphore, #tpu.memory_space<semaphore_mem>>) src(%arg9 : memref<128x64xf32, #tpu.memory_space<vmem>>) dst(%dma_wait3A_307 : memref<10496x64xf32, #tpu.memory_space<vmem_shared>>)
      } else {
      }
      %add3A_256 = arith.constant 4 : i32
      %add3A_257 = arith.addi %add3A_231, %add3A_256 : i32
      %sub3A_258 = arith.constant 1 : i32
      %sub3A_259 = arith.subi %add3A_257, %sub3A_258 : i32
      %lt3A_260 = arith.constant 160 : i32
      %lt3A_261 = arith.cmpi slt, %sub3A_259, %lt3A_260 : i32
      %convert_element_type3A_262 = arith.extui %lt3A_261 : i1 to i32
      %cond3A_263 = arith.constant 0 : i32
      %cond3A_264 = arith.cmpi ne, %convert_element_type3A_262, %cond3A_263 : i32
      scf.if %cond3A_264 {
        %add3A_300 = arith.constant 4 : i32
        %add3A_301 = arith.addi %add3A_231, %add3A_300 : i32
        %sub3A_302 = arith.constant 1 : i32
        %sub3A_303 = arith.subi %add3A_301, %sub3A_302 : i32
        %dma_start3A_304 = arith.constant 0 : i32
        %dma_start3A_305 = tpu.memref_slice %arg6[%sub3A_303, %dma_start3A_304] : memref<160x128xi32, #tpu.memory_space<vmem>> -> memref<1x128xi32, #tpu.memory_space<vmem>>
        %dma_start3A_306 = tpu.memref_squeeze %dma_start3A_305 : memref<1x128xi32, #tpu.memory_space<vmem>> -> memref<128xi32, #tpu.memory_space<vmem>>
        %dma_start3A_307 = arith.constant 0 : i32
        %dma_start3A_308 = arith.constant 0 : i32
        %dma_start3A_309 = tpu.memref_slice %arg2[%dma_start3A_307, %dma_start3A_308] : memref<40000x64xf32, #tpu.memory_space<hbm>> -> memref<40000x64xf32, #tpu.memory_space<hbm>>
        tpu.enqueue_indirect_dma source(%dma_start3A_309 : memref<40000x64xf32, #tpu.memory_space<hbm>>) target(%arg9 : memref<128x64xf32, #tpu.memory_space<vmem>>) offsets(%dma_start3A_306 : memref<128xi32, #tpu.memory_space<vmem>>) semaphore(%arg14 : memref<!tpu.dma_semaphore, #tpu.memory_space<semaphore_mem>>)
      } else {
      }
      %add3A_265 = arith.constant 3 : i32
      %add3A_266 = arith.addi %mul3A_165, %add3A_265 : i32
      %dma_wait3A_267 = arith.constant 0 : i32
      %dma_wait3A_268 = tpu.memref_slice %arg6[%add3A_266, %dma_wait3A_267] : memref<160x128xi32, #tpu.memory_space<vmem>> -> memref<1x128xi32, #tpu.memory_space<vmem>>
      %dma_wait3A_269 = tpu.memref_squeeze %dma_wait3A_268 : memref<1x128xi32, #tpu.memory_space<vmem>> -> memref<128xi32, #tpu.memory_space<vmem>>
      %dma_wait3A_270 = arith.constant 0 : i32
      %dma_wait3A_271 = arith.constant 0 : i32
      %dma_wait3A_272 = tpu.memref_slice %arg2[%dma_wait3A_270, %dma_wait3A_271] : memref<40000x64xf32, #tpu.memory_space<hbm>> -> memref<40000x64xf32, #tpu.memory_space<hbm>>
      tpu.wait_indirect_dma semaphore(%arg16 : memref<!tpu.dma_semaphore, #tpu.memory_space<semaphore_mem>>) src(%dma_wait3A_272 : memref<40000x64xf32, #tpu.memory_space<hbm>>) dst(%arg11 : memref<128x64xf32, #tpu.memory_space<vmem>>)
      %dma_start3A_273 = arith.constant 0 : i32
      %dma_start3A_274 = tpu.memref_slice %arg7[%add3A_266, %dma_start3A_273] : memref<160x128xi32, #tpu.memory_space<vmem>> -> memref<1x128xi32, #tpu.memory_space<vmem>>
      %dma_start3A_275 = tpu.memref_squeeze %dma_start3A_274 : memref<1x128xi32, #tpu.memory_space<vmem>> -> memref<128xi32, #tpu.memory_space<vmem>>
      %dma_start3A_276 = arith.constant 0 : i32
      %dma_start3A_277 = arith.constant 0 : i32
      %dma_start3A_278 = tpu.memref_slice %arg12[%dma_start3A_276, %dma_start3A_277] : memref<10496x64xf32, #tpu.memory_space<vmem_shared>> -> memref<10496x64xf32, #tpu.memory_space<vmem_shared>>
      tpu.enqueue_indirect_dma source(%arg11 : memref<128x64xf32, #tpu.memory_space<vmem>>) target(%dma_start3A_278 : memref<10496x64xf32, #tpu.memory_space<vmem_shared>>) offsets(%dma_start3A_275 : memref<128xi32, #tpu.memory_space<vmem>>) semaphore(%arg20 : memref<!tpu.dma_semaphore, #tpu.memory_space<semaphore_mem>>) {add = true}
      %ge3A_279 = arith.constant 1 : i32
      %ge3A_280 = arith.cmpi sge, %add3A_266, %ge3A_279 : i32
      %add3A_281 = arith.constant 4 : i32
      %add3A_282 = arith.addi %add3A_266, %add3A_281 : i32
      %sub3A_283 = arith.constant 1 : i32
      %sub3A_284 = arith.subi %add3A_282, %sub3A_283 : i32
      %lt3A_285 = arith.constant 160 : i32
      %lt3A_286 = arith.cmpi slt, %sub3A_284, %lt3A_285 : i32
      %and3A_287 = arith.andi %ge3A_280, %lt3A_286 : i1
      %convert_element_type3A_288 = arith.extui %and3A_287 : i1 to i32
      %cond3A_289 = arith.constant 0 : i32
      %cond3A_290 = arith.cmpi ne, %convert_element_type3A_288, %cond3A_289 : i32
      scf.if %cond3A_290 {
        %sub3A_300 = arith.constant 1 : i32
        %sub3A_301 = arith.subi %add3A_266, %sub3A_300 : i32
        %dma_wait3A_302 = arith.constant 0 : i32
        %dma_wait3A_303 = tpu.memref_slice %arg7[%sub3A_301, %dma_wait3A_302] : memref<160x128xi32, #tpu.memory_space<vmem>> -> memref<1x128xi32, #tpu.memory_space<vmem>>
        %dma_wait3A_304 = tpu.memref_squeeze %dma_wait3A_303 : memref<1x128xi32, #tpu.memory_space<vmem>> -> memref<128xi32, #tpu.memory_space<vmem>>
        %dma_wait3A_305 = arith.constant 0 : i32
        %dma_wait3A_306 = arith.constant 0 : i32
        %dma_wait3A_307 = tpu.memref_slice %arg12[%dma_wait3A_305, %dma_wait3A_306] : memref<10496x64xf32, #tpu.memory_space<vmem_shared>> -> memref<10496x64xf32, #tpu.memory_space<vmem_shared>>
        tpu.wait_indirect_dma semaphore(%arg19 : memref<!tpu.dma_semaphore, #tpu.memory_space<semaphore_mem>>) src(%arg10 : memref<128x64xf32, #tpu.memory_space<vmem>>) dst(%dma_wait3A_307 : memref<10496x64xf32, #tpu.memory_space<vmem_shared>>)
      } else {
      }
      %add3A_291 = arith.constant 4 : i32
      %add3A_292 = arith.addi %add3A_266, %add3A_291 : i32
      %sub3A_293 = arith.constant 1 : i32
      %sub3A_294 = arith.subi %add3A_292, %sub3A_293 : i32
      %lt3A_295 = arith.constant 160 : i32
      %lt3A_296 = arith.cmpi slt, %sub3A_294, %lt3A_295 : i32
      %convert_element_type3A_297 = arith.extui %lt3A_296 : i1 to i32
      %cond3A_298 = arith.constant 0 : i32
      %cond3A_299 = arith.cmpi ne, %convert_element_type3A_297, %cond3A_298 : i32
      scf.if %cond3A_299 {
        %add3A_300 = arith.constant 4 : i32
        %add3A_301 = arith.addi %add3A_266, %add3A_300 : i32
        %sub3A_302 = arith.constant 1 : i32
        %sub3A_303 = arith.subi %add3A_301, %sub3A_302 : i32
        %dma_start3A_304 = arith.constant 0 : i32
        %dma_start3A_305 = tpu.memref_slice %arg6[%sub3A_303, %dma_start3A_304] : memref<160x128xi32, #tpu.memory_space<vmem>> -> memref<1x128xi32, #tpu.memory_space<vmem>>
        %dma_start3A_306 = tpu.memref_squeeze %dma_start3A_305 : memref<1x128xi32, #tpu.memory_space<vmem>> -> memref<128xi32, #tpu.memory_space<vmem>>
        %dma_start3A_307 = arith.constant 0 : i32
        %dma_start3A_308 = arith.constant 0 : i32
        %dma_start3A_309 = tpu.memref_slice %arg2[%dma_start3A_307, %dma_start3A_308] : memref<40000x64xf32, #tpu.memory_space<hbm>> -> memref<40000x64xf32, #tpu.memory_space<hbm>>
        tpu.enqueue_indirect_dma source(%dma_start3A_309 : memref<40000x64xf32, #tpu.memory_space<hbm>>) target(%arg10 : memref<128x64xf32, #tpu.memory_space<vmem>>) offsets(%dma_start3A_306 : memref<128xi32, #tpu.memory_space<vmem>>) semaphore(%arg15 : memref<!tpu.dma_semaphore, #tpu.memory_space<semaphore_mem>>)
      } else {
      }
    }
    %scan3A_133 = arith.constant 40 : i32
    %dma_wait3A_134 = arith.constant 156 : i32
    %dma_wait3A_135 = arith.constant 0 : i32
    %dma_wait3A_136 = tpu.memref_slice %arg7[%dma_wait3A_134, %dma_wait3A_135] : memref<160x128xi32, #tpu.memory_space<vmem>> -> memref<1x128xi32, #tpu.memory_space<vmem>>
    %dma_wait3A_137 = tpu.memref_squeeze %dma_wait3A_136 : memref<1x128xi32, #tpu.memory_space<vmem>> -> memref<128xi32, #tpu.memory_space<vmem>>
    %dma_wait3A_138 = arith.constant 0 : i32
    %dma_wait3A_139 = arith.constant 0 : i32
    %dma_wait3A_140 = tpu.memref_slice %arg12[%dma_wait3A_138, %dma_wait3A_139] : memref<10496x64xf32, #tpu.memory_space<vmem_shared>> -> memref<10496x64xf32, #tpu.memory_space<vmem_shared>>
    tpu.wait_indirect_dma semaphore(%arg17 : memref<!tpu.dma_semaphore, #tpu.memory_space<semaphore_mem>>) src(%arg8 : memref<128x64xf32, #tpu.memory_space<vmem>>) dst(%dma_wait3A_140 : memref<10496x64xf32, #tpu.memory_space<vmem_shared>>)
    %dma_wait3A_141 = arith.constant 157 : i32
    %dma_wait3A_142 = arith.constant 0 : i32
    %dma_wait3A_143 = tpu.memref_slice %arg7[%dma_wait3A_141, %dma_wait3A_142] : memref<160x128xi32, #tpu.memory_space<vmem>> -> memref<1x128xi32, #tpu.memory_space<vmem>>
    %dma_wait3A_144 = tpu.memref_squeeze %dma_wait3A_143 : memref<1x128xi32, #tpu.memory_space<vmem>> -> memref<128xi32, #tpu.memory_space<vmem>>
    %dma_wait3A_145 = arith.constant 0 : i32
    %dma_wait3A_146 = arith.constant 0 : i32
    %dma_wait3A_147 = tpu.memref_slice %arg12[%dma_wait3A_145, %dma_wait3A_146] : memref<10496x64xf32, #tpu.memory_space<vmem_shared>> -> memref<10496x64xf32, #tpu.memory_space<vmem_shared>>
    tpu.wait_indirect_dma semaphore(%arg18 : memref<!tpu.dma_semaphore, #tpu.memory_space<semaphore_mem>>) src(%arg9 : memref<128x64xf32, #tpu.memory_space<vmem>>) dst(%dma_wait3A_147 : memref<10496x64xf32, #tpu.memory_space<vmem_shared>>)
    %dma_wait3A_148 = arith.constant 158 : i32
    %dma_wait3A_149 = arith.constant 0 : i32
    %dma_wait3A_150 = tpu.memref_slice %arg7[%dma_wait3A_148, %dma_wait3A_149] : memref<160x128xi32, #tpu.memory_space<vmem>> -> memref<1x128xi32, #tpu.memory_space<vmem>>
    %dma_wait3A_151 = tpu.memref_squeeze %dma_wait3A_150 : memref<1x128xi32, #tpu.memory_space<vmem>> -> memref<128xi32, #tpu.memory_space<vmem>>
    %dma_wait3A_152 = arith.constant 0 : i32
    %dma_wait3A_153 = arith.constant 0 : i32
    %dma_wait3A_154 = tpu.memref_slice %arg12[%dma_wait3A_152, %dma_wait3A_153] : memref<10496x64xf32, #tpu.memory_space<vmem_shared>> -> memref<10496x64xf32, #tpu.memory_space<vmem_shared>>
    tpu.wait_indirect_dma semaphore(%arg19 : memref<!tpu.dma_semaphore, #tpu.memory_space<semaphore_mem>>) src(%arg10 : memref<128x64xf32, #tpu.memory_space<vmem>>) dst(%dma_wait3A_154 : memref<10496x64xf32, #tpu.memory_space<vmem_shared>>)
    %dma_wait3A_155 = arith.constant 159 : i32
    %dma_wait3A_156 = arith.constant 0 : i32
    %dma_wait3A_157 = tpu.memref_slice %arg7[%dma_wait3A_155, %dma_wait3A_156] : memref<160x128xi32, #tpu.memory_space<vmem>> -> memref<1x128xi32, #tpu.memory_space<vmem>>
    %dma_wait3A_158 = tpu.memref_squeeze %dma_wait3A_157 : memref<1x128xi32, #tpu.memory_space<vmem>> -> memref<128xi32, #tpu.memory_space<vmem>>
    %dma_wait3A_159 = arith.constant 0 : i32
    %dma_wait3A_160 = arith.constant 0 : i32
    %dma_wait3A_161 = tpu.memref_slice %arg12[%dma_wait3A_159, %dma_wait3A_160] : memref<10496x64xf32, #tpu.memory_space<vmem_shared>> -> memref<10496x64xf32, #tpu.memory_space<vmem_shared>>
    tpu.wait_indirect_dma semaphore(%arg20 : memref<!tpu.dma_semaphore, #tpu.memory_space<semaphore_mem>>) src(%arg11 : memref<128x64xf32, #tpu.memory_space<vmem>>) dst(%dma_wait3A_161 : memref<10496x64xf32, #tpu.memory_space<vmem_shared>>)
    %barrier3A_162 = arith.constant 0 : index
    tpu.barrier barrier_id(%barrier3A_162)
    "tpu.region"() ({
      %run_scoped3A = tpu.sem_alloc : memref<!tpu.dma_semaphore, #tpu.memory_space<semaphore_mem>>
      %dma_start3A_163 = arith.constant 0 : i32
      %dma_start3A_164 = tpu.memref_slice %arg5[%add3A_81, %mul3A_83, %dma_start3A_163] : memref<4x10496x64xf32, #tpu.memory_space<hbm>> -> memref<1x656x64xf32, #tpu.memory_space<hbm>>
      %dma_start3A_165 = tpu.memref_squeeze %dma_start3A_164 : memref<1x656x64xf32, #tpu.memory_space<hbm>> -> memref<656x64xf32, #tpu.memory_space<hbm>>
      %dma_start3A_166 = arith.constant 0 : i32
      %dma_start3A_167 = tpu.memref_slice %arg12[%mul3A_83, %dma_start3A_166] : memref<10496x64xf32, #tpu.memory_space<vmem_shared>> -> memref<656x64xf32, #tpu.memory_space<vmem_shared>>
      tpu.enqueue_dma source(%dma_start3A_167 : memref<656x64xf32, #tpu.memory_space<vmem_shared>>) target(%dma_start3A_165 : memref<656x64xf32, #tpu.memory_space<hbm>>) target_semaphore(%run_scoped3A : memref<!tpu.dma_semaphore, #tpu.memory_space<semaphore_mem>>)
      %dma_wait3A_168 = arith.constant 0 : i32
      %dma_wait3A_169 = tpu.memref_slice %arg5[%add3A_81, %mul3A_83, %dma_wait3A_168] : memref<4x10496x64xf32, #tpu.memory_space<hbm>> -> memref<1x656x64xf32, #tpu.memory_space<hbm>>
      %dma_wait3A_170 = tpu.memref_squeeze %dma_wait3A_169 : memref<1x656x64xf32, #tpu.memory_space<hbm>> -> memref<656x64xf32, #tpu.memory_space<hbm>>
      %dma_wait3A_171 = arith.constant 0 : i32
      %dma_wait3A_172 = tpu.memref_slice %arg12[%mul3A_83, %dma_wait3A_171] : memref<10496x64xf32, #tpu.memory_space<vmem_shared>> -> memref<656x64xf32, #tpu.memory_space<vmem_shared>>
      tpu.wait_dma2 semaphore(%run_scoped3A : memref<!tpu.dma_semaphore, #tpu.memory_space<semaphore_mem>>) src(%dma_wait3A_172 : memref<656x64xf32, #tpu.memory_space<vmem_shared>>) dst(%dma_wait3A_170 : memref<656x64xf32, #tpu.memory_space<hbm>>)
      tpu.yield
    }) : () -> ()
    return
  }
}

module attributes {stable_mosaic.version = 14 : i64} {
  func.func @_tc1_body(%arg0: i32, %arg1: i32, %arg2: memref<400x128xf32, #tpu.memory_space<vmem>>, %arg3: memref<2x400x64xf32, #tpu.memory_space<vmem>>, %arg4: memref<128x256xf32, #tpu.memory_space<vmem>>, %arg5: memref<1x256xf32, #tpu.memory_space<vmem>>, %arg6: memref<1x256x64xf32, #tpu.memory_space<vmem>>, %arg7: memref<1x1x64xf32, #tpu.memory_space<vmem>>, %arg8: memref<1x400x64xf32, #tpu.memory_space<vmem>>, %arg9: memref<1x128xf32, #tpu.memory_space<vmem>>) attributes {dimension_semantics = [#tpu.dimension_semantics<arbitrary>, #tpu.dimension_semantics<arbitrary>], iteration_bounds = array<i64: 4, 25>, scalar_prefetch = 0 : i64, scratch_operands = 0 : i64, tpu.core_type = #tpu.core_type<tc>, window_params = [{transform_indices = @transform_0, window_bounds = array<i64: 400, 128>}, {transform_indices = @transform_1, window_bounds = array<i64: 2, 400, 64>}, {pipeline_mode = #tpu.pipeline_mode<synchronous>, transform_indices = @transform_2, window_bounds = array<i64: 128, 256>}, {pipeline_mode = #tpu.pipeline_mode<synchronous>, transform_indices = @transform_3, window_bounds = array<i64: 1, 256>}, {transform_indices = @transform_4, window_bounds = array<i64: 1, 256, 64>}, {transform_indices = @transform_5, window_bounds = array<i64: 1, 1, 64>}, {transform_indices = @transform_6, window_bounds = array<i64: 1, 400, 64>}, {pipeline_mode = #tpu.pipeline_mode<synchronous>, transform_indices = @transform_7, window_bounds = array<i64: 1, 128>}]} {
    %get3A = arith.constant 0 : index
    %get3A_0 = arith.constant 0 : index
    %get3A_1 = vector.load %arg2[%get3A, %get3A_0] : memref<400x128xf32, #tpu.memory_space<vmem>>, vector<400x128xf32>
    %get3A_2 = arith.constant 0 : index
    %get3A_3 = arith.constant 0 : index
    %get3A_4 = arith.constant 0 : index
    %get3A_5 = vector.load %arg3[%get3A_2, %get3A_3, %get3A_4] : memref<2x400x64xf32, #tpu.memory_space<vmem>>, vector<1x400x64xf32>
    %get3A_6 = vector.shape_cast %get3A_5 : vector<1x400x64xf32> to vector<400x64xf32>
    %get3A_7 = arith.constant 1 : index
    %get3A_8 = arith.constant 0 : index
    %get3A_9 = arith.constant 0 : index
    %get3A_10 = vector.load %arg3[%get3A_7, %get3A_8, %get3A_9] : memref<2x400x64xf32, #tpu.memory_space<vmem>>, vector<1x400x64xf32>
    %get3A_11 = vector.shape_cast %get3A_10 : vector<1x400x64xf32> to vector<400x64xf32>
    %concatenate3A = tpu.concatenate %get3A_6, %get3A_11 in 1 : vector<400x64xf32>, vector<400x64xf32> -> vector<400x128xf32>
    %add3A = arith.addf %get3A_1, %concatenate3A : vector<400x128xf32>
    %get3A_12 = arith.constant 0 : index
    %get3A_13 = arith.constant 0 : index
    %get3A_14 = vector.load %arg4[%get3A_12, %get3A_13] : memref<128x256xf32, #tpu.memory_space<vmem>>, vector<128x256xf32>
    %dot_general3A = arith.constant dense<0.000000e+00> : vector<400x256xf32>
    %dot_general3A_15 = tpu.matmul %add3A, %get3A_14, %dot_general3A {dimension_numbers = #tpu.dot_dimension_numbers<[1], [0], [0], [1], [0, 0, 1, 1], [], []>, transpose_lhs_hint = false} : vector<400x128xf32>, vector<128x256xf32>, vector<400x256xf32> -> vector<400x256xf32>
    %get3A_16 = arith.constant 0 : index
    %get3A_17 = arith.constant 0 : index
    %get3A_18 = vector.load %arg5[%get3A_16, %get3A_17] : memref<1x256xf32, #tpu.memory_space<vmem>>, vector<1x256xf32>
    %add3A_19 = vector.broadcast %get3A_18 : vector<1x256xf32> to vector<400x256xf32>
    %add3A_20 = arith.addf %dot_general3A_15, %add3A_19 : vector<400x256xf32>
    %max3A = arith.constant 0.000000e+00 : f32
    %max3A_21 = vector.broadcast %max3A : f32 to vector<400x256xf32>
    %max3A_22 = arith.maximumf %add3A_20, %max3A_21 : vector<400x256xf32>
    %get3A_23 = arith.constant 0 : index
    %get3A_24 = arith.constant 0 : index
    %get3A_25 = arith.constant 0 : index
    %get3A_26 = vector.load %arg6[%get3A_23, %get3A_24, %get3A_25] : memref<1x256x64xf32, #tpu.memory_space<vmem>>, vector<1x256x64xf32>
    %get3A_27 = vector.shape_cast %get3A_26 : vector<1x256x64xf32> to vector<256x64xf32>
    %dot_general3A_28 = arith.constant dense<0.000000e+00> : vector<400x64xf32>
    %dot_general3A_29 = tpu.matmul %max3A_22, %get3A_27, %dot_general3A_28 {dimension_numbers = #tpu.dot_dimension_numbers<[1], [0], [0], [1], [0, 0, 1, 1], [], []>, transpose_lhs_hint = false} : vector<400x256xf32>, vector<256x64xf32>, vector<400x64xf32> -> vector<400x64xf32>
    %get3A_30 = arith.constant 0 : index
    %get3A_31 = arith.constant 0 : index
    %get3A_32 = arith.constant 0 : index
    %get3A_33 = vector.load %arg7[%get3A_30, %get3A_31, %get3A_32] : memref<1x1x64xf32, #tpu.memory_space<vmem>>, vector<1x1x64xf32>
    %get3A_34 = vector.shape_cast %get3A_33 : vector<1x1x64xf32> to vector<1x64xf32>
    %add3A_35 = vector.broadcast %get3A_34 : vector<1x64xf32> to vector<400x64xf32>
    %add3A_36 = arith.addf %dot_general3A_29, %add3A_35 : vector<400x64xf32>
    %max3A_37 = arith.constant 0.000000e+00 : f32
    %max3A_38 = vector.broadcast %max3A_37 : f32 to vector<400x64xf32>
    %max3A_39 = arith.maximumf %add3A_36, %max3A_38 : vector<400x64xf32>
    %swap3A = arith.constant 0 : index
    %swap3A_40 = arith.constant 0 : index
    %swap3A_41 = arith.constant 0 : index
    %swap3A_42 = vector.load %arg8[%swap3A, %swap3A_40, %swap3A_41] : memref<1x400x64xf32, #tpu.memory_space<vmem>>, vector<1x400x64xf32>
    %swap3A_43 = vector.shape_cast %swap3A_42 : vector<1x400x64xf32> to vector<400x64xf32>
    %swap3A_44 = vector.shape_cast %max3A_39 : vector<400x64xf32> to vector<1x400x64xf32>
    tpu.vector_store %arg8[%swap3A, %swap3A_40, %swap3A_41], %swap3A_44 {strides = array<i32>} : memref<1x400x64xf32, #tpu.memory_space<vmem>>, vector<1x400x64xf32>,
    %eq3A = arith.constant 0 : i32
    %eq3A_45 = arith.cmpi eq, %arg0, %eq3A : i32
    %eq3A_46 = arith.constant 0 : i32
    %eq3A_47 = arith.cmpi eq, %arg1, %eq3A_46 : i32
    %and3A = arith.andi %eq3A_45, %eq3A_47 : i1
    %convert_element_type3A = arith.extui %and3A : i1 to i32
    %cond3A = arith.constant 0 : i32
    %cond3A_48 = arith.cmpi ne, %convert_element_type3A, %cond3A : i32
    scf.if %cond3A_48 {
      %broadcast_in_dim3A = arith.constant 0.000000e+00 : f32
      %broadcast_in_dim3A_54 = vector.broadcast %broadcast_in_dim3A : f32 to vector<1x128xf32>
      %swap3A_55 = arith.constant 0 : index
      %swap3A_56 = arith.constant 0 : index
      %swap3A_57 = vector.load %arg9[%swap3A_55, %swap3A_56] : memref<1x128xf32, #tpu.memory_space<vmem>>, vector<1x128xf32>
      tpu.vector_store %arg9[%swap3A_55, %swap3A_56], %broadcast_in_dim3A_54 {strides = array<i32>} : memref<1x128xf32, #tpu.memory_space<vmem>>, vector<1x128xf32>,
    } else {
    }
    %eq3A_49 = arith.constant 0 : i32
    %eq3A_50 = arith.cmpi eq, %arg0, %eq3A_49 : i32
    %convert_element_type3A_51 = arith.extui %eq3A_50 : i1 to i32
    %cond3A_52 = arith.constant 0 : i32
    %cond3A_53 = arith.cmpi ne, %convert_element_type3A_51, %cond3A_52 : i32
    scf.if %cond3A_53 {
      %get3A_54 = arith.constant 0 : index
      %get3A_55 = arith.constant 0 : index
      %get3A_56 = vector.load %arg9[%get3A_54, %get3A_55] : memref<1x128xf32, #tpu.memory_space<vmem>>, vector<1x128xf32>
      %get3A_57 = arith.constant 0 : index
      %get3A_58 = arith.constant 0 : index
      %get3A_59 = vector.load %arg2[%get3A_57, %get3A_58] : memref<400x128xf32, #tpu.memory_space<vmem>>, vector<400x128xf32>
      %reduce_sum3A = arith.constant dense<0.000000e+00> : vector<128xf32>
      %reduce_sum3A_60 = vector.multi_reduction <add>, %get3A_59, %reduce_sum3A [0] : vector<400x128xf32> to vector<128xf32>
      %broadcast_in_dim3A = vector.shape_cast %reduce_sum3A_60 : vector<128xf32> to vector<1x128xf32>
      %add3A_61 = arith.addf %get3A_56, %broadcast_in_dim3A : vector<1x128xf32>
      %swap3A_62 = arith.constant 0 : index
      %swap3A_63 = arith.constant 0 : index
      %swap3A_64 = vector.load %arg9[%swap3A_62, %swap3A_63] : memref<1x128xf32, #tpu.memory_space<vmem>>, vector<1x128xf32>
      tpu.vector_store %arg9[%swap3A_62, %swap3A_63], %add3A_61 {strides = array<i32>} : memref<1x128xf32, #tpu.memory_space<vmem>>, vector<1x128xf32>,
    } else {
    }
    return
  }
  func.func @transform_0(%arg0: i32, %arg1: i32) -> (i32, i32) {
    %c0_i32 = arith.constant 0 : i32
    %c0_i32_0 = arith.constant 0 : i32
    return %arg1, %c0_i32 : i32, i32
  }
  func.func @transform_1(%arg0: i32, %arg1: i32) -> (i32, i32, i32) {
    %c0_i32 = arith.constant 0 : i32
    %c0_i32_0 = arith.constant 0 : i32
    %c0_i32_1 = arith.constant 0 : i32
    return %c0_i32, %arg1, %c0_i32_0 : i32, i32, i32
  }
  func.func @transform_2(%arg0: i32, %arg1: i32) -> (i32, i32) {
    %c0_i32 = arith.constant 0 : i32
    %c0_i32_0 = arith.constant 0 : i32
    %c0_i32_1 = arith.constant 0 : i32
    return %c0_i32, %c0_i32_0 : i32, i32
  }
  func.func @transform_3(%arg0: i32, %arg1: i32) -> (i32, i32) {
    %c0_i32 = arith.constant 0 : i32
    %c0_i32_0 = arith.constant 0 : i32
    %c0_i32_1 = arith.constant 0 : i32
    return %c0_i32, %c0_i32_0 : i32, i32
  }
  func.func @transform_4(%arg0: i32, %arg1: i32) -> (i32, i32, i32) {
    %c0_i32 = arith.constant 0 : i32
    %c0_i32_0 = arith.constant 0 : i32
    %c0_i32_1 = arith.constant 0 : i32
    return %arg0, %c0_i32, %c0_i32_0 : i32, i32, i32
  }
  func.func @transform_5(%arg0: i32, %arg1: i32) -> (i32, i32, i32) {
    %c0_i32 = arith.constant 0 : i32
    %c0_i32_0 = arith.constant 0 : i32
    %c0_i32_1 = arith.constant 0 : i32
    return %arg0, %c0_i32, %c0_i32_0 : i32, i32, i32
  }
  func.func @transform_6(%arg0: i32, %arg1: i32) -> (i32, i32, i32) {
    %c0_i32 = arith.constant 0 : i32
    %c0_i32_0 = arith.constant 0 : i32
    return %arg0, %arg1, %c0_i32 : i32, i32, i32
  }
  func.func @transform_7(%arg0: i32, %arg1: i32) -> (i32, i32) {
    %c0_i32 = arith.constant 0 : i32
    %c0_i32_0 = arith.constant 0 : i32
    %c0_i32_1 = arith.constant 0 : i32
    return %c0_i32, %c0_i32_0 : i32, i32
  }
}

module attributes {stable_mosaic.version = 14 : i64} {
  func.func @_tc2_body(%arg0: i32, %arg1: memref<4x400x64xf32, #tpu.memory_space<vmem>>, %arg2: memref<4x400x64xf32, #tpu.memory_space<vmem>>, %arg3: memref<256x256xf32, #tpu.memory_space<vmem>>, %arg4: memref<1x256xf32, #tpu.memory_space<vmem>>, %arg5: memref<256x256xf32, #tpu.memory_space<vmem>>, %arg6: memref<1x256xf32, #tpu.memory_space<vmem>>, %arg7: memref<1x256xf32, #tpu.memory_space<vmem>>, %arg8: memref<1x256xf32, #tpu.memory_space<vmem>>) attributes {dimension_semantics = [#tpu.dimension_semantics<arbitrary>], iteration_bounds = array<i64: 25>, scalar_prefetch = 0 : i64, scratch_operands = 0 : i64, tpu.core_type = #tpu.core_type<tc>, window_params = [{transform_indices = @transform_0, window_bounds = array<i64: 4, 400, 64>}, {transform_indices = @transform_1, window_bounds = array<i64: 4, 400, 64>}, {pipeline_mode = #tpu.pipeline_mode<synchronous>, transform_indices = @transform_2, window_bounds = array<i64: 256, 256>}, {pipeline_mode = #tpu.pipeline_mode<synchronous>, transform_indices = @transform_3, window_bounds = array<i64: 1, 256>}, {pipeline_mode = #tpu.pipeline_mode<synchronous>, transform_indices = @transform_4, window_bounds = array<i64: 256, 256>}, {pipeline_mode = #tpu.pipeline_mode<synchronous>, transform_indices = @transform_5, window_bounds = array<i64: 1, 256>}, {pipeline_mode = #tpu.pipeline_mode<synchronous>, transform_indices = @transform_6, window_bounds = array<i64: 1, 256>}, {pipeline_mode = #tpu.pipeline_mode<synchronous>, transform_indices = @transform_7, window_bounds = array<i64: 1, 256>}]} {
    %get3A = arith.constant 0 : index
    %get3A_0 = arith.constant 0 : index
    %get3A_1 = arith.constant 0 : index
    %get3A_2 = vector.load %arg1[%get3A, %get3A_0, %get3A_1] : memref<4x400x64xf32, #tpu.memory_space<vmem>>, vector<1x400x64xf32>
    %get3A_3 = vector.shape_cast %get3A_2 : vector<1x400x64xf32> to vector<400x64xf32>
    %get3A_4 = arith.constant 1 : index
    %get3A_5 = arith.constant 0 : index
    %get3A_6 = arith.constant 0 : index
    %get3A_7 = vector.load %arg1[%get3A_4, %get3A_5, %get3A_6] : memref<4x400x64xf32, #tpu.memory_space<vmem>>, vector<1x400x64xf32>
    %get3A_8 = vector.shape_cast %get3A_7 : vector<1x400x64xf32> to vector<400x64xf32>
    %get3A_9 = arith.constant 2 : index
    %get3A_10 = arith.constant 0 : index
    %get3A_11 = arith.constant 0 : index
    %get3A_12 = vector.load %arg1[%get3A_9, %get3A_10, %get3A_11] : memref<4x400x64xf32, #tpu.memory_space<vmem>>, vector<1x400x64xf32>
    %get3A_13 = vector.shape_cast %get3A_12 : vector<1x400x64xf32> to vector<400x64xf32>
    %get3A_14 = arith.constant 3 : index
    %get3A_15 = arith.constant 0 : index
    %get3A_16 = arith.constant 0 : index
    %get3A_17 = vector.load %arg1[%get3A_14, %get3A_15, %get3A_16] : memref<4x400x64xf32, #tpu.memory_space<vmem>>, vector<1x400x64xf32>
    %get3A_18 = vector.shape_cast %get3A_17 : vector<1x400x64xf32> to vector<400x64xf32>
    %concatenate3A = tpu.concatenate %get3A_3, %get3A_8, %get3A_13, %get3A_18 in 1 : vector<400x64xf32>, vector<400x64xf32>, vector<400x64xf32>, vector<400x64xf32> -> vector<400x256xf32>
    %get3A_19 = arith.constant 0 : index
    %get3A_20 = arith.constant 0 : index
    %get3A_21 = arith.constant 0 : index
    %get3A_22 = vector.load %arg2[%get3A_19, %get3A_20, %get3A_21] : memref<4x400x64xf32, #tpu.memory_space<vmem>>, vector<1x400x64xf32>
    %get3A_23 = vector.shape_cast %get3A_22 : vector<1x400x64xf32> to vector<400x64xf32>
    %get3A_24 = arith.constant 1 : index
    %get3A_25 = arith.constant 0 : index
    %get3A_26 = arith.constant 0 : index
    %get3A_27 = vector.load %arg2[%get3A_24, %get3A_25, %get3A_26] : memref<4x400x64xf32, #tpu.memory_space<vmem>>, vector<1x400x64xf32>
    %get3A_28 = vector.shape_cast %get3A_27 : vector<1x400x64xf32> to vector<400x64xf32>
    %get3A_29 = arith.constant 2 : index
    %get3A_30 = arith.constant 0 : index
    %get3A_31 = arith.constant 0 : index
    %get3A_32 = vector.load %arg2[%get3A_29, %get3A_30, %get3A_31] : memref<4x400x64xf32, #tpu.memory_space<vmem>>, vector<1x400x64xf32>
    %get3A_33 = vector.shape_cast %get3A_32 : vector<1x400x64xf32> to vector<400x64xf32>
    %get3A_34 = arith.constant 3 : index
    %get3A_35 = arith.constant 0 : index
    %get3A_36 = arith.constant 0 : index
    %get3A_37 = vector.load %arg2[%get3A_34, %get3A_35, %get3A_36] : memref<4x400x64xf32, #tpu.memory_space<vmem>>, vector<1x400x64xf32>
    %get3A_38 = vector.shape_cast %get3A_37 : vector<1x400x64xf32> to vector<400x64xf32>
    %concatenate3A_39 = tpu.concatenate %get3A_23, %get3A_28, %get3A_33, %get3A_38 in 1 : vector<400x64xf32>, vector<400x64xf32>, vector<400x64xf32>, vector<400x64xf32> -> vector<400x256xf32>
    %add3A = arith.addf %concatenate3A, %concatenate3A_39 : vector<400x256xf32>
    %get3A_40 = arith.constant 0 : index
    %get3A_41 = arith.constant 0 : index
    %get3A_42 = vector.load %arg3[%get3A_40, %get3A_41] : memref<256x256xf32, #tpu.memory_space<vmem>>, vector<256x256xf32>
    %dot_general3A = arith.constant dense<0.000000e+00> : vector<400x256xf32>
    %dot_general3A_43 = tpu.matmul %add3A, %get3A_42, %dot_general3A {dimension_numbers = #tpu.dot_dimension_numbers<[1], [0], [0], [1], [0, 0, 1, 1], [], []>, transpose_lhs_hint = false} : vector<400x256xf32>, vector<256x256xf32>, vector<400x256xf32> -> vector<400x256xf32>
    %get3A_44 = arith.constant 0 : index
    %get3A_45 = arith.constant 0 : index
    %get3A_46 = vector.load %arg4[%get3A_44, %get3A_45] : memref<1x256xf32, #tpu.memory_space<vmem>>, vector<1x256xf32>
    %add3A_47 = vector.broadcast %get3A_46 : vector<1x256xf32> to vector<400x256xf32>
    %add3A_48 = arith.addf %dot_general3A_43, %add3A_47 : vector<400x256xf32>
    %max3A = arith.constant 0.000000e+00 : f32
    %max3A_49 = vector.broadcast %max3A : f32 to vector<400x256xf32>
    %max3A_50 = arith.maximumf %add3A_48, %max3A_49 : vector<400x256xf32>
    %get3A_51 = arith.constant 0 : index
    %get3A_52 = arith.constant 0 : index
    %get3A_53 = vector.load %arg5[%get3A_51, %get3A_52] : memref<256x256xf32, #tpu.memory_space<vmem>>, vector<256x256xf32>
    %dot_general3A_54 = arith.constant dense<0.000000e+00> : vector<400x256xf32>
    %dot_general3A_55 = tpu.matmul %max3A_50, %get3A_53, %dot_general3A_54 {dimension_numbers = #tpu.dot_dimension_numbers<[1], [0], [0], [1], [0, 0, 1, 1], [], []>, transpose_lhs_hint = false} : vector<400x256xf32>, vector<256x256xf32>, vector<400x256xf32> -> vector<400x256xf32>
    %get3A_56 = arith.constant 0 : index
    %get3A_57 = arith.constant 0 : index
    %get3A_58 = vector.load %arg6[%get3A_56, %get3A_57] : memref<1x256xf32, #tpu.memory_space<vmem>>, vector<1x256xf32>
    %add3A_59 = vector.broadcast %get3A_58 : vector<1x256xf32> to vector<400x256xf32>
    %add3A_60 = arith.addf %dot_general3A_55, %add3A_59 : vector<400x256xf32>
    %max3A_61 = arith.constant 0.000000e+00 : f32
    %max3A_62 = vector.broadcast %max3A_61 : f32 to vector<400x256xf32>
    %max3A_63 = arith.maximumf %add3A_60, %max3A_62 : vector<400x256xf32>
    %eq3A = arith.constant 0 : i32
    %eq3A_64 = arith.cmpi eq, %arg0, %eq3A : i32
    %convert_element_type3A = arith.extui %eq3A_64 : i1 to i32
    %cond3A = arith.constant 0 : i32
    %cond3A_65 = arith.cmpi ne, %convert_element_type3A, %cond3A : i32
    scf.if %cond3A_65 {
      %broadcast_in_dim3A_83 = arith.constant 0.000000e+00 : f32
      %broadcast_in_dim3A_84 = vector.broadcast %broadcast_in_dim3A_83 : f32 to vector<1x256xf32>
      %swap3A_85 = arith.constant 0 : index
      %swap3A_86 = arith.constant 0 : index
      %swap3A_87 = vector.load %arg7[%swap3A_85, %swap3A_86] : memref<1x256xf32, #tpu.memory_space<vmem>>, vector<1x256xf32>
      tpu.vector_store %arg7[%swap3A_85, %swap3A_86], %broadcast_in_dim3A_84 {strides = array<i32>} : memref<1x256xf32, #tpu.memory_space<vmem>>, vector<1x256xf32>,
      %broadcast_in_dim3A_88 = arith.constant 0.000000e+00 : f32
      %broadcast_in_dim3A_89 = vector.broadcast %broadcast_in_dim3A_88 : f32 to vector<1x256xf32>
      %swap3A_90 = arith.constant 0 : index
      %swap3A_91 = arith.constant 0 : index
      %swap3A_92 = vector.load %arg8[%swap3A_90, %swap3A_91] : memref<1x256xf32, #tpu.memory_space<vmem>>, vector<1x256xf32>
      tpu.vector_store %arg8[%swap3A_90, %swap3A_91], %broadcast_in_dim3A_89 {strides = array<i32>} : memref<1x256xf32, #tpu.memory_space<vmem>>, vector<1x256xf32>,
    } else {
    }
    %get3A_66 = arith.constant 0 : index
    %get3A_67 = arith.constant 0 : index
    %get3A_68 = vector.load %arg7[%get3A_66, %get3A_67] : memref<1x256xf32, #tpu.memory_space<vmem>>, vector<1x256xf32>
    %reduce_sum3A = arith.constant dense<0.000000e+00> : vector<256xf32>
    %reduce_sum3A_69 = vector.multi_reduction <add>, %concatenate3A, %reduce_sum3A [0] : vector<400x256xf32> to vector<256xf32>
    %broadcast_in_dim3A = vector.shape_cast %reduce_sum3A_69 : vector<256xf32> to vector<1x256xf32>
    %add3A_70 = arith.addf %get3A_68, %broadcast_in_dim3A : vector<1x256xf32>
    %swap3A = arith.constant 0 : index
    %swap3A_71 = arith.constant 0 : index
    %swap3A_72 = vector.load %arg7[%swap3A, %swap3A_71] : memref<1x256xf32, #tpu.memory_space<vmem>>, vector<1x256xf32>
    tpu.vector_store %arg7[%swap3A, %swap3A_71], %add3A_70 {strides = array<i32>} : memref<1x256xf32, #tpu.memory_space<vmem>>, vector<1x256xf32>,
    %get3A_73 = arith.constant 0 : index
    %get3A_74 = arith.constant 0 : index
    %get3A_75 = vector.load %arg8[%get3A_73, %get3A_74] : memref<1x256xf32, #tpu.memory_space<vmem>>, vector<1x256xf32>
    %reduce_sum3A_76 = arith.constant dense<0.000000e+00> : vector<256xf32>
    %reduce_sum3A_77 = vector.multi_reduction <add>, %max3A_63, %reduce_sum3A_76 [0] : vector<400x256xf32> to vector<256xf32>
    %broadcast_in_dim3A_78 = vector.shape_cast %reduce_sum3A_77 : vector<256xf32> to vector<1x256xf32>
    %add3A_79 = arith.addf %get3A_75, %broadcast_in_dim3A_78 : vector<1x256xf32>
    %swap3A_80 = arith.constant 0 : index
    %swap3A_81 = arith.constant 0 : index
    %swap3A_82 = vector.load %arg8[%swap3A_80, %swap3A_81] : memref<1x256xf32, #tpu.memory_space<vmem>>, vector<1x256xf32>
    tpu.vector_store %arg8[%swap3A_80, %swap3A_81], %add3A_79 {strides = array<i32>} : memref<1x256xf32, #tpu.memory_space<vmem>>, vector<1x256xf32>,
    return
  }
  func.func @transform_0(%arg0: i32) -> (i32, i32, i32) {
    %c0_i32 = arith.constant 0 : i32
    %c0_i32_0 = arith.constant 0 : i32
    %c0_i32_1 = arith.constant 0 : i32
    return %c0_i32, %arg0, %c0_i32_0 : i32, i32, i32
  }
  func.func @transform_1(%arg0: i32) -> (i32, i32, i32) {
    %c0_i32 = arith.constant 0 : i32
    %c0_i32_0 = arith.constant 0 : i32
    %c0_i32_1 = arith.constant 0 : i32
    return %c0_i32, %arg0, %c0_i32_0 : i32, i32, i32
  }
  func.func @transform_2(%arg0: i32) -> (i32, i32) {
    %c0_i32 = arith.constant 0 : i32
    %c0_i32_0 = arith.constant 0 : i32
    %c0_i32_1 = arith.constant 0 : i32
    return %c0_i32, %c0_i32_0 : i32, i32
  }
  func.func @transform_3(%arg0: i32) -> (i32, i32) {
    %c0_i32 = arith.constant 0 : i32
    %c0_i32_0 = arith.constant 0 : i32
    %c0_i32_1 = arith.constant 0 : i32
    return %c0_i32, %c0_i32_0 : i32, i32
  }
  func.func @transform_4(%arg0: i32) -> (i32, i32) {
    %c0_i32 = arith.constant 0 : i32
    %c0_i32_0 = arith.constant 0 : i32
    %c0_i32_1 = arith.constant 0 : i32
    return %c0_i32, %c0_i32_0 : i32, i32
  }
  func.func @transform_5(%arg0: i32) -> (i32, i32) {
    %c0_i32 = arith.constant 0 : i32
    %c0_i32_0 = arith.constant 0 : i32
    %c0_i32_1 = arith.constant 0 : i32
    return %c0_i32, %c0_i32_0 : i32, i32
  }
  func.func @transform_6(%arg0: i32) -> (i32, i32) {
    %c0_i32 = arith.constant 0 : i32
    %c0_i32_0 = arith.constant 0 : i32
    %c0_i32_1 = arith.constant 0 : i32
    return %c0_i32, %c0_i32_0 : i32, i32
  }
  func.func @transform_7(%arg0: i32) -> (i32, i32) {
    %c0_i32 = arith.constant 0 : i32
    %c0_i32_0 = arith.constant 0 : i32
    %c0_i32_1 = arith.constant 0 : i32
    return %c0_i32, %c0_i32_0 : i32, i32
  }
}

module attributes {stable_mosaic.version = 14 : i64} {
  func.func @_score_body(%arg0: memref<1x128xf32, #tpu.memory_space<vmem>>, %arg1: memref<1x256xf32, #tpu.memory_space<vmem>>, %arg2: memref<1x256xf32, #tpu.memory_space<vmem>>, %arg3: memref<128x128xf32, #tpu.memory_space<vmem>>, %arg4: memref<256x128xf32, #tpu.memory_space<vmem>>, %arg5: memref<256x128xf32, #tpu.memory_space<vmem>>, %arg6: memref<1x128xf32, #tpu.memory_space<vmem>>, %arg7: memref<1x128xf32, #tpu.memory_space<vmem>>, %arg8: memref<1x128xf32, #tpu.memory_space<vmem>>, %arg9: memref<1x128xf32, #tpu.memory_space<vmem>>) attributes {dimension_semantics = [], scalar_prefetch = 0 : i64, scratch_operands = 0 : i64, tpu.core_type = #tpu.core_type<tc>} {
    %get3A = arith.constant 0 : index
    %get3A_0 = arith.constant 0 : index
    %get3A_1 = vector.load %arg0[%get3A, %get3A_0] : memref<1x128xf32, #tpu.memory_space<vmem>>, vector<1x128xf32>
    %get3A_2 = arith.constant 0 : index
    %get3A_3 = arith.constant 0 : index
    %get3A_4 = vector.load %arg3[%get3A_2, %get3A_3] : memref<128x128xf32, #tpu.memory_space<vmem>>, vector<128x128xf32>
    %dot_general3A = arith.constant dense<0.000000e+00> : vector<1x128xf32>
    %dot_general3A_5 = tpu.matmul %get3A_1, %get3A_4, %dot_general3A {dimension_numbers = #tpu.dot_dimension_numbers<[1], [0], [0], [1], [0, 0, 1, 1], [], []>, transpose_lhs_hint = false} : vector<1x128xf32>, vector<128x128xf32>, vector<1x128xf32> -> vector<1x128xf32>
    %get3A_6 = arith.constant 0 : index
    %get3A_7 = arith.constant 0 : index
    %get3A_8 = vector.load %arg1[%get3A_6, %get3A_7] : memref<1x256xf32, #tpu.memory_space<vmem>>, vector<1x256xf32>
    %get3A_9 = arith.constant 0 : index
    %get3A_10 = arith.constant 0 : index
    %get3A_11 = vector.load %arg4[%get3A_9, %get3A_10] : memref<256x128xf32, #tpu.memory_space<vmem>>, vector<256x128xf32>
    %dot_general3A_12 = arith.constant dense<0.000000e+00> : vector<1x128xf32>
    %dot_general3A_13 = tpu.matmul %get3A_8, %get3A_11, %dot_general3A_12 {dimension_numbers = #tpu.dot_dimension_numbers<[1], [0], [0], [1], [0, 0, 1, 1], [], []>, transpose_lhs_hint = false} : vector<1x256xf32>, vector<256x128xf32>, vector<1x128xf32> -> vector<1x128xf32>
    %add3A = arith.addf %dot_general3A_5, %dot_general3A_13 : vector<1x128xf32>
    %get3A_14 = arith.constant 0 : index
    %get3A_15 = arith.constant 0 : index
    %get3A_16 = vector.load %arg2[%get3A_14, %get3A_15] : memref<1x256xf32, #tpu.memory_space<vmem>>, vector<1x256xf32>
    %get3A_17 = arith.constant 0 : index
    %get3A_18 = arith.constant 0 : index
    %get3A_19 = vector.load %arg5[%get3A_17, %get3A_18] : memref<256x128xf32, #tpu.memory_space<vmem>>, vector<256x128xf32>
    %dot_general3A_20 = arith.constant dense<0.000000e+00> : vector<1x128xf32>
    %dot_general3A_21 = tpu.matmul %get3A_16, %get3A_19, %dot_general3A_20 {dimension_numbers = #tpu.dot_dimension_numbers<[1], [0], [0], [1], [0, 0, 1, 1], [], []>, transpose_lhs_hint = false} : vector<1x256xf32>, vector<256x128xf32>, vector<1x128xf32> -> vector<1x128xf32>
    %add3A_22 = arith.addf %add3A, %dot_general3A_21 : vector<1x128xf32>
    %get3A_23 = arith.constant 0 : index
    %get3A_24 = arith.constant 0 : index
    %get3A_25 = vector.load %arg6[%get3A_23, %get3A_24] : memref<1x128xf32, #tpu.memory_space<vmem>>, vector<1x128xf32>
    %add3A_26 = arith.addf %add3A_22, %get3A_25 : vector<1x128xf32>
    %get3A_27 = arith.constant 0 : index
    %get3A_28 = arith.constant 0 : index
    %get3A_29 = vector.load %arg7[%get3A_27, %get3A_28] : memref<1x128xf32, #tpu.memory_space<vmem>>, vector<1x128xf32>
    %add3A_30 = arith.addf %add3A_26, %get3A_29 : vector<1x128xf32>
    %get3A_31 = arith.constant 0 : index
    %get3A_32 = arith.constant 0 : index
    %get3A_33 = vector.load %arg8[%get3A_31, %get3A_32] : memref<1x128xf32, #tpu.memory_space<vmem>>, vector<1x128xf32>
    %add3A_34 = arith.addf %add3A_30, %get3A_33 : vector<1x128xf32>
    %mul3A = arith.mulf %add3A_34, %add3A_34 : vector<1x128xf32>
    %reduce_sum3A = vector.shape_cast %mul3A : vector<1x128xf32> to vector<1x1x128xf32>
    %reduce_sum3A_35 = arith.constant dense<0.000000e+00> : vector<1xf32>
    %reduce_sum3A_36 = vector.multi_reduction <add>, %reduce_sum3A, %reduce_sum3A_35 [1, 2] : vector<1x1x128xf32> to vector<1xf32>
    %reduce_sum3A_37 = vector.shape_cast %reduce_sum3A_36 : vector<1xf32> to vector<1x1x1xf32>
    %reduce_sum3A_38 = vector.extract %reduce_sum3A_37[0, 0, 0] : f32 from vector<1x1x1xf32>
    %sqrt3A = math.sqrt %reduce_sum3A_38 : f32
    %max3A = arith.constant 9.99999996E-13 : f32
    %max3A_39 = arith.maximumf %sqrt3A, %max3A : f32
    %div3A = vector.broadcast %max3A_39 : f32 to vector<1x128xf32>
    %div3A_40 = arith.divf %add3A_34, %div3A : vector<1x128xf32>
    %swap3A = arith.constant 0 : index
    %swap3A_41 = arith.constant 0 : index
    %swap3A_42 = vector.load %arg9[%swap3A, %swap3A_41] : memref<1x128xf32, #tpu.memory_space<vmem>>, vector<1x128xf32>
    tpu.vector_store %arg9[%swap3A, %swap3A_41], %div3A_40 {strides = array<i32>} : memref<1x128xf32, #tpu.memory_space<vmem>>, vector<1x128xf32>,
    return
  }
}

</mosaic_0001>

<sc_bundles>
// kernel: kernel.10.cloned.1.call-start
scs
__scs_entry_jumppad:
0x0: {  	(pc) =	sbr.rel $0x88, $3  }
0x1: {  	(tag) =	ssettag $0x0;
	lr =	simm.s32 $0x1  }
0x2: {  	[smem:$0x3F91] =	sst lr;
	_ =	strace $0xD0000000  }
0x3: {  	_ = 	snop  }
0x4: {  	_ = 	snop  }
0x5: {  	_ = 	snop  }
0x6: {  	_ = 	snop  }
0x7: {  	_ = 	snop  }
__scs_overlays_trampoline_lowered:
0x8: {  	[smem:$0x3FA0] =	sst s0  }
0x9: {  	[smem:$0x3FA1] =	sst s1  }
0xa: {  	[smem:$0x3FA2] =	sst s2  }
0xb: {  	[smem:$0x3FA3] =	sst s3  }
0xc: {  	[smem:$0x3FA4] =	sst s4  }
0xd: {  	[smem:$0x3FA5] =	sst s5  }
0xe: {  	[smem:$0x3FA6] =	sst s6  }
0xf: {  	[smem:$0x3FA7] =	sst s7  }
0x10: {  	[smem:$0x3FA8] =	sst s8  }
0x11: {  	[smem:$0x3FA9] =	sst s9;
	s0 =	simm.s32 @!p0 $0x0  }
0x12: {  	s1 =	sld [smem:$0x3F8F];
	s0 =	simm.s32 @p0 $0x1  }
0x13: {  	[smem:$0x3FAA] =	sst s0;
	s0 =	simm.s32 @!p1 $0x0  }
0x14: {  	s2 =	sld [smem:$0x3F8E];
	s0 =	simm.s32 @p1 $0x1  }
0x15: {  	[smem:$0x3FAB] =	sst s0;
	s0 =	simm.s32 @!p2 $0x0  }
0x16: {  	s3 =	sld [smem:$0x3FDB];
	s0 =	simm.s32 @p2 $0x1  }
0x17: {  	s4 =	simm.s32 $0x1BF5;
	[smem:$0x3FAD] =	sst s0  }
0x18: {  	s0 =	sld [smem:$0x3F90];
	_ =	swait.ge [sflag:s4], $0x0  }
0x19: {  	s7 =	sld [smem:$0x3F91]  }
0x1a: {  	s8 =	sadd.s32 $0xFFFFE003, lr  }
0x1b: {  	s9 =	sadd.s32 $0xFFFFFEF7, lr;
	s5 =	simm.s32 $0xFFFFFFFF;
	p2 =	slt.u32 s8, $0xFFFFF086  }
0x1c: {  	p1 =	slt.u32 s9, $0xF7A;
	s5 =	simm.s32 @!p2 $0x0  }
0x1d: {  	s5 =	simm.s32 @p1 $0x1;
	p0 =	seq.s32 s7, s2  }
0x1e: {  	s7 =	smul.u32 @!p0 $0xF7A, s2;
	p2 =	seq.s32 @!p0 s5, $0x0  }
0x1f: {  	s9 =	smul.u32 $0xF7A, s1;
	s8 =	simm.s32 @!p0 $0x1BF5;
	p2 =	por !p2, p0  }
0x20: {  	[sflag:s8] =	ssyncset.s32 @!p0 $0xFFFFF086;
	s6 =	sadd.s32 @!p0 s3, s7;
	s7 =	simm.s32 @!p0 $0x108  }
0x21: {  	s3 =	sadd.s32 s3, s9;
	s6 =	sadd.s32 @!p0 $0x88, s6;
	s7 =	simm.s32 @p2 $0x1082  }
0x22: {  	[simem:s7], [sflag:s8] =	dma.local @!p0 [hbm:s6], $0xF7A  }
0x23: {  	s9 =	sor.u32 $0xD0000000, s2;
	s6 =	simm.s32 $0x108;
	_ =	swait.ge @!p0 [sflag:s8], $0x0  }
0x24: {  	s3 =	sadd.s32 $0x88, s3;
	s6 =	simm.s32 @!p1 $0x1082;
	[sflag:s4] =	ssyncset.s32 $0xFFFFF086  }
0x25: {  	[simem:s6], [sflag:s4] =	dma.local [hbm:s3], $0xF7A  }
0x26: {  	[smem:$0x3F91] =	sst s1;
	(tag) =	ssettag s2;
	_ =	strace s9  }
0x27: {  	s1 =	sld [smem:$0x3FA1]  }
0x28: {  	s2 =	sld [smem:$0x3FA2]  }
0x29: {  	s4 =	sld [smem:$0x3FA4]  }
0x2a: {  	p0 =	seq.s32 s5, $0x0;
	s5 =	sld [smem:$0x3FA5]  }
0x2b: {  	s6 =	sld [smem:$0x3FA6]  }
0x2c: {  	s7 =	sld [smem:$0x3FA7]  }
0x2d: {  	s3 =	simm.s32 $0x108;
	s8 =	sld [smem:$0x3FA8]  }
0x2e: {  	s3 =	simm.s32 @!p0 $0x1082;
	s9 =	sld [smem:$0x3FA9]  }
0x2f: {  	lr =	sadd.s32 s0, s3;
	s0 =	sld [smem:$0x3FA0]  }
0x30: {  	s3 =	sld [smem:$0x3FA3]  }
0x31: {  	[smem:$0x3FAC] =	sst s10  }
0x32: {  	s10 =	sld [smem:$0x3FAA];
	_ =	sdelay $0x3  }
0x33: {  	p0 =	seq.s32 s10, $0x1;
	s10 =	sld [smem:$0x3FAC];
	_ =	sdelay $0x3  }
0x34: {  	[smem:$0x3FAC] =	sst s10  }
0x35: {  	s10 =	sld [smem:$0x3FAB];
	_ =	sdelay $0x3  }
0x36: {  	p1 =	seq.s32 s10, $0x1;
	s10 =	sld [smem:$0x3FAC];
	_ =	sdelay $0x3  }
0x37: {  	[smem:$0x3FAC] =	sst s10  }
0x38: {  	s10 =	sld [smem:$0x3FAD]  }
0x39: {  	_ = 	snop;
	(pc) =	sbr.ind lr, $3  }
0x3a: {  	_ = 	snop  }
0x3b: {  	_ = 	snop  }
0x3c: {  	p2 =	seq.s32 s10, $0x1;
	s10 =	sld [smem:$0x3FAC]  }
0x3d: {  	_ =	shalt  }
0x3e: {  	_ =	shalt  }
0x3f: {  	_ =	shalt  }
0x40: {  	_ =	shalt  }
0x41: {  	_ =	shalt  }
0x42: {  	_ =	shalt  }
0x43: {  	_ =	shalt  }
0x44: {  	_ =	shalt  }
0x45: {  	_ =	shalt  }
0x46: {  	_ =	shalt  }
0x47: {  	_ =	shalt  }
0x48: {  	_ =	shalt  }
0x49: {  	_ =	shalt  }
0x4a: {  	_ =	shalt  }
0x4b: {  	_ =	shalt  }
0x4c: {  	_ =	shalt  }
0x4d: {  	_ =	shalt  }
0x4e: {  	_ =	shalt  }
0x4f: {  	_ =	shalt  }
0x50: {  	_ =	shalt  }
0x51: {  	_ =	shalt  }
0x52: {  	_ =	shalt  }
0x53: {  	_ =	shalt  }
0x54: {  	_ =	shalt  }
0x55: {  	_ =	shalt  }
0x56: {  	_ =	shalt  }
0x57: {  	_ =	shalt  }
0x58: {  	_ =	shalt  }
0x59: {  	_ =	shalt  }
0x5a: {  	_ =	shalt  }
0x5b: {  	_ =	shalt  }
0x5c: {  	_ =	shalt  }
0x5d: {  	_ =	shalt  }
0x5e: {  	_ =	shalt  }
0x5f: {  	_ =	shalt  }
0x60: {  	_ =	shalt  }
0x61: {  	_ =	shalt  }
0x62: {  	_ =	shalt  }
0x63: {  	_ =	shalt  }
0x64: {  	_ =	shalt  }
0x65: {  	_ =	shalt  }
0x66: {  	_ =	shalt  }
0x67: {  	_ =	shalt  }
0x68: {  	_ =	shalt  }
0x69: {  	_ =	shalt  }
0x6a: {  	_ =	shalt  }
0x6b: {  	_ =	shalt  }
0x6c: {  	_ =	shalt  }
0x6d: {  	_ =	shalt  }
0x6e: {  	_ =	shalt  }
0x6f: {  	_ =	shalt  }
0x70: {  	_ =	shalt  }
0x71: {  	_ =	shalt  }
0x72: {  	_ =	shalt  }
0x73: {  	_ =	shalt  }
0x74: {  	_ =	shalt  }
0x75: {  	_ =	shalt  }
0x76: {  	_ =	shalt  }
0x77: {  	_ =	shalt  }
0x78: {  	_ =	shalt  }
0x79: {  	_ =	shalt  }
0x7a: {  	_ =	shalt  }
0x7b: {  	_ =	shalt  }
0x7c: {  	_ =	shalt  }
0x7d: {  	_ =	shalt  }
0x7e: {  	_ =	shalt  }
0x7f: {  	_ =	shalt  }
0x80: {  	_ =	shalt  }
0x81: {  	_ =	shalt  }
0x82: {  	_ =	shalt  }
0x83: {  	_ =	shalt  }
0x84: {  	_ =	shalt  }
0x85: {  	_ =	shalt  }
0x86: {  	_ =	shalt  }
0x87: {  	_ =	shalt  }
.Lfunc_end0:
.L_simem_size_0:
called_computation.1_lowered:
.L_overlay_start_0:
0x88: {  	s2 =	sld [smem:$0x3FD9]  }
0x89: {  	s3 =	sld [smem:$0x3FFE];
	_ =	sdelay $0x1  }
0x8a: {  	s1 =	srdreg.scid  }
0x8b: {  	s0 =	sand.u32 $0x1, s1  }
0x8c: {  	s16 =	sshll.u32 s0, $0xA;
	s2 =	sadd.s32 s3, s2  }
0x8d: {  	s2 =	sadd.s32 s2, s16  }
0x8e: {  	[smem:$0x3FB8] =	sst s2  }
0x8f: {  	_ = 	snop  }
0x90: {  	(tm) =	ssettm $0x1  }
0x91: {  	s17 =	sld [smem:$0x3FFB];
	_ =	sdelay $0x3  }
0x92: {  	_ =	strace s17  }
0x93: {  	s2 =	sld [smem:$0x3FFC];
	_ =	sdelay $0x3  }
0x94: {  	_ =	strace s2  }
0x95: {  	s2 =	sld [smem:$0x3FFD];
	_ =	sdelay $0x3  }
0x96: {  	_ =	strace s2  }
0x97: {  	_ =	strace $0x8FFFFFFF  }
0x98: {  	s18 =	sld [smem:$0x3FDB];
	_ =	sdelay $0x1  }
0x99: {  	s19 =	simm.s32 $_scs_section_size  }
0x9a: {  	s4 =	simm.s32 $_size__tile_overlayer_lowered;
	s5 =	simm.s32 $_tile_overlayer_lowered  }
0x9b: {  	s22 =	simm.s32 $0x1BFF;
	s21 =	sshll.u32 s5, $0x1;
	s2 =	sadd.s32 s19, s18  }
0x9c: {  	s6 =	simm.s32 $0x0;
	s20 =	sshll.u32 s4, $0x1;
	s4 =	sadd.s32 s21, s2  }
0x9d: {  	[timem:s6], [sflag:s22] =	dma.local [hbm:s4], s20  }
0x9e: {  	_ =	swait.ge [sflag:s22], s20  }
0x9f: {  	s3 =	ssub.s32 $0x0, s20;
	[sflag:s22] =	ssyncset.done $0x0  }
0xa0: {  	[sflag:s22] =	ssyncadd.s32 s3;
	_ =	sdelay $0x1  }
0xa1: {  	s23 =	simm.s32 $0x1B8B  }
0xa2: {  	_ =	swait.ge [sflag:s23], $0x1  }
0xa3: {  	[sflag:s23] =	ssyncset.done $0x0  }
0xa4: {  	s25 =	simm.s32 $0x1B8E;
	s24 =	sld [smem:$0x3FFE];
	[sflag:s23] =	ssyncadd.s32 $0xFFFFFFFF  }
0xa5: {  	s26 =	simm.s32 $execute0_lowered;
	[smem:$0x3FD2] =	sst s25  }
0xa6: {  	s4 =	sshll.u32 s26, $0x1;
	_ =	strace $0x80000049;
	[dreg:$0x1] =	wrdreg $0xFFFFFFFF  }
0xa7: {  	s28 =	simm.s32 $_size_execute0_lowered;
	s2 =	sadd.s32 s2, s4;
	[dreg:$0x0] =	wrdreg $0x0  }
0xa8: {  	s4 =	sshll.u32 s28, $0x1;
	[dreg:$0x2] =	wrdreg s2  }
0xa9: {  	[dreg:$0x3] =	wrdreg s4  }
0xaa: {  	[dreg:$0x4] =	wrdreg $0xC0  }
0xab: {  	_ =	task [dreg:s6], $0x5FFFF  }
0xac: {  	[dreg:$0x1] =	wrdreg $0xFFFFFFFF  }
0xad: {  	[dreg:$0x0] =	wrdreg $0x60  }
0xae: {  	[dreg:$0x2] =	wrdreg s24  }
0xaf: {  	[dreg:$0x3] =	wrdreg $0x120000  }
0xb0: {  	[dreg:$0x4] =	wrdreg $0x9  }
0xb1: {  	_ =	task.clear_ibuf [dreg:s6], $0x5FFFF;
	_ =	strace $0x90000049  }
0xb2: {  	s29 =	simm.s32 $0x9;
	_ =	strace $0x8000004B  }
0xb3: {  	_ =	swait.ge [sflag:s29], $0x1  }
0xb4: {  	[sflag:s29] =	ssyncadd.s32 $0xFFFFFFFF  }
0xb5: {  	_ =	strace $0x9000004B  }
0xb6: {  	_ =	sfence  }
0xb7: {  	s30 =	sld [smem:$0x0];
	_ =	sdelay $0x2  }
0xb8: {  	s31 =	sshll.u32 s1, $0xD;
	s1 =	sshrl.u32 s1, $0x2  }
0xb9: {  	s3 =	sand.u32 $0x4000, s31;
	s1 =	sadd.s32 s1, s30  }
0xba: {  	s0 =	sor.u32 s3, s0;
	s1 =	sshll.u32 s1, $0x11  }
0xbb: {  	s0 =	sor.u32 s1, s0  }
0xbc: {  	s0 =	sadd.s32 $0x8F2B, s0  }
0xbd: {  	[sflag:s0] =	ssyncadd.remote.s32 $0x1  }
0xbe: {  	_ =	sfence.sel $0xFFFF  }
0xbf: {  	[dreg:$0x0] =	wrdreg $0xFFFFFFFF;
	(pc) =	sbr.abs _section_cstart, $3  }
0xc0: {  	[dreg:$0x1] =	wrdreg $0xFFFFFFFF  }
0xc1: {  	_ =	task.clear_ibuf [dreg:s6], $0x2FFFF;
	_ =	strace $0x9FFFFFFF  }
0xc2: {  	(tm) =	ssettm $0x7FFFFFFF  }
0xc3: {  	_ =	shalt  }
tec
execute0_lowered:
.L_overlay_start_1:
0x0: {  	(tag) =	ssettag $0x1  }
0x1: {  	s0 =	rddreg [dreg:$0x0]  }
0x2: {  	s2 =	rddreg [dreg:$0x1];
	s1 =	simm.s32 $0x0;
	s11 =	stileid.u32  }
0x3: {  	s3 =	srdreg.scid;
	s18 =	simm.s32 $0x9;
	s19 =	simm.s32 $0xA000  }
0x4: {  	s20 =	simm.s32 $0x80;
	s21 =	simm.s32 $0xC000;
	s17 =	simm.s32 $0x100  }
0x5: {  	s28 =	simm.s32 $0x2;
	s30 =	simm.s32 $0x5;
	s23 =	smul.u32 $0x5000, s11  }
0x6: {  	s22 =	simm.s32 $0x8;
	s16 =	simm.s32 $0x0;
	s10 =	smul.u32 $0x29000, s11  }
0x7: {  	[smem:$0x7FF] =	sst s1;
	s3 =	sand.u32 $0x1, s3;
	s25 =	smul.u32 $0xA400, s11  }
0x8: {  	s4 =	sadd.s32 $0xF9400, s0;
	s5 =	sadd.s32 $0x35000, s0;
	s7 =	smul.u32 $0xA0000, s3  }
0x9: {  	s8 =	ssub.s32 $0x2, s3;
	s14 =	smul.u32 $0x148000, s3;
	s3 =	sshllo.u32 s3, $0x1  }
0xa: {  	_ =	strace $0x8000004A;
	s6 =	sshrl.u32 s23, $0x3;
	s15 =	smul.u32 $0x50000, s3  }
0xb: {  	s9 =	sshrl.u32 s8, $0x1;
	s26 =	sshrl.u32 s10, $0x2;
	s3 =	smul.u32 $0xA4000, s3  }
0xc: {  	s6 =	sadd.s32 s6, s0;
	s0 =	sadd.s32 $0x147600, s0;
	s7 =	sadd.s32 s23, s7  }
0xd: {  	s13 =	ssub.s32 s8, s9;
	s12 =	sadd.s32 s26, s2;
	s14 =	sadd.s32 s25, s14  }
0xe: {  	s26 =	simm.s32 $0x10000;
	s6 =	sadd.s32 $0x2B000, s6;
	s24 =	sshrl.u32 s7, $0x3  }
0xf: {  	s7 =	sadd.s32 s25, s2;
	s8 =	sadd.s32 $0x2000, s12;
	s9 =	sadd.s32 $0x4000, s12  }
0x10: {  	s10 =	sadd.s32 $0x6000, s12;
	s11 =	sadd.s32 $0x8000, s12;
	s12 =	sadd.s32 $0xA000, s12  }
0x11: {  	s14 =	sshrl.u32 s14, $0x3;
	s1 =	sadd.s32 s23, s15;
	s3 =	sadd.s32 s25, s3  }
0x12: {  	s31 =	smax.u32 s13, $0x1;
	s15 =	simm.s32 $0x5000;
	s23 =	simm.s32 $0xE000  }
0x13: {  	[dreg:$0x3] =	wrdreg s6;
	s6 =	sadd.s32 s5, s24;
	s29 =	sadd.s32 s0, s14  }
.Ltmp0:
0x14: {  	s1 =	sshrl.u32 s1, $0x3;
	[dreg:$0x8] =	wrdreg s31;
	(pc) =	sbr.rel .LBB2_1-.Ltmp0, $4  }
0x15: {  	s3 =	sshrl.u32 s3, $0x3;
	s24 =	simm.s32 $0x1;
	[dreg:$0x4] =	wrdreg s6  }
0x16: {  	s14 =	simm.s32 $0x7;
	[dreg:$0x5] =	wrdreg s29;
	s1 =	sadd.s32 s5, s1  }
0x17: {  	s0 =	sadd.s32 s0, s3;
	s3 =	simm.s32 $0x6;
	[dreg:$0x6] =	wrdreg s1  }
0x18: {  	v0 =	vimm.f32 $0.0e+00;
	s6 =	simm.s32 $0x4;
	[dreg:$0x7] =	wrdreg s0;
	s0 =	simm.s32 $0x3  }
.LBB2_11:
0x19: {  	_ =	swait.ge [sflag:s30], $0x2000  }
0x1a: {  	[sflag:s30] =	ssyncset.done $0x0  }
0x1b: {  	[sflag:s30] =	ssyncadd.s32 $0xFFFFE000  }
0x1c: {  	_ =	swait.ge [sflag:s3], $0x2000  }
0x1d: {  	[sflag:s3] =	ssyncset.done $0x0  }
0x1e: {  	[sflag:s3] =	ssyncadd.s32 $0xFFFFE000  }
0x1f: {  	_ =	swait.ge [sflag:s14], $0x2000  }
0x20: {  	[sflag:s14] =	ssyncset.done $0x0  }
0x21: {  	[sflag:s14] =	ssyncadd.s32 $0xFFFFE000  }
0x22: {  	_ =	swait.ge [sflag:s22], $0x2000  }
0x23: {  	[sflag:s22] =	ssyncset.done $0x0  }
0x24: {  	[sflag:s22] =	ssyncadd.s32 $0xFFFFE000  }
0x25: {  	[bflag:$0x0] =	sbarrier.arrive $0xFFFF  }
0x26: {  	s1 =	rddreg [dreg:$0x7]  }
0x27: {  	[hbm:s1], [sflag:s25] =	dma.local [spmem:s29], $0x1480  }
0x28: {  	_ =	swait.ge [sflag:s18], $0x1480  }
0x29: {  	s16 =	sadd.s32 $0x1, s16;
	s31 =	rddreg [dreg:$0x8]  }
0x2a: {  	p0 =	sne.s32 s16, s31  }
.Ltmp1:
0x2b: {  	_ = 	snop;
	(pc) =	sbr.rel @!p0 .LBB2_12-.Ltmp1, $3  }
0x2c: {  	_ =	sdelay $0x1  }
0x2d: {  	[sflag:s18] =	ssyncset.done $0x0  }
0x2e: {  	s15 =	simm.s32 $0x5000;
	s17 =	simm.s32 $0x100;
	[sflag:s18] =	ssyncadd.s32 $0xFFFFEB80  }
.LBB2_1:
0x2f: {  	s1 =	simm.s32 $0x0;
	s5 =	rddreg [dreg:$0x3]  }
0x30: {  	[tilespmem:s15], [sflag:$0x9] =	stream.linear.gather [hbm4b:s5+s1], $0x5000, $0x38;
	[tilespmem:$0x1C400] =	vst v63  }
0x31: {  	_ =	swait.ge [sflag:s18], $0x5000  }
0x32: {  	[sflag:s18] =	ssyncset.done $0x0  }
0x33: {  	s31 =	rddreg [dreg:$0x4];
	[sflag:s18] =	ssyncadd.s32 $0xFFFFB000  }
0x34: {  	[tilespmem:s1], [sflag:$0x9] =	stream.linear.gather [hbm4b:s31+s1], $0x5000, $0x38;
	[tilespmem:$0x1C400] =	vst v63  }
0x35: {  	_ =	swait.ge [sflag:s18], $0x5000  }
0x36: {  	[sflag:s18] =	ssyncset.done $0x0  }
0x37: {  	s25 =	simm.s32 $0x100;
	s1 =	simm.s32 $0x0;
	[sflag:s18] =	ssyncadd.s32 $0xFFFFB000  }
.LBB2_2:
0x38: {  	p0 =	sne.s32 s25, $0x7F00;
	[tilespmem:s1+$0xA030] =	vst v0;
	s29 =	smov.u32 s25;
	s25 =	sadd.s32 $0x100, s25  }
.Ltmp2:
0x39: {  	[tilespmem:s1+$0xA020] =	vst v0;
	(pc) =	sbr.rel @p0 .LBB2_2-.Ltmp2, $3  }
0x3a: {  	[tilespmem:s1+$0xA000] =	vst v0  }
0x3b: {  	[tilespmem:s1+$0xA010] =	vst v0;
	_ =	sdelay $0x1  }
0x3c: {  	s1 =	sshra.s32 s29, $0x2  }
0x3d: {  	[tilespmem:s1+$0xA030] =	vst v0  }
0x3e: {  	[tilespmem:s1+$0xA020] =	vst v0  }
0x3f: {  	[tilespmem:s1+$0xA000] =	vst v0  }
0x40: {  	[tilespmem:s1+$0xA010] =	vst v0  }
0x41: {  	[spmem:s7] =	stream.linear.scatter [tilespmem:s19], [sflag:$0x9], $0x2000, $0x38;
	[tilespmem:$0x1C400] =	vst v63  }
0x42: {  	_ =	swait.ge [sflag:s18], $0x2000  }
0x43: {  	[sflag:s18] =	ssyncset.done $0x0  }
0x44: {  	[sflag:s18] =	ssyncadd.s32 $0xFFFFE000  }
0x45: {  	[spmem:s8] =	stream.linear.scatter [tilespmem:s19], [sflag:$0x9], $0x2000, $0x38;
	[tilespmem:$0x1C400] =	vst v63  }
0x46: {  	_ =	swait.ge [sflag:s18], $0x2000  }
0x47: {  	[sflag:s18] =	ssyncset.done $0x0  }
0x48: {  	[sflag:s18] =	ssyncadd.s32 $0xFFFFE000  }
0x49: {  	[spmem:s9] =	stream.linear.scatter [tilespmem:s19], [sflag:$0x9], $0x2000, $0x38;
	[tilespmem:$0x1C400] =	vst v63  }
0x4a: {  	_ =	swait.ge [sflag:s18], $0x2000  }
0x4b: {  	[sflag:s18] =	ssyncset.done $0x0  }
0x4c: {  	[sflag:s18] =	ssyncadd.s32 $0xFFFFE000  }
0x4d: {  	[spmem:s10] =	stream.linear.scatter [tilespmem:s19], [sflag:$0x9], $0x2000, $0x38;
	[tilespmem:$0x1C400] =	vst v63  }
0x4e: {  	_ =	swait.ge [sflag:s18], $0x2000  }
0x4f: {  	[sflag:s18] =	ssyncset.done $0x0  }
0x50: {  	[sflag:s18] =	ssyncadd.s32 $0xFFFFE000  }
0x51: {  	[spmem:s11] =	stream.linear.scatter [tilespmem:s19], [sflag:$0x9], $0x2000, $0x38;
	[tilespmem:$0x1C400] =	vst v63  }
0x52: {  	_ =	swait.ge [sflag:s18], $0x2000  }
0x53: {  	[sflag:s18] =	ssyncset.done $0x0  }
0x54: {  	[sflag:s18] =	ssyncadd.s32 $0xFFFFE000  }
0x55: {  	[spmem:s12] =	stream.linear.scatter [tilespmem:s19], [sflag:$0x9], $0x400, $0x38;
	[tilespmem:$0x1C400] =	vst v63  }
0x56: {  	_ =	swait.ge [sflag:s18], $0x400  }
0x57: {  	[sflag:s18] =	ssyncset.done $0x0  }
0x58: {  	[sflag:s18] =	ssyncadd.s32 $0xFFFFFC00  }
0x59: {  	s25 =	simm.s32 $0x0;
	[bflag:$0x0] =	sbarrier.arrive $0xFFFF  }
0x5a: {  	[tilespmem:s19], [sflag:$0x1] =	stream.indirect.gather [hbm4b:s4+s20], $0x40, s25, s20, $0xb8;
	[tilespmem:$0x1C400] =	vst v63  }
0x5b: {  	_ = 	snop  }
0x5c: {  	[tilespmem:s21], [sflag:$0x2] =	stream.indirect.gather [hbm4b:s4+s20], $0x40, s20, s20, $0xb8;
	[tilespmem:$0x1C400] =	vst v63  }
0x5d: {  	_ = 	snop  }
0x5e: {  	[tilespmem:s23], [sflag:$0x3] =	stream.indirect.gather [hbm4b:s4+s20], $0x40, s17, s20, $0xb8;
	[tilespmem:$0x1C400] =	vst v63  }
0x5f: {  	_ =	swait.ge [sflag:s24], $0x2000  }
0x60: {  	[sflag:s24] =	ssyncset.done $0x0  }
0x61: {  	[sflag:s24] =	ssyncadd.s32 $0xFFFFE000  }
0x62: {  	[spmem:s2] =	stream.indirect.scatter.add.f32 [tilespmem:s19], [sflag:$0x5], $0x40, s15, s20, $0xb8;
	[tilespmem:$0x1C400] =	vst v63  }
0x63: {  	s13 =	simm.s32 $0x180  }
0x64: {  	[tilespmem:s26], [sflag:$0x4] =	stream.indirect.gather [hbm4b:s4+s20], $0x40, s13, s20, $0xb8;
	[tilespmem:$0x1C400] =	vst v63  }
0x65: {  	_ =	swait.ge [sflag:s28], $0x2000  }
0x66: {  	[sflag:s28] =	ssyncset.done $0x0  }
0x67: {  	s29 =	simm.s32 $0x5080;
	[sflag:s28] =	ssyncadd.s32 $0xFFFFE000  }
0x68: {  	[spmem:s2] =	stream.indirect.scatter.add.f32 [tilespmem:s21], [sflag:$0x6], $0x40, s29, s20, $0xb8;
	[tilespmem:$0x1C400] =	vst v63  }
0x69: {  	_ =	swait.ge [sflag:s30], $0x2000  }
0x6a: {  	[sflag:s30] =	ssyncset.done $0x0  }
0x6b: {  	s31 =	simm.s32 $0x200;
	[sflag:s30] =	ssyncadd.s32 $0xFFFFE000  }
0x6c: {  	[tilespmem:s19], [sflag:$0x1] =	stream.indirect.gather [hbm4b:s4+s20], $0x40, s31, s20, $0xb8;
	[tilespmem:$0x1C400] =	vst v63  }
0x6d: {  	_ =	swait.ge [sflag:s0], $0x2000  }
0x6e: {  	[sflag:s0] =	ssyncset.done $0x0  }
0x6f: {  	s5 =	simm.s32 $0x5100;
	[sflag:s0] =	ssyncadd.s32 $0xFFFFE000  }
0x70: {  	[spmem:s2] =	stream.indirect.scatter.add.f32 [tilespmem:s23], [sflag:$0x7], $0x40, s5, s20, $0xb8;
	[tilespmem:$0x1C400] =	vst v63  }
0x71: {  	_ =	swait.ge [sflag:s3], $0x2000  }
0x72: {  	[sflag:s3] =	ssyncset.done $0x0  }
0x73: {  	s13 =	simm.s32 $0x280;
	[sflag:s3] =	ssyncadd.s32 $0xFFFFE000  }
0x74: {  	[tilespmem:s21], [sflag:$0x2] =	stream.indirect.gather [hbm4b:s4+s20], $0x40, s13, s20, $0xb8;
	[tilespmem:$0x1C400] =	vst v63  }
0x75: {  	_ =	swait.ge [sflag:s6], $0x2000  }
0x76: {  	[sflag:s6] =	ssyncset.done $0x0  }
0x77: {  	s29 =	simm.s32 $0x5180;
	[sflag:s6] =	ssyncadd.s32 $0xFFFFE000  }
0x78: {  	[spmem:s2] =	stream.indirect.scatter.add.f32 [tilespmem:s26], [sflag:$0x8], $0x40, s29, s20, $0xb8;
	[tilespmem:$0x1C400] =	vst v63  }
0x79: {  	_ =	swait.ge [sflag:s14], $0x2000  }
0x7a: {  	[sflag:s14] =	ssyncset.done $0x0  }
0x7b: {  	s31 =	simm.s32 $0x300;
	[sflag:s14] =	ssyncadd.s32 $0xFFFFE000  }
0x7c: {  	[tilespmem:s23], [sflag:$0x3] =	stream.indirect.gather [hbm4b:s4+s20], $0x40, s31, s20, $0xb8;
	[tilespmem:$0x1C400] =	vst v63  }
.LBB2_4:
0x7d: {  	_ =	swait.ge [sflag:s24], $0x2000  }
0x7e: {  	s29 =	sshra.s32 s25, $0x2;
	[sflag:s24] =	ssyncset.done $0x0  }
0x7f: {  	s1 =	sadd.s32 $0x5200, s29;
	[sflag:s24] =	ssyncadd.s32 $0xFFFFE000  }
0x80: {  	[spmem:s2] =	stream.indirect.scatter.add.f32 [tilespmem:s19], [sflag:$0x5], $0x40, s1, s20, $0xb8;
	[tilespmem:$0x1C400] =	vst v63  }
0x81: {  	_ =	swait.ge [sflag:s22], $0x2000  }
0x82: {  	[sflag:s22] =	ssyncset.done $0x0  }
0x83: {  	s5 =	sadd.s32 $0x380, s29;
	[sflag:s22] =	ssyncadd.s32 $0xFFFFE000  }
0x84: {  	[tilespmem:s26], [sflag:$0x4] =	stream.indirect.gather [hbm4b:s4+s20], $0x40, s5, s20, $0xb8;
	[tilespmem:$0x1C400] =	vst v63  }
0x85: {  	_ =	swait.ge [sflag:s28], $0x2000  }
0x86: {  	p0 =	seq.s32 s25, $0x13000;
	[sflag:s28] =	ssyncset.done $0x0  }
0x87: {  	s13 =	sadd.s32 $0x5280, s29;
	s1 =	simm.s32 @p0 $0x3;
	[sflag:s28] =	ssyncadd.s32 $0xFFFFE000  }
0x88: {  	[spmem:s2] =	stream.indirect.scatter.add.f32 [tilespmem:s21], [sflag:$0x6], $0x40, s13, s20, $0xb8;
	[tilespmem:$0x1C400] =	vst v63  }
0x89: {  	_ =	swait.ge @p0 [sflag:s1], $0x2000  }
0x8a: {  	[sflag:s1] =	ssyncset.done @p0 $0x0  }
0x8b: {  	[sflag:s1] =	ssyncadd.s32 @p0 $0xFFFFE000;
	s1 =	sshra.s32 @p0 s25, $0x2  }
0x8c: {  	s31 =	simm.s32 @p0 $0x80;
	s5 =	simm.s32 @p0 $0xE000;
	s1 =	sadd.s32 @p0 $0x5300, s1  }
0x8d: {  	[spmem:s2] =	stream.indirect.scatter.add.f32 @p0 [tilespmem:s5], [sflag:$0x7], $0x40, s1, s31, $0xb8;
	[tilespmem:$0x1C400] =	vst v63  }
0x8e: {  	s1 =	simm.s32 @!p0 $0x5  }
0x8f: {  	_ =	swait.ge @!p0 [sflag:s1], $0x2000  }
0x90: {  	[sflag:s1] =	ssyncset.done @!p0 $0x0  }
0x91: {  	[sflag:s1] =	ssyncadd.s32 @!p0 $0xFFFFE000;
	s1 =	sshra.s32 @!p0 s25, $0x2  }
0x92: {  	s13 =	simm.s32 @!p0 $0xA000;
	s31 =	simm.s32 @!p0 $0x80;
	s5 =	sadd.s32 @!p0 $0x400, s1  }
0x93: {  	[tilespmem:s13], [sflag:$0x1] =	stream.indirect.gather @!p0 [hbm4b:s4+s31], $0x40, s5, s31, $0xb8;
	[tilespmem:$0x1C400] =	vst v63  }
0x94: {  	s5 =	simm.s32 @!p0 $0x3  }
0x95: {  	_ =	swait.ge @!p0 [sflag:s5], $0x2000  }
0x96: {  	[sflag:s5] =	ssyncset.done @!p0 $0x0  }
0x97: {  	s13 =	simm.s32 @!p0 $0xE000;
	[sflag:s5] =	ssyncadd.s32 @!p0 $0xFFFFE000;
	s5 =	sadd.s32 @!p0 $0x5300, s1  }
0x98: {  	[spmem:s2] =	stream.indirect.scatter.add.f32 @!p0 [tilespmem:s13], [sflag:$0x7], $0x40, s5, s31, $0xb8;
	[tilespmem:$0x1C400] =	vst v63  }
0x99: {  	s5 =	simm.s32 @!p0 $0x6  }
0x9a: {  	_ =	swait.ge @!p0 [sflag:s5], $0x2000  }
0x9b: {  	[sflag:s5] =	ssyncset.done @!p0 $0x0  }
0x9c: {  	s1 =	sadd.s32 @!p0 $0x480, s1;
	[sflag:s5] =	ssyncadd.s32 @!p0 $0xFFFFE000;
	s5 =	simm.s32 @!p0 $0xC000  }
0x9d: {  	[tilespmem:s5], [sflag:$0x2] =	stream.indirect.gather @!p0 [hbm4b:s4+s31], $0x40, s1, s31, $0xb8;
	[tilespmem:$0x1C400] =	vst v63  }
.Ltmp3:
0x9e: {  	_ = 	snop;
	(pc) =	sbr.rel @p0 .LBB2_6-.Ltmp3, $4  }
0x9f: {  	_ =	swait.ge [sflag:s6], $0x2000  }
0xa0: {  	[sflag:s6] =	ssyncset.done $0x0  }
0xa1: {  	s31 =	sadd.s32 $0x5380, s29;
	[sflag:s6] =	ssyncadd.s32 $0xFFFFE000  }
0xa2: {  	[spmem:s2] =	stream.indirect.scatter.add.f32 [tilespmem:s26], [sflag:$0x8], $0x40, s31, s20, $0xb8;
	[tilespmem:$0x1C400] =	vst v63  }
.Ltmp4:
0xa3: {  	(pc) =	sbr.rel .LBB2_4-.Ltmp4, $4  }
0xa4: {  	_ =	swait.ge [sflag:s14], $0x2000  }
0xa5: {  	[sflag:s14] =	ssyncset.done $0x0  }
0xa6: {  	s1 =	sadd.s32 $0x500, s29;
	s25 =	sadd.s32 $0x800, s25;
	[sflag:s14] =	ssyncadd.s32 $0xFFFFE000  }
0xa7: {  	[tilespmem:s23], [sflag:$0x3] =	stream.indirect.gather [hbm4b:s4+s20], $0x40, s1, s20, $0xb8;
	[tilespmem:$0x1C400] =	vst v63  }
.LBB2_6:
0xa8: {  	_ =	swait.ge [sflag:s30], $0x2000  }
0xa9: {  	[sflag:s30] =	ssyncset.done $0x0  }
0xaa: {  	[sflag:s30] =	ssyncadd.s32 $0xFFFFE000  }
0xab: {  	_ =	swait.ge [sflag:s3], $0x2000  }
0xac: {  	[sflag:s3] =	ssyncset.done $0x0  }
0xad: {  	[sflag:s3] =	ssyncadd.s32 $0xFFFFE000  }
0xae: {  	_ =	swait.ge [sflag:s14], $0x2000  }
0xaf: {  	[sflag:s14] =	ssyncset.done $0x0  }
0xb0: {  	[sflag:s14] =	ssyncadd.s32 $0xFFFFE000  }
0xb1: {  	_ =	swait.ge [sflag:s22], $0x2000  }
0xb2: {  	[sflag:s22] =	ssyncset.done $0x0  }
0xb3: {  	s1 =	stileid.u32;
	[sflag:s22] =	ssyncadd.s32 $0xFFFFE000  }
0xb4: {  	s1 =	sshll.u32 s1, $0x6;
	[bflag:$0x0] =	sbarrier.arrive $0xFFFF  }
0xb5: {  	s29 =	sshrl.u32 s7, $0x3;
	s25 =	sor.u32 $0x1C09, s1;
	s5 =	rddreg [dreg:$0x5]  }
0xb6: {  	[hbm:s5], [sflag:s25] =	dma.local [spmem:s29], $0x1480  }
0xb7: {  	_ =	swait.ge [sflag:s18], $0x1480  }
0xb8: {  	[sflag:s18] =	ssyncset.done $0x0  }
0xb9: {  	s13 =	simm.s32 $0x0;
	s5 =	rddreg [dreg:$0x6];
	[sflag:s18] =	ssyncadd.s32 $0xFFFFEB80  }
0xba: {  	[tilespmem:s13], [sflag:$0x9] =	stream.linear.gather [hbm4b:s5+s13], $0x5000, $0x38;
	[tilespmem:$0x1C400] =	vst v63  }
0xbb: {  	_ =	swait.ge [sflag:s18], $0x5000  }
0xbc: {  	[sflag:s18] =	ssyncset.done $0x0  }
0xbd: {  	s31 =	simm.s32 $0x100;
	s1 =	simm.s32 $0x0;
	[sflag:s18] =	ssyncadd.s32 $0xFFFFB000  }
.LBB2_7:
0xbe: {  	p0 =	sne.s32 s31, $0x7F00;
	[tilespmem:s1+$0xA030] =	vst v0;
	s5 =	smov.u32 s31;
	s31 =	sadd.s32 $0x100, s31  }
.Ltmp5:
0xbf: {  	[tilespmem:s1+$0xA020] =	vst v0;
	(pc) =	sbr.rel @p0 .LBB2_7-.Ltmp5, $3  }
0xc0: {  	[tilespmem:s1+$0xA000] =	vst v0  }
0xc1: {  	[tilespmem:s1+$0xA010] =	vst v0;
	_ =	sdelay $0x1  }
0xc2: {  	s1 =	sshra.s32 s5, $0x2  }
0xc3: {  	[tilespmem:s1+$0xA030] =	vst v0  }
0xc4: {  	[tilespmem:s1+$0xA020] =	vst v0  }
0xc5: {  	[tilespmem:s1+$0xA000] =	vst v0  }
0xc6: {  	[tilespmem:s1+$0xA010] =	vst v0  }
0xc7: {  	[spmem:s7] =	stream.linear.scatter [tilespmem:s19], [sflag:$0x9], $0x2000, $0x38;
	[tilespmem:$0x1C400] =	vst v63  }
0xc8: {  	_ =	swait.ge [sflag:s18], $0x2000  }
0xc9: {  	[sflag:s18] =	ssyncset.done $0x0  }
0xca: {  	[sflag:s18] =	ssyncadd.s32 $0xFFFFE000  }
0xcb: {  	[spmem:s8] =	stream.linear.scatter [tilespmem:s19], [sflag:$0x9], $0x2000, $0x38;
	[tilespmem:$0x1C400] =	vst v63  }
0xcc: {  	_ =	swait.ge [sflag:s18], $0x2000  }
0xcd: {  	[sflag:s18] =	ssyncset.done $0x0  }
0xce: {  	[sflag:s18] =	ssyncadd.s32 $0xFFFFE000  }
0xcf: {  	[spmem:s9] =	stream.linear.scatter [tilespmem:s19], [sflag:$0x9], $0x2000, $0x38;
	[tilespmem:$0x1C400] =	vst v63  }
0xd0: {  	_ =	swait.ge [sflag:s18], $0x2000  }
0xd1: {  	[sflag:s18] =	ssyncset.done $0x0  }
0xd2: {  	[sflag:s18] =	ssyncadd.s32 $0xFFFFE000  }
0xd3: {  	[spmem:s10] =	stream.linear.scatter [tilespmem:s19], [sflag:$0x9], $0x2000, $0x38;
	[tilespmem:$0x1C400] =	vst v63  }
0xd4: {  	_ =	swait.ge [sflag:s18], $0x2000  }
0xd5: {  	[sflag:s18] =	ssyncset.done $0x0  }
0xd6: {  	[sflag:s18] =	ssyncadd.s32 $0xFFFFE000  }
0xd7: {  	[spmem:s11] =	stream.linear.scatter [tilespmem:s19], [sflag:$0x9], $0x2000, $0x38;
	[tilespmem:$0x1C400] =	vst v63  }
0xd8: {  	_ =	swait.ge [sflag:s18], $0x2000  }
0xd9: {  	[sflag:s18] =	ssyncset.done $0x0  }
0xda: {  	[sflag:s18] =	ssyncadd.s32 $0xFFFFE000  }
0xdb: {  	[spmem:s12] =	stream.linear.scatter [tilespmem:s19], [sflag:$0x9], $0x400, $0x38;
	[tilespmem:$0x1C400] =	vst v63  }
0xdc: {  	_ =	swait.ge [sflag:s18], $0x400  }
0xdd: {  	[sflag:s18] =	ssyncset.done $0x0  }
0xde: {  	[sflag:s18] =	ssyncadd.s32 $0xFFFFFC00  }
0xdf: {  	s31 =	simm.s32 $0x0;
	[bflag:$0x0] =	sbarrier.arrive $0xFFFF  }
0xe0: {  	[tilespmem:s19], [sflag:$0x1] =	stream.indirect.gather [hbm4b:s4+s20], $0x40, s31, s20, $0xb8;
	[tilespmem:$0x1C400] =	vst v63  }
0xe1: {  	_ = 	snop  }
0xe2: {  	[tilespmem:s21], [sflag:$0x2] =	stream.indirect.gather [hbm4b:s4+s20], $0x40, s20, s20, $0xb8;
	[tilespmem:$0x1C400] =	vst v63  }
0xe3: {  	_ = 	snop  }
0xe4: {  	[tilespmem:s23], [sflag:$0x3] =	stream.indirect.gather [hbm4b:s4+s20], $0x40, s17, s20, $0xb8;
	[tilespmem:$0x1C400] =	vst v63  }
0xe5: {  	_ =	swait.ge [sflag:s24], $0x2000  }
0xe6: {  	[sflag:s24] =	ssyncset.done $0x0  }
0xe7: {  	[sflag:s24] =	ssyncadd.s32 $0xFFFFE000  }
0xe8: {  	[spmem:s2] =	stream.indirect.scatter.add.f32 [tilespmem:s19], [sflag:$0x5], $0x40, s15, s20, $0xb8;
	[tilespmem:$0x1C400] =	vst v63  }
0xe9: {  	s13 =	simm.s32 $0x180  }
0xea: {  	[tilespmem:s26], [sflag:$0x4] =	stream.indirect.gather [hbm4b:s4+s20], $0x40, s13, s20, $0xb8;
	[tilespmem:$0x1C400] =	vst v63  }
0xeb: {  	_ =	swait.ge [sflag:s28], $0x2000  }
0xec: {  	[sflag:s28] =	ssyncset.done $0x0  }
0xed: {  	s15 =	simm.s32 $0x5080;
	[sflag:s28] =	ssyncadd.s32 $0xFFFFE000  }
0xee: {  	[spmem:s2] =	stream.indirect.scatter.add.f32 [tilespmem:s21], [sflag:$0x6], $0x40, s15, s20, $0xb8;
	[tilespmem:$0x1C400] =	vst v63  }
0xef: {  	_ =	swait.ge [sflag:s30], $0x2000  }
0xf0: {  	[sflag:s30] =	ssyncset.done $0x0  }
0xf1: {  	s17 =	simm.s32 $0x200;
	[sflag:s30] =	ssyncadd.s32 $0xFFFFE000  }
0xf2: {  	[tilespmem:s19], [sflag:$0x1] =	stream.indirect.gather [hbm4b:s4+s20], $0x40, s17, s20, $0xb8;
	[tilespmem:$0x1C400] =	vst v63  }
0xf3: {  	_ =	swait.ge [sflag:s0], $0x2000  }
0xf4: {  	[sflag:s0] =	ssyncset.done $0x0  }
0xf5: {  	s5 =	simm.s32 $0x5100;
	[sflag:s0] =	ssyncadd.s32 $0xFFFFE000  }
0xf6: {  	[spmem:s2] =	stream.indirect.scatter.add.f32 [tilespmem:s23], [sflag:$0x7], $0x40, s5, s20, $0xb8;
	[tilespmem:$0x1C400] =	vst v63  }
0xf7: {  	_ =	swait.ge [sflag:s3], $0x2000  }
0xf8: {  	[sflag:s3] =	ssyncset.done $0x0  }
0xf9: {  	s13 =	simm.s32 $0x280;
	[sflag:s3] =	ssyncadd.s32 $0xFFFFE000  }
0xfa: {  	[tilespmem:s21], [sflag:$0x2] =	stream.indirect.gather [hbm4b:s4+s20], $0x40, s13, s20, $0xb8;
	[tilespmem:$0x1C400] =	vst v63  }
0xfb: {  	_ =	swait.ge [sflag:s6], $0x2000  }
0xfc: {  	[sflag:s6] =	ssyncset.done $0x0  }
0xfd: {  	s15 =	simm.s32 $0x5180;
	[sflag:s6] =	ssyncadd.s32 $0xFFFFE000  }
0xfe: {  	[spmem:s2] =	stream.indirect.scatter.add.f32 [tilespmem:s26], [sflag:$0x8], $0x40, s15, s20, $0xb8;
	[tilespmem:$0x1C400] =	vst v63  }
0xff: {  	_ =	swait.ge [sflag:s14], $0x2000  }
0x100: {  	[sflag:s14] =	ssyncset.done $0x0  }
0x101: {  	s17 =	simm.s32 $0x300;
	[sflag:s14] =	ssyncadd.s32 $0xFFFFE000  }
0x102: {  	[tilespmem:s23], [sflag:$0x3] =	stream.indirect.gather [hbm4b:s4+s20], $0x40, s17, s20, $0xb8;
	[tilespmem:$0x1C400] =	vst v63  }
.LBB2_9:
0x103: {  	_ =	swait.ge [sflag:s24], $0x2000  }
0x104: {  	s1 =	sshra.s32 s31, $0x2;
	[sflag:s24] =	ssyncset.done $0x0  }
0x105: {  	s5 =	sadd.s32 $0x5200, s1;
	[sflag:s24] =	ssyncadd.s32 $0xFFFFE000  }
0x106: {  	[spmem:s2] =	stream.indirect.scatter.add.f32 [tilespmem:s19], [sflag:$0x5], $0x40, s5, s20, $0xb8;
	[tilespmem:$0x1C400] =	vst v63  }
0x107: {  	_ =	swait.ge [sflag:s22], $0x2000  }
0x108: {  	[sflag:s22] =	ssyncset.done $0x0  }
0x109: {  	s13 =	sadd.s32 $0x380, s1;
	[sflag:s22] =	ssyncadd.s32 $0xFFFFE000  }
0x10a: {  	[tilespmem:s26], [sflag:$0x4] =	stream.indirect.gather [hbm4b:s4+s20], $0x40, s13, s20, $0xb8;
	[tilespmem:$0x1C400] =	vst v63  }
0x10b: {  	_ =	swait.ge [sflag:s28], $0x2000  }
0x10c: {  	p0 =	seq.s32 s31, $0x13000;
	[sflag:s28] =	ssyncset.done $0x0  }
0x10d: {  	s15 =	sadd.s32 $0x5280, s1;
	s5 =	simm.s32 @p0 $0x3;
	[sflag:s28] =	ssyncadd.s32 $0xFFFFE000  }
0x10e: {  	[spmem:s2] =	stream.indirect.scatter.add.f32 [tilespmem:s21], [sflag:$0x6], $0x40, s15, s20, $0xb8;
	[tilespmem:$0x1C400] =	vst v63  }
0x10f: {  	_ =	swait.ge @p0 [sflag:s5], $0x2000  }
0x110: {  	[sflag:s5] =	ssyncset.done @p0 $0x0  }
0x111: {  	[sflag:s5] =	ssyncadd.s32 @p0 $0xFFFFE000;
	s5 =	sshra.s32 @p0 s31, $0x2  }
0x112: {  	s13 =	simm.s32 @p0 $0x80;
	s15 =	simm.s32 @p0 $0xE000;
	s5 =	sadd.s32 @p0 $0x5300, s5  }
0x113: {  	[spmem:s2] =	stream.indirect.scatter.add.f32 @p0 [tilespmem:s15], [sflag:$0x7], $0x40, s5, s13, $0xb8;
	[tilespmem:$0x1C400] =	vst v63  }
0x114: {  	s5 =	simm.s32 @!p0 $0x5  }
0x115: {  	_ =	swait.ge @!p0 [sflag:s5], $0x2000  }
0x116: {  	[sflag:s5] =	ssyncset.done @!p0 $0x0  }
0x117: {  	[sflag:s5] =	ssyncadd.s32 @!p0 $0xFFFFE000;
	s5 =	sshra.s32 @!p0 s31, $0x2  }
0x118: {  	s17 =	simm.s32 @!p0 $0xA000;
	s15 =	simm.s32 @!p0 $0x80;
	s13 =	sadd.s32 @!p0 $0x400, s5  }
0x119: {  	[tilespmem:s17], [sflag:$0x1] =	stream.indirect.gather @!p0 [hbm4b:s4+s15], $0x40, s13, s15, $0xb8;
	[tilespmem:$0x1C400] =	vst v63  }
0x11a: {  	s13 =	simm.s32 @!p0 $0x3  }
0x11b: {  	_ =	swait.ge @!p0 [sflag:s13], $0x2000  }
0x11c: {  	[sflag:s13] =	ssyncset.done @!p0 $0x0  }
0x11d: {  	s17 =	simm.s32 @!p0 $0xE000;
	[sflag:s13] =	ssyncadd.s32 @!p0 $0xFFFFE000;
	s13 =	sadd.s32 @!p0 $0x5300, s5  }
0x11e: {  	[spmem:s2] =	stream.indirect.scatter.add.f32 @!p0 [tilespmem:s17], [sflag:$0x7], $0x40, s13, s15, $0xb8;
	[tilespmem:$0x1C400] =	vst v63  }
0x11f: {  	s13 =	simm.s32 @!p0 $0x6  }
0x120: {  	_ =	swait.ge @!p0 [sflag:s13], $0x2000  }
0x121: {  	[sflag:s13] =	ssyncset.done @!p0 $0x0  }
0x122: {  	s5 =	sadd.s32 @!p0 $0x480, s5;
	[sflag:s13] =	ssyncadd.s32 @!p0 $0xFFFFE000;
	s13 =	simm.s32 @!p0 $0xC000  }
0x123: {  	[tilespmem:s13], [sflag:$0x2] =	stream.indirect.gather @!p0 [hbm4b:s4+s15], $0x40, s5, s15, $0xb8;
	[tilespmem:$0x1C400] =	vst v63  }
.Ltmp6:
0x124: {  	_ = 	snop;
	(pc) =	sbr.rel @p0 .LBB2_11-.Ltmp6, $4  }
0x125: {  	_ =	swait.ge [sflag:s6], $0x2000  }
0x126: {  	[sflag:s6] =	ssyncset.done $0x0  }
0x127: {  	s17 =	sadd.s32 $0x5380, s1;
	[sflag:s6] =	ssyncadd.s32 $0xFFFFE000  }
0x128: {  	[spmem:s2] =	stream.indirect.scatter.add.f32 [tilespmem:s26], [sflag:$0x8], $0x40, s17, s20, $0xb8;
	[tilespmem:$0x1C400] =	vst v63  }
.Ltmp7:
0x129: {  	(pc) =	sbr.rel .LBB2_9-.Ltmp7, $4  }
0x12a: {  	_ =	swait.ge [sflag:s14], $0x2000  }
0x12b: {  	[sflag:s14] =	ssyncset.done $0x0  }
0x12c: {  	s1 =	sadd.s32 $0x500, s1;
	s31 =	sadd.s32 $0x800, s31;
	[sflag:s14] =	ssyncadd.s32 $0xFFFFE000  }
0x12d: {  	[tilespmem:s23], [sflag:$0x3] =	stream.indirect.gather [hbm4b:s4+s20], $0x40, s1, s20, $0xb8;
	[tilespmem:$0x1C400] =	vst v63  }
.LBB2_12:
0x12e: {  	_ =	sfence.sel $0x180000  }
0x12f: {  	[bflag:$0x0] =	sbarrier.arrive $0xFFFF  }
0x130: {  	_ =	strace $0x9000004A  }
0x131: {  	s0 =	stileid.u32;
	[bflag:$0x2] =	sbarrier.arrive $0xFFFF  }
0x132: {  	p0 =	sne.s32 s0, $0x0;
	s0 =	rddreg [dreg:$0x2]  }
0x133: {  	s0 =	sadd.s32 @!p0 $0x100000, s0  }
0x134: {  	[sflag:s0] =	ssyncadd.tile.s32 @!p0 $0x1;
	_ =	shalt  }
.Lfunc_end2:
_tile_overlayer_lowered:
.L_overlay_start_2:
0x135: {  	(tag) =	ssettag $0x2  }
0x136: {  	s0 =	rddreg [dreg:$0x0];
	s2 =	stileid.u32  }
0x137: {  	s1 =	rddreg [dreg:$0x1];
	p0 =	sne.s32 s2, $0x0  }
0x138: {  	s3 =	rddreg [dreg:$0x2];
	[bflag:$0x3] =	sbarrier.arrive $0xFFFF;
	s2 =	simm.s32 @!p0 $0x1C09  }
0x139: {  	[timem:s3], [sflag:s2] =	dma.local @!p0 [hbm:s0], s1  }
0x13a: {  	s0 =	simm.s32 @!p0 $0x9  }
0x13b: {  	_ =	swait.ge @!p0 [sflag:s0], s1  }
0x13c: {  	s1 =	ssub.s32 @!p0 $0x0, s1;
	[sflag:s0] =	ssyncset.done @!p0 $0x0  }
0x13d: {  	[sflag:s0] =	ssyncadd.s32 @!p0 s1  }
0x13e: {  	[bflag:$0x3] =	sbarrier.arrive $0xFFFF  }
0x13f: {  	_ =	shalt  }

// kernel: kernel.7.cloned.1.call-start
scs
__scs_entry_jumppad:
0x0: {  	(pc) =	sbr.rel $0x88, $3  }
0x1: {  	(tag) =	ssettag $0x0;
	lr =	simm.s32 $0x1  }
0x2: {  	[smem:$0x3F91] =	sst lr;
	_ =	strace $0xD0000000  }
0x3: {  	_ = 	snop  }
0x4: {  	_ = 	snop  }
0x5: {  	_ = 	snop  }
0x6: {  	_ = 	snop  }
0x7: {  	_ = 	snop  }
__scs_overlays_trampoline_lowered:
0x8: {  	[smem:$0x3FA0] =	sst s0  }
0x9: {  	[smem:$0x3FA1] =	sst s1  }
0xa: {  	[smem:$0x3FA2] =	sst s2  }
0xb: {  	[smem:$0x3FA3] =	sst s3  }
0xc: {  	[smem:$0x3FA4] =	sst s4  }
0xd: {  	[smem:$0x3FA5] =	sst s5  }
0xe: {  	[smem:$0x3FA6] =	sst s6  }
0xf: {  	[smem:$0x3FA7] =	sst s7  }
0x10: {  	[smem:$0x3FA8] =	sst s8  }
0x11: {  	[smem:$0x3FA9] =	sst s9;
	s0 =	simm.s32 @!p0 $0x0  }
0x12: {  	s1 =	sld [smem:$0x3F8F];
	s0 =	simm.s32 @p0 $0x1  }
0x13: {  	[smem:$0x3FAA] =	sst s0;
	s0 =	simm.s32 @!p1 $0x0  }
0x14: {  	s2 =	sld [smem:$0x3F8E];
	s0 =	simm.s32 @p1 $0x1  }
0x15: {  	[smem:$0x3FAB] =	sst s0;
	s0 =	simm.s32 @!p2 $0x0  }
0x16: {  	s3 =	sld [smem:$0x3FDB];
	s0 =	simm.s32 @p2 $0x1  }
0x17: {  	s4 =	simm.s32 $0x1BF5;
	[smem:$0x3FAD] =	sst s0  }
0x18: {  	s0 =	sld [smem:$0x3F90];
	_ =	swait.ge [sflag:s4], $0x0  }
0x19: {  	s7 =	sld [smem:$0x3F91]  }
0x1a: {  	s8 =	sadd.s32 $0xFFFFE003, lr  }
0x1b: {  	s9 =	sadd.s32 $0xFFFFFEF7, lr;
	s5 =	simm.s32 $0xFFFFFFFF;
	p2 =	slt.u32 s8, $0xFFFFF086  }
0x1c: {  	p1 =	slt.u32 s9, $0xF7A;
	s5 =	simm.s32 @!p2 $0x0  }
0x1d: {  	s5 =	simm.s32 @p1 $0x1;
	p0 =	seq.s32 s7, s2  }
0x1e: {  	s7 =	smul.u32 @!p0 $0xF7A, s2;
	p2 =	seq.s32 @!p0 s5, $0x0  }
0x1f: {  	s9 =	smul.u32 $0xF7A, s1;
	s8 =	simm.s32 @!p0 $0x1BF5;
	p2 =	por !p2, p0  }
0x20: {  	[sflag:s8] =	ssyncset.s32 @!p0 $0xFFFFF086;
	s6 =	sadd.s32 @!p0 s3, s7;
	s7 =	simm.s32 @!p0 $0x108  }
0x21: {  	s3 =	sadd.s32 s3, s9;
	s6 =	sadd.s32 @!p0 $0x88, s6;
	s7 =	simm.s32 @p2 $0x1082  }
0x22: {  	[simem:s7], [sflag:s8] =	dma.local @!p0 [hbm:s6], $0xF7A  }
0x23: {  	s9 =	sor.u32 $0xD0000000, s2;
	s6 =	simm.s32 $0x108;
	_ =	swait.ge @!p0 [sflag:s8], $0x0  }
0x24: {  	s3 =	sadd.s32 $0x88, s3;
	s6 =	simm.s32 @!p1 $0x1082;
	[sflag:s4] =	ssyncset.s32 $0xFFFFF086  }
0x25: {  	[simem:s6], [sflag:s4] =	dma.local [hbm:s3], $0xF7A  }
0x26: {  	[smem:$0x3F91] =	sst s1;
	(tag) =	ssettag s2;
	_ =	strace s9  }
0x27: {  	s1 =	sld [smem:$0x3FA1]  }
0x28: {  	s2 =	sld [smem:$0x3FA2]  }
0x29: {  	s4 =	sld [smem:$0x3FA4]  }
0x2a: {  	p0 =	seq.s32 s5, $0x0;
	s5 =	sld [smem:$0x3FA5]  }
0x2b: {  	s6 =	sld [smem:$0x3FA6]  }
0x2c: {  	s7 =	sld [smem:$0x3FA7]  }
0x2d: {  	s3 =	simm.s32 $0x108;
	s8 =	sld [smem:$0x3FA8]  }
0x2e: {  	s3 =	simm.s32 @!p0 $0x1082;
	s9 =	sld [smem:$0x3FA9]  }
0x2f: {  	lr =	sadd.s32 s0, s3;
	s0 =	sld [smem:$0x3FA0]  }
0x30: {  	s3 =	sld [smem:$0x3FA3]  }
0x31: {  	[smem:$0x3FAC] =	sst s10  }
0x32: {  	s10 =	sld [smem:$0x3FAA];
	_ =	sdelay $0x3  }
0x33: {  	p0 =	seq.s32 s10, $0x1;
	s10 =	sld [smem:$0x3FAC];
	_ =	sdelay $0x3  }
0x34: {  	[smem:$0x3FAC] =	sst s10  }
0x35: {  	s10 =	sld [smem:$0x3FAB];
	_ =	sdelay $0x3  }
0x36: {  	p1 =	seq.s32 s10, $0x1;
	s10 =	sld [smem:$0x3FAC];
	_ =	sdelay $0x3  }
0x37: {  	[smem:$0x3FAC] =	sst s10  }
0x38: {  	s10 =	sld [smem:$0x3FAD]  }
0x39: {  	_ = 	snop;
	(pc) =	sbr.ind lr, $3  }
0x3a: {  	_ = 	snop  }
0x3b: {  	_ = 	snop  }
0x3c: {  	p2 =	seq.s32 s10, $0x1;
	s10 =	sld [smem:$0x3FAC]  }
0x3d: {  	_ =	shalt  }
0x3e: {  	_ =	shalt  }
0x3f: {  	_ =	shalt  }
0x40: {  	_ =	shalt  }
0x41: {  	_ =	shalt  }
0x42: {  	_ =	shalt  }
0x43: {  	_ =	shalt  }
0x44: {  	_ =	shalt  }
0x45: {  	_ =	shalt  }
0x46: {  	_ =	shalt  }
0x47: {  	_ =	shalt  }
0x48: {  	_ =	shalt  }
0x49: {  	_ =	shalt  }
0x4a: {  	_ =	shalt  }
0x4b: {  	_ =	shalt  }
0x4c: {  	_ =	shalt  }
0x4d: {  	_ =	shalt  }
0x4e: {  	_ =	shalt  }
0x4f: {  	_ =	shalt  }
0x50: {  	_ =	shalt  }
0x51: {  	_ =	shalt  }
0x52: {  	_ =	shalt  }
0x53: {  	_ =	shalt  }
0x54: {  	_ =	shalt  }
0x55: {  	_ =	shalt  }
0x56: {  	_ =	shalt  }
0x57: {  	_ =	shalt  }
0x58: {  	_ =	shalt  }
0x59: {  	_ =	shalt  }
0x5a: {  	_ =	shalt  }
0x5b: {  	_ =	shalt  }
0x5c: {  	_ =	shalt  }
0x5d: {  	_ =	shalt  }
0x5e: {  	_ =	shalt  }
0x5f: {  	_ =	shalt  }
0x60: {  	_ =	shalt  }
0x61: {  	_ =	shalt  }
0x62: {  	_ =	shalt  }
0x63: {  	_ =	shalt  }
0x64: {  	_ =	shalt  }
0x65: {  	_ =	shalt  }
0x66: {  	_ =	shalt  }
0x67: {  	_ =	shalt  }
0x68: {  	_ =	shalt  }
0x69: {  	_ =	shalt  }
0x6a: {  	_ =	shalt  }
0x6b: {  	_ =	shalt  }
0x6c: {  	_ =	shalt  }
0x6d: {  	_ =	shalt  }
0x6e: {  	_ =	shalt  }
0x6f: {  	_ =	shalt  }
0x70: {  	_ =	shalt  }
0x71: {  	_ =	shalt  }
0x72: {  	_ =	shalt  }
0x73: {  	_ =	shalt  }
0x74: {  	_ =	shalt  }
0x75: {  	_ =	shalt  }
0x76: {  	_ =	shalt  }
0x77: {  	_ =	shalt  }
0x78: {  	_ =	shalt  }
0x79: {  	_ =	shalt  }
0x7a: {  	_ =	shalt  }
0x7b: {  	_ =	shalt  }
0x7c: {  	_ =	shalt  }
0x7d: {  	_ =	shalt  }
0x7e: {  	_ =	shalt  }
0x7f: {  	_ =	shalt  }
0x80: {  	_ =	shalt  }
0x81: {  	_ =	shalt  }
0x82: {  	_ =	shalt  }
0x83: {  	_ =	shalt  }
0x84: {  	_ =	shalt  }
0x85: {  	_ =	shalt  }
0x86: {  	_ =	shalt  }
0x87: {  	_ =	shalt  }
.Lfunc_end0:
.L_simem_size_0:
called_computation_lowered:
.L_overlay_start_0:
0x88: {  	s2 =	sld [smem:$0x3FD9]  }
0x89: {  	s3 =	sld [smem:$0x3FFE];
	_ =	sdelay $0x1  }
0x8a: {  	s1 =	srdreg.scid  }
0x8b: {  	s0 =	sand.u32 $0x1, s1  }
0x8c: {  	s16 =	sshll.u32 s0, $0xA;
	s2 =	sadd.s32 s3, s2  }
0x8d: {  	s2 =	sadd.s32 s2, s16  }
0x8e: {  	[smem:$0x3FB8] =	sst s2  }
0x8f: {  	_ = 	snop  }
0x90: {  	(tm) =	ssettm $0x1  }
0x91: {  	s17 =	sld [smem:$0x3FFB];
	_ =	sdelay $0x3  }
0x92: {  	_ =	strace s17  }
0x93: {  	s2 =	sld [smem:$0x3FFC];
	_ =	sdelay $0x3  }
0x94: {  	_ =	strace s2  }
0x95: {  	s2 =	sld [smem:$0x3FFD];
	_ =	sdelay $0x3  }
0x96: {  	_ =	strace s2  }
0x97: {  	_ =	strace $0x8FFFFFFF  }
0x98: {  	s18 =	sld [smem:$0x3FDB];
	_ =	sdelay $0x1  }
0x99: {  	s19 =	simm.s32 $_scs_section_size  }
0x9a: {  	s4 =	simm.s32 $_size__tile_overlayer_lowered;
	s5 =	simm.s32 $_tile_overlayer_lowered  }
0x9b: {  	s22 =	simm.s32 $0x1BFF;
	s21 =	sshll.u32 s5, $0x1;
	s2 =	sadd.s32 s19, s18  }
0x9c: {  	s6 =	simm.s32 $0x0;
	s20 =	sshll.u32 s4, $0x1;
	s4 =	sadd.s32 s21, s2  }
0x9d: {  	[timem:s6], [sflag:s22] =	dma.local [hbm:s4], s20  }
0x9e: {  	_ =	swait.ge [sflag:s22], s20  }
0x9f: {  	s3 =	ssub.s32 $0x0, s20;
	[sflag:s22] =	ssyncset.done $0x0  }
0xa0: {  	[sflag:s22] =	ssyncadd.s32 s3;
	_ =	sdelay $0x1  }
0xa1: {  	s23 =	simm.s32 $0x1B8B  }
0xa2: {  	_ =	swait.ge [sflag:s23], $0x1  }
0xa3: {  	[sflag:s23] =	ssyncset.done $0x0  }
0xa4: {  	s25 =	simm.s32 $0x1B8E;
	s24 =	sld [smem:$0x3FFE];
	[sflag:s23] =	ssyncadd.s32 $0xFFFFFFFF  }
0xa5: {  	s26 =	simm.s32 $execute0_lowered;
	[smem:$0x3FD2] =	sst s25  }
0xa6: {  	s4 =	sshll.u32 s26, $0x1;
	_ =	strace $0x80000046;
	[dreg:$0x1] =	wrdreg $0xFFFFFFFF  }
0xa7: {  	s28 =	simm.s32 $_size_execute0_lowered;
	s2 =	sadd.s32 s2, s4;
	[dreg:$0x0] =	wrdreg $0x0  }
0xa8: {  	s4 =	sshll.u32 s28, $0x1;
	[dreg:$0x2] =	wrdreg s2  }
0xa9: {  	[dreg:$0x3] =	wrdreg s4  }
0xaa: {  	[dreg:$0x4] =	wrdreg $0xC0  }
0xab: {  	_ =	task [dreg:s6], $0x5FFFF  }
0xac: {  	[dreg:$0x1] =	wrdreg $0xFFFFFFFF  }
0xad: {  	[dreg:$0x0] =	wrdreg $0x60  }
0xae: {  	[dreg:$0x2] =	wrdreg s24  }
0xaf: {  	[dreg:$0x3] =	wrdreg $0x120000  }
0xb0: {  	[dreg:$0x4] =	wrdreg $0x9  }
0xb1: {  	_ =	task.clear_ibuf [dreg:s6], $0x5FFFF;
	_ =	strace $0x90000046  }
0xb2: {  	s29 =	simm.s32 $0x9;
	_ =	strace $0x80000048  }
0xb3: {  	_ =	swait.ge [sflag:s29], $0x1  }
0xb4: {  	[sflag:s29] =	ssyncadd.s32 $0xFFFFFFFF  }
0xb5: {  	_ =	strace $0x90000048  }
0xb6: {  	_ =	sfence  }
0xb7: {  	s30 =	sld [smem:$0x0];
	_ =	sdelay $0x2  }
0xb8: {  	s31 =	sshll.u32 s1, $0xD;
	s1 =	sshrl.u32 s1, $0x2  }
0xb9: {  	s3 =	sand.u32 $0x4000, s31;
	s1 =	sadd.s32 s1, s30  }
0xba: {  	s0 =	sor.u32 s3, s0;
	s1 =	sshll.u32 s1, $0x11  }
0xbb: {  	s0 =	sor.u32 s1, s0  }
0xbc: {  	s0 =	sadd.s32 $0x8F2B, s0  }
0xbd: {  	[sflag:s0] =	ssyncadd.remote.s32 $0x1  }
0xbe: {  	_ =	sfence.sel $0xFFFF  }
0xbf: {  	[dreg:$0x0] =	wrdreg $0xFFFFFFFF;
	(pc) =	sbr.abs _section_cstart, $3  }
0xc0: {  	[dreg:$0x1] =	wrdreg $0xFFFFFFFF  }
0xc1: {  	_ =	task.clear_ibuf [dreg:s6], $0x2FFFF;
	_ =	strace $0x9FFFFFFF  }
0xc2: {  	(tm) =	ssettm $0x7FFFFFFF  }
0xc3: {  	_ =	shalt  }
tec
execute0_lowered:
.L_overlay_start_1:
0x0: {  	(tag) =	ssettag $0x1  }
0x1: {  	s0 =	srdreg.scid  }
0x2: {  	s3 =	stileid.u32;
	s1 =	rddreg [dreg:$0x0]  }
0x3: {  	s2 =	rddreg [dreg:$0x1];
	s6 =	simm.s32 $0x0;
	s15 =	simm.s32 $0x5000  }
0x4: {  	s16 =	simm.s32 $0x9;
	s17 =	simm.s32 $0xA000;
	s18 =	simm.s32 $0x80  }
0x5: {  	s19 =	simm.s32 $0xC000;
	s21 =	simm.s32 $0xE000;
	s5 =	smul.u32 $0x5000, s3  }
0x6: {  	s22 =	simm.s32 $0x1;
	s28 =	simm.s32 $0x5;
	s7 =	smul.u32 $0xA400, s3  }
0x7: {  	s30 =	simm.s32 $0x3;
	s0 =	sand.u32 $0x1, s0;
	s9 =	smul.u32 $0x29000, s3  }
0x8: {  	s20 =	simm.s32 $0x4;
	s31 =	simm.s32 $0x8;
	s4 =	smul.u32 $0x50000, s0  }
0x9: {  	[smem:$0x7FF] =	sst s6;
	s8 =	smul.u32 $0xA4000, s0;
	s0 =	ssub.s32 $0x2, s0  }
0xa: {  	_ =	strace $0x80000047;
	s24 =	sshrl.u32 s0, $0x1;
	s9 =	sshrl.u32 s9, $0x2  }
0xb: {  	s4 =	sadd.s32 s5, s4;
	s5 =	sshrl.u32 s5, $0x3;
	s8 =	sadd.s32 s7, s8  }
0xc: {  	s0 =	ssub.s32 s0, s24;
	s12 =	sadd.s32 s9, s2;
	s7 =	sadd.s32 s7, s2  }
0xd: {  	s24 =	simm.s32 $0x10000;
	s23 =	sshrl.u32 s4, $0x3;
	s4 =	sadd.s32 $0x3E00, s1  }
0xe: {  	s5 =	sadd.s32 s5, s1;
	s8 =	sshrl.u32 s8, $0x3;
	s29 =	sadd.s32 $0x2000, s12  }
0xf: {  	s9 =	sadd.s32 $0x4000, s12;
	s10 =	sadd.s32 $0x6000, s12;
	s11 =	sadd.s32 $0x8000, s12  }
.Ltmp0:
0x10: {  	s12 =	sadd.s32 $0xA000, s12;
	s14 =	smax.u32 s0, $0x1;
	(pc) =	sbr.rel .LBB2_1-.Ltmp0, $4  }
0x11: {  	s0 =	simm.s32 $0x0;
	s25 =	sadd.s32 $0x2B000, s5;
	[dreg:$0x5] =	wrdreg s29  }
0x12: {  	s6 =	sadd.s32 s23, s1;
	s1 =	sadd.s32 s8, s1;
	[dreg:$0x3] =	wrdreg s25  }
0x13: {  	s26 =	sadd.s32 $0x35000, s6;
	s13 =	sadd.s32 $0x5D000, s1;
	s25 =	simm.s32 $0x2  }
0x14: {  	v0 =	vimm.f32 $0.0e+00;
	s1 =	simm.s32 $0x6;
	[dreg:$0x4] =	wrdreg s26;
	s26 =	simm.s32 $0x7  }
.LBB2_6:
0x15: {  	_ =	swait.ge [sflag:s28], $0x2000  }
0x16: {  	[sflag:s28] =	ssyncset.done $0x0  }
0x17: {  	[sflag:s28] =	ssyncadd.s32 $0xFFFFE000  }
0x18: {  	_ =	swait.ge [sflag:s1], $0x2000  }
0x19: {  	[sflag:s1] =	ssyncset.done $0x0  }
0x1a: {  	[sflag:s1] =	ssyncadd.s32 $0xFFFFE000  }
0x1b: {  	_ =	swait.ge [sflag:s26], $0x2000  }
0x1c: {  	[sflag:s26] =	ssyncset.done $0x0  }
0x1d: {  	[sflag:s26] =	ssyncadd.s32 $0xFFFFE000  }
0x1e: {  	s3 =	stileid.u32;
	_ =	swait.ge [sflag:s31], $0x2000  }
0x1f: {  	s5 =	sshrl.u32 s7, $0x3;
	s0 =	sadd.s32 $0x1, s0;
	[sflag:s31] =	ssyncset.done $0x0  }
0x20: {  	s3 =	sshll.u32 s3, $0x6;
	p0 =	sne.s32 s0, s14;
	[sflag:s31] =	ssyncadd.s32 $0xFFFFE000  }
.Ltmp1:
0x21: {  	s3 =	sor.u32 $0x1C09, s3;
	[bflag:$0x0] =	sbarrier.arrive $0xFFFF;
	(pc) =	sbr.rel @!p0 .LBB2_7-.Ltmp1, $4  }
0x22: {  	[hbm:s13], [sflag:s3] =	dma.local [spmem:s5], $0x1480  }
0x23: {  	_ =	swait.ge [sflag:s16], $0x1480  }
0x24: {  	[sflag:s16] =	ssyncset.done $0x0  }
0x25: {  	[sflag:s16] =	ssyncadd.s32 $0xFFFFEB80  }
.LBB2_1:
0x26: {  	s3 =	simm.s32 $0x0;
	s5 =	rddreg [dreg:$0x3]  }
0x27: {  	[tilespmem:s15], [sflag:$0x9] =	stream.linear.gather [hbm4b:s5+s3], $0x5000, $0x38;
	[tilespmem:$0x1C400] =	vst v63  }
0x28: {  	_ =	swait.ge [sflag:s16], $0x5000  }
0x29: {  	[sflag:s16] =	ssyncset.done $0x0  }
0x2a: {  	s23 =	rddreg [dreg:$0x4];
	[sflag:s16] =	ssyncadd.s32 $0xFFFFB000  }
0x2b: {  	[tilespmem:s3], [sflag:$0x9] =	stream.linear.gather [hbm4b:s23+s3], $0x5000, $0x38;
	[tilespmem:$0x1C400] =	vst v63  }
0x2c: {  	_ =	swait.ge [sflag:s16], $0x5000  }
0x2d: {  	[sflag:s16] =	ssyncset.done $0x0  }
0x2e: {  	s29 =	simm.s32 $0x100;
	s23 =	simm.s32 $0x0;
	[sflag:s16] =	ssyncadd.s32 $0xFFFFB000  }
.LBB2_2:
0x2f: {  	p0 =	sne.s32 s29, $0x7F00;
	[tilespmem:s23+$0xA030] =	vst v0;
	s3 =	smov.u32 s29;
	s29 =	sadd.s32 $0x100, s29  }
.Ltmp2:
0x30: {  	[tilespmem:s23+$0xA020] =	vst v0;
	(pc) =	sbr.rel @p0 .LBB2_2-.Ltmp2, $3  }
0x31: {  	[tilespmem:s23+$0xA000] =	vst v0  }
0x32: {  	[tilespmem:s23+$0xA010] =	vst v0;
	_ =	sdelay $0x1  }
0x33: {  	s23 =	sshra.s32 s3, $0x2  }
0x34: {  	[tilespmem:s23+$0xA030] =	vst v0  }
0x35: {  	[tilespmem:s23+$0xA020] =	vst v0  }
0x36: {  	[tilespmem:s23+$0xA000] =	vst v0  }
0x37: {  	[tilespmem:s23+$0xA010] =	vst v0  }
0x38: {  	[spmem:s7] =	stream.linear.scatter [tilespmem:s17], [sflag:$0x9], $0x2000, $0x38;
	[tilespmem:$0x1C400] =	vst v63  }
0x39: {  	_ =	swait.ge [sflag:s16], $0x2000  }
0x3a: {  	[sflag:s16] =	ssyncset.done $0x0  }
0x3b: {  	s3 =	rddreg [dreg:$0x5];
	[sflag:s16] =	ssyncadd.s32 $0xFFFFE000  }
0x3c: {  	[spmem:s3] =	stream.linear.scatter [tilespmem:s17], [sflag:$0x9], $0x2000, $0x38;
	[tilespmem:$0x1C400] =	vst v63  }
0x3d: {  	_ =	swait.ge [sflag:s16], $0x2000  }
0x3e: {  	[sflag:s16] =	ssyncset.done $0x0  }
0x3f: {  	[sflag:s16] =	ssyncadd.s32 $0xFFFFE000  }
0x40: {  	[spmem:s9] =	stream.linear.scatter [tilespmem:s17], [sflag:$0x9], $0x2000, $0x38;
	[tilespmem:$0x1C400] =	vst v63  }
0x41: {  	_ =	swait.ge [sflag:s16], $0x2000  }
0x42: {  	[sflag:s16] =	ssyncset.done $0x0  }
0x43: {  	[sflag:s16] =	ssyncadd.s32 $0xFFFFE000  }
0x44: {  	[spmem:s10] =	stream.linear.scatter [tilespmem:s17], [sflag:$0x9], $0x2000, $0x38;
	[tilespmem:$0x1C400] =	vst v63  }
0x45: {  	_ =	swait.ge [sflag:s16], $0x2000  }
0x46: {  	[sflag:s16] =	ssyncset.done $0x0  }
0x47: {  	[sflag:s16] =	ssyncadd.s32 $0xFFFFE000  }
0x48: {  	[spmem:s11] =	stream.linear.scatter [tilespmem:s17], [sflag:$0x9], $0x2000, $0x38;
	[tilespmem:$0x1C400] =	vst v63  }
0x49: {  	_ =	swait.ge [sflag:s16], $0x2000  }
0x4a: {  	[sflag:s16] =	ssyncset.done $0x0  }
0x4b: {  	[sflag:s16] =	ssyncadd.s32 $0xFFFFE000  }
0x4c: {  	[spmem:s12] =	stream.linear.scatter [tilespmem:s17], [sflag:$0x9], $0x400, $0x38;
	[tilespmem:$0x1C400] =	vst v63  }
0x4d: {  	_ =	swait.ge [sflag:s16], $0x400  }
0x4e: {  	[sflag:s16] =	ssyncset.done $0x0  }
0x4f: {  	[sflag:s16] =	ssyncadd.s32 $0xFFFFFC00  }
0x50: {  	s23 =	simm.s32 $0x0;
	[bflag:$0x0] =	sbarrier.arrive $0xFFFF  }
0x51: {  	[tilespmem:s17], [sflag:$0x1] =	stream.indirect.gather [hbm4b:s4+s18], $0x40, s23, s18, $0xb8;
	[tilespmem:$0x1C400] =	vst v63  }
0x52: {  	_ = 	snop  }
0x53: {  	[tilespmem:s19], [sflag:$0x2] =	stream.indirect.gather [hbm4b:s4+s18], $0x40, s18, s18, $0xb8;
	[tilespmem:$0x1C400] =	vst v63  }
0x54: {  	s5 =	simm.s32 $0x100  }
0x55: {  	[tilespmem:s21], [sflag:$0x3] =	stream.indirect.gather [hbm4b:s4+s18], $0x40, s5, s18, $0xb8;
	[tilespmem:$0x1C400] =	vst v63  }
0x56: {  	_ =	swait.ge [sflag:s22], $0x2000  }
0x57: {  	[sflag:s22] =	ssyncset.done $0x0  }
0x58: {  	[sflag:s22] =	ssyncadd.s32 $0xFFFFE000  }
0x59: {  	[spmem:s2] =	stream.indirect.scatter.add.f32 [tilespmem:s17], [sflag:$0x5], $0x40, s15, s18, $0xb8;
	[tilespmem:$0x1C400] =	vst v63  }
0x5a: {  	s6 =	simm.s32 $0x180  }
0x5b: {  	[tilespmem:s24], [sflag:$0x4] =	stream.indirect.gather [hbm4b:s4+s18], $0x40, s6, s18, $0xb8;
	[tilespmem:$0x1C400] =	vst v63  }
0x5c: {  	_ =	swait.ge [sflag:s25], $0x2000  }
0x5d: {  	[sflag:s25] =	ssyncset.done $0x0  }
0x5e: {  	s8 =	simm.s32 $0x5080;
	[sflag:s25] =	ssyncadd.s32 $0xFFFFE000  }
0x5f: {  	[spmem:s2] =	stream.indirect.scatter.add.f32 [tilespmem:s19], [sflag:$0x6], $0x40, s8, s18, $0xb8;
	[tilespmem:$0x1C400] =	vst v63  }
0x60: {  	_ =	swait.ge [sflag:s28], $0x2000  }
0x61: {  	[sflag:s28] =	ssyncset.done $0x0  }
0x62: {  	s29 =	simm.s32 $0x200;
	[sflag:s28] =	ssyncadd.s32 $0xFFFFE000  }
0x63: {  	[tilespmem:s17], [sflag:$0x1] =	stream.indirect.gather [hbm4b:s4+s18], $0x40, s29, s18, $0xb8;
	[tilespmem:$0x1C400] =	vst v63  }
0x64: {  	_ =	swait.ge [sflag:s30], $0x2000  }
0x65: {  	[sflag:s30] =	ssyncset.done $0x0  }
0x66: {  	s5 =	simm.s32 $0x5100;
	[sflag:s30] =	ssyncadd.s32 $0xFFFFE000  }
0x67: {  	[spmem:s2] =	stream.indirect.scatter.add.f32 [tilespmem:s21], [sflag:$0x7], $0x40, s5, s18, $0xb8;
	[tilespmem:$0x1C400] =	vst v63  }
0x68: {  	_ =	swait.ge [sflag:s1], $0x2000  }
0x69: {  	[sflag:s1] =	ssyncset.done $0x0  }
0x6a: {  	s6 =	simm.s32 $0x280;
	[sflag:s1] =	ssyncadd.s32 $0xFFFFE000  }
0x6b: {  	[tilespmem:s19], [sflag:$0x2] =	stream.indirect.gather [hbm4b:s4+s18], $0x40, s6, s18, $0xb8;
	[tilespmem:$0x1C400] =	vst v63  }
0x6c: {  	_ =	swait.ge [sflag:s20], $0x2000  }
0x6d: {  	[sflag:s20] =	ssyncset.done $0x0  }
0x6e: {  	s8 =	simm.s32 $0x5180;
	[sflag:s20] =	ssyncadd.s32 $0xFFFFE000  }
0x6f: {  	[spmem:s2] =	stream.indirect.scatter.add.f32 [tilespmem:s24], [sflag:$0x8], $0x40, s8, s18, $0xb8;
	[tilespmem:$0x1C400] =	vst v63  }
0x70: {  	_ =	swait.ge [sflag:s26], $0x2000  }
0x71: {  	[sflag:s26] =	ssyncset.done $0x0  }
0x72: {  	s29 =	simm.s32 $0x300;
	[sflag:s26] =	ssyncadd.s32 $0xFFFFE000  }
0x73: {  	[tilespmem:s21], [sflag:$0x3] =	stream.indirect.gather [hbm4b:s4+s18], $0x40, s29, s18, $0xb8;
	[tilespmem:$0x1C400] =	vst v63  }
.LBB2_4:
0x74: {  	_ =	swait.ge [sflag:s22], $0x2000  }
0x75: {  	s29 =	sshra.s32 s23, $0x2;
	[sflag:s22] =	ssyncset.done $0x0  }
0x76: {  	s3 =	sadd.s32 $0x5200, s29;
	[sflag:s22] =	ssyncadd.s32 $0xFFFFE000  }
0x77: {  	[spmem:s2] =	stream.indirect.scatter.add.f32 [tilespmem:s17], [sflag:$0x5], $0x40, s3, s18, $0xb8;
	[tilespmem:$0x1C400] =	vst v63  }
0x78: {  	_ =	swait.ge [sflag:s31], $0x2000  }
0x79: {  	[sflag:s31] =	ssyncset.done $0x0  }
0x7a: {  	s5 =	sadd.s32 $0x380, s29;
	[sflag:s31] =	ssyncadd.s32 $0xFFFFE000  }
0x7b: {  	[tilespmem:s24], [sflag:$0x4] =	stream.indirect.gather [hbm4b:s4+s18], $0x40, s5, s18, $0xb8;
	[tilespmem:$0x1C400] =	vst v63  }
0x7c: {  	_ =	swait.ge [sflag:s25], $0x2000  }
0x7d: {  	p0 =	seq.s32 s23, $0x13000;
	[sflag:s25] =	ssyncset.done $0x0  }
0x7e: {  	s6 =	sadd.s32 $0x5280, s29;
	s3 =	simm.s32 @p0 $0x3;
	[sflag:s25] =	ssyncadd.s32 $0xFFFFE000  }
0x7f: {  	[spmem:s2] =	stream.indirect.scatter.add.f32 [tilespmem:s19], [sflag:$0x6], $0x40, s6, s18, $0xb8;
	[tilespmem:$0x1C400] =	vst v63  }
0x80: {  	_ =	swait.ge @p0 [sflag:s3], $0x2000  }
0x81: {  	[sflag:s3] =	ssyncset.done @p0 $0x0  }
0x82: {  	[sflag:s3] =	ssyncadd.s32 @p0 $0xFFFFE000;
	s3 =	sshra.s32 @p0 s23, $0x2  }
0x83: {  	s5 =	simm.s32 @p0 $0x80;
	s6 =	simm.s32 @p0 $0xE000;
	s3 =	sadd.s32 @p0 $0x5300, s3  }
0x84: {  	[spmem:s2] =	stream.indirect.scatter.add.f32 @p0 [tilespmem:s6], [sflag:$0x7], $0x40, s3, s5, $0xb8;
	[tilespmem:$0x1C400] =	vst v63  }
0x85: {  	s3 =	simm.s32 @!p0 $0x5  }
0x86: {  	_ =	swait.ge @!p0 [sflag:s3], $0x2000  }
0x87: {  	[sflag:s3] =	ssyncset.done @!p0 $0x0  }
0x88: {  	[sflag:s3] =	ssyncadd.s32 @!p0 $0xFFFFE000;
	s3 =	sshra.s32 @!p0 s23, $0x2  }
0x89: {  	s8 =	simm.s32 @!p0 $0xA000;
	s6 =	simm.s32 @!p0 $0x80;
	s5 =	sadd.s32 @!p0 $0x400, s3  }
0x8a: {  	[tilespmem:s8], [sflag:$0x1] =	stream.indirect.gather @!p0 [hbm4b:s4+s6], $0x40, s5, s6, $0xb8;
	[tilespmem:$0x1C400] =	vst v63  }
0x8b: {  	s5 =	simm.s32 @!p0 $0x3  }
0x8c: {  	_ =	swait.ge @!p0 [sflag:s5], $0x2000  }
0x8d: {  	[sflag:s5] =	ssyncset.done @!p0 $0x0  }
0x8e: {  	s8 =	simm.s32 @!p0 $0xE000;
	[sflag:s5] =	ssyncadd.s32 @!p0 $0xFFFFE000;
	s5 =	sadd.s32 @!p0 $0x5300, s3  }
0x8f: {  	[spmem:s2] =	stream.indirect.scatter.add.f32 @!p0 [tilespmem:s8], [sflag:$0x7], $0x40, s5, s6, $0xb8;
	[tilespmem:$0x1C400] =	vst v63  }
0x90: {  	s5 =	simm.s32 @!p0 $0x6  }
0x91: {  	_ =	swait.ge @!p0 [sflag:s5], $0x2000  }
0x92: {  	[sflag:s5] =	ssyncset.done @!p0 $0x0  }
0x93: {  	s3 =	sadd.s32 @!p0 $0x480, s3;
	[sflag:s5] =	ssyncadd.s32 @!p0 $0xFFFFE000;
	s5 =	simm.s32 @!p0 $0xC000  }
0x94: {  	[tilespmem:s5], [sflag:$0x2] =	stream.indirect.gather @!p0 [hbm4b:s4+s6], $0x40, s3, s6, $0xb8;
	[tilespmem:$0x1C400] =	vst v63  }
.Ltmp3:
0x95: {  	_ = 	snop;
	(pc) =	sbr.rel @p0 .LBB2_6-.Ltmp3, $4  }
0x96: {  	_ =	swait.ge [sflag:s20], $0x2000  }
0x97: {  	[sflag:s20] =	ssyncset.done $0x0  }
0x98: {  	s8 =	sadd.s32 $0x5380, s29;
	[sflag:s20] =	ssyncadd.s32 $0xFFFFE000  }
0x99: {  	[spmem:s2] =	stream.indirect.scatter.add.f32 [tilespmem:s24], [sflag:$0x8], $0x40, s8, s18, $0xb8;
	[tilespmem:$0x1C400] =	vst v63  }
.Ltmp4:
0x9a: {  	(pc) =	sbr.rel .LBB2_4-.Ltmp4, $4  }
0x9b: {  	_ =	swait.ge [sflag:s26], $0x2000  }
0x9c: {  	[sflag:s26] =	ssyncset.done $0x0  }
0x9d: {  	s3 =	sadd.s32 $0x500, s29;
	s23 =	sadd.s32 $0x800, s23;
	[sflag:s26] =	ssyncadd.s32 $0xFFFFE000  }
0x9e: {  	[tilespmem:s21], [sflag:$0x3] =	stream.indirect.gather [hbm4b:s4+s18], $0x40, s3, s18, $0xb8;
	[tilespmem:$0x1C400] =	vst v63  }
.LBB2_7:
0x9f: {  	_ =	sfence.sel $0x180000  }
0xa0: {  	[bflag:$0x0] =	sbarrier.arrive $0xFFFF  }
0xa1: {  	_ =	strace $0x90000047  }
0xa2: {  	s0 =	stileid.u32;
	[bflag:$0x2] =	sbarrier.arrive $0xFFFF  }
0xa3: {  	p0 =	sne.s32 s0, $0x0;
	s0 =	rddreg [dreg:$0x2]  }
0xa4: {  	s0 =	sadd.s32 @!p0 $0x100000, s0  }
0xa5: {  	[sflag:s0] =	ssyncadd.tile.s32 @!p0 $0x1;
	_ =	shalt  }
.Lfunc_end2:
_tile_overlayer_lowered:
.L_overlay_start_2:
0xa6: {  	(tag) =	ssettag $0x2  }
0xa7: {  	s0 =	rddreg [dreg:$0x0];
	s2 =	stileid.u32  }
0xa8: {  	s1 =	rddreg [dreg:$0x1];
	p0 =	sne.s32 s2, $0x0  }
0xa9: {  	s3 =	rddreg [dreg:$0x2];
	[bflag:$0x3] =	sbarrier.arrive $0xFFFF;
	s2 =	simm.s32 @!p0 $0x1C09  }
0xaa: {  	[timem:s3], [sflag:s2] =	dma.local @!p0 [hbm:s0], s1  }
0xab: {  	s0 =	simm.s32 @!p0 $0x9  }
0xac: {  	_ =	swait.ge @!p0 [sflag:s0], s1  }
0xad: {  	s1 =	ssub.s32 @!p0 $0x0, s1;
	[sflag:s0] =	ssyncset.done @!p0 $0x0  }
0xae: {  	[sflag:s0] =	ssyncadd.s32 @!p0 s1  }
0xaf: {  	[bflag:$0x3] =	sbarrier.arrive $0xFFFF  }
0xb0: {  	_ =	shalt  }

</sc_bundles>
